<compile_context>
chip_gen: v7x
topology: tpu7x:2x2x1
jax: 0.10.2.dev20260603
libtpu: 0.0.44.dev20260713+nightly
codegen_flags: <defaults>
</compile_context>

<pallas_src>
import functools

import jax
import jax.numpy as jnp
from jax import lax
from jax.experimental import pallas as pl
from jax.experimental.pallas import tpu as pltpu
from jax.experimental.pallas import tpu_sc as plsc

NW = 32
CHUNK = 128
NBUF = 10


@functools.lru_cache(maxsize=None)
def _build(B, D):
    assert B % (NW * CHUNK * NBUF) == 0
    bpw = B // NW
    ngroup = bpw // (CHUNK * NBUF)
    mesh = plsc.VectorSubcoreMesh(core_axis_name="c", subcore_axis_name="s")

    @functools.partial(
        pl.kernel,
        mesh=mesh,
        compiler_params=pltpu.CompilerParams(use_tc_tiling_on_sc=False),
        out_type=jax.ShapeDtypeStruct((B, D), jnp.float32),
        scratch_types=[
            pltpu.VMEM((bpw,), jnp.int32),
            pltpu.VMEM((bpw,), jnp.int32),
            pltpu.VMEM((bpw,), jnp.int32),
            pltpu.VMEM((NBUF, CHUNK, D), jnp.float32),
            pltpu.SemaphoreType.DMA((NBUF,)),
            pltpu.SemaphoreType.DMA((NBUF,)),
            pltpu.SemaphoreType.DMA((NBUF,)),
        ],
    )
    def embed(eidx_hbm, pidx_hbm, sidx_hbm, etab, ptab, stab, out,
              eidx, pidx, sidx, buf, sem_e, sem_a, sem_o):
        wid = lax.axis_index("s") * 2 + lax.axis_index("c")
        base = wid * bpw
        pltpu.sync_copy(eidx_hbm.at[pl.ds(base, bpw)], eidx)
        pltpu.sync_copy(pidx_hbm.at[pl.ds(base, bpw)], pidx)
        pltpu.sync_copy(sidx_hbm.at[pl.ds(base, bpw)], sidx)

        def group_body(g, carry):
            goff = g * (NBUF * CHUNK)
            ce = []
            for b in range(NBUF):
                off = goff + b * CHUNK
                ce.append(pltpu.async_copy(
                    etab.at[eidx.at[pl.ds(off, CHUNK)]], buf.at[b],
                    sem_e.at[b]))
            ca = []
            for b in range(NBUF):
                off = goff + b * CHUNK
                ce[b].wait()
                ca.append(pltpu.async_copy(
                    ptab.at[pidx.at[pl.ds(off, CHUNK)]], buf.at[b],
                    sem_a.at[b], add=True))
                ca.append(pltpu.async_copy(
                    stab.at[sidx.at[pl.ds(off, CHUNK)]], buf.at[b],
                    sem_a.at[b], add=True))
            co = []
            for b in range(NBUF):
                off = goff + b * CHUNK
                ca[2 * b].wait()
                ca[2 * b + 1].wait()
                co.append(pltpu.async_copy(
                    buf.at[b], out.at[pl.ds(base + off, CHUNK)], sem_o.at[b]))
            for b in range(NBUF):
                co[b].wait()
            return carry

        lax.fori_loop(0, ngroup, group_body, 0)

    return embed


def kernel(inp, pref, suffixes, chrs, input_table, prefix_table, suffix_table):
    batch, seq = inp.shape
    D = input_table.shape[1]
    B = batch * seq
    e = inp.reshape(B).astype(jnp.int32)
    p = pref.reshape(B).astype(jnp.int32)
    s = suffixes.reshape(B).astype(jnp.int32)
    out = _build(B, D)(e, p, s, input_table, prefix_table, suffix_table)
    return out.reshape(batch, seq, D)

# --- scband reference (transcript-rebuilt; emitter-appended) ---
"""Pipeline reference for scband-suffix-and-prefix-embedder-66159676227955 (READ-ONLY COPY).

The authoritative reference and input builder live on the scoring server;
editing this copy changes nothing except your own understanding.
"""

import jax, jax.numpy as jnp
import numpy as np

BATCH = 4096
SEQ = 50
INPUT_SIZE = 100000
PREFIX_SIZE = 5000
SUFFIX_SIZE = 5000
EMBED_DIM = 64


def setup_inputs(seed: int = 0) -> dict:
    key = jax.random.key(seed)
    k1, k2, k3, k4, k5, k6, k7 = jax.random.split(key, 7)
    inp = jax.random.randint(k1, (BATCH, SEQ), 0, INPUT_SIZE, dtype=jnp.int64 if jax.config.jax_enable_x64 else jnp.int32)
    pref = jax.random.randint(k2, (BATCH, SEQ), 0, PREFIX_SIZE, dtype=inp.dtype)
    suffixes = jax.random.randint(k3, (BATCH, SEQ), 0, SUFFIX_SIZE, dtype=inp.dtype)
    chrs = jax.random.randint(k4, (BATCH, SEQ), 0, 100, dtype=inp.dtype)
    # Embedding tables (padding_idx=0 -> row 0 initialized to zeros, as in nn.Embedding)
    input_table = jax.random.normal(k5, (INPUT_SIZE, EMBED_DIM), dtype=jnp.float32)
    input_table = input_table.at[0].set(0.0)
    prefix_table = jax.random.normal(k6, (PREFIX_SIZE, EMBED_DIM), dtype=jnp.float32)
    prefix_table = prefix_table.at[0].set(0.0)
    suffix_table = jax.random.normal(k7, (SUFFIX_SIZE, EMBED_DIM), dtype=jnp.float32)
    suffix_table = suffix_table.at[0].set(0.0)
    return {
        "inp": inp,
        "pref": pref,
        "suffixes": suffixes,
        "chrs": chrs,
        "input_table": input_table,
        "prefix_table": prefix_table,
        "suffix_table": suffix_table,
    }


def reference(inp, pref, suffixes, chrs, input_table, prefix_table, suffix_table):
    batch_size, seq_len = inp.shape
    e = jnp.take(input_table, inp, axis=0).reshape(batch_size, -1)
    p = jnp.take(prefix_table, pref, axis=0).reshape(batch_size, -1)
    s = jnp.take(suffix_table, suffixes, axis=0).reshape(batch_size, -1)
    out = e + p + s
    return out.reshape(batch_size, seq_len, -1)

if __name__ == "__main__":
    import jax
    _d = setup_inputs()
    print(jax.jit(kernel)(*tuple(_d.values())))

</pallas_src>

<mosaic_0001>
#map = affine_map<(d0, d1) -> (0)>
#map1 = affine_map<(d0, d1) -> (0, 0)>
module attributes {stable_mosaic.version = 14 : i64} {
  func.func @embed(%arg0: i32, %arg1: i32, %arg2: memref<204800xi32, #tpu.memory_space<hbm>>, %arg3: memref<204800xi32, #tpu.memory_space<hbm>>, %arg4: memref<204800xi32, #tpu.memory_space<hbm>>, %arg5: memref<100000x64xf32, #tpu.memory_space<hbm>>, %arg6: memref<5000x64xf32, #tpu.memory_space<hbm>>, %arg7: memref<5000x64xf32, #tpu.memory_space<hbm>>, %arg8: memref<204800x64xf32, #tpu.memory_space<hbm>>, %arg9: memref<6400xi32, #tpu.memory_space<vmem>>, %arg10: memref<6400xi32, #tpu.memory_space<vmem>>, %arg11: memref<6400xi32, #tpu.memory_space<vmem>>, %arg12: memref<10x128x64xf32, #tpu.memory_space<vmem>>, %arg13: memref<10x!tpu.dma_semaphore, #tpu.memory_space<semaphore_mem>>, %arg14: memref<10x!tpu.dma_semaphore, #tpu.memory_space<semaphore_mem>>, %arg15: memref<10x!tpu.dma_semaphore, #tpu.memory_space<semaphore_mem>>) attributes {dimension_semantics = [#tpu.dimension_semantics<core_parallel>, #tpu.dimension_semantics<subcore_parallel>], iteration_bounds = array<i64: 2, 16>, scalar_prefetch = 0 : i64, scratch_operands = 7 : i64, tpu.core_type = #tpu.core_type<sc_vector_subcore>, window_params = [{transform_indices = #map}, {transform_indices = #map}, {transform_indices = #map}, {transform_indices = #map1}, {transform_indices = #map1}, {transform_indices = #map1}, {transform_indices = #map1}]} {
    %mul3A = arith.constant 2 : i32
    %mul3A_0 = arith.muli %arg1, %mul3A : i32
    %add3A = arith.addi %mul3A_0, %arg0 : i32
    %mul3A_1 = arith.constant 6400 : i32
    %mul3A_2 = arith.muli %add3A, %mul3A_1 : i32
    "tpu.region"() ({
      %run_scoped3A = tpu.sem_alloc : memref<!tpu.dma_semaphore, #tpu.memory_space<semaphore_mem>>
      %dma_start3A = tpu.memref_slice %arg2[%mul3A_2] : memref<204800xi32, #tpu.memory_space<hbm>> -> memref<6400xi32, #tpu.memory_space<hbm>>
      %dma_start3A_8 = tpu.memref_slice %arg2[%mul3A_2] : memref<204800xi32, #tpu.memory_space<hbm>> -> memref<6400xi32, #tpu.memory_space<hbm>>
      tpu.enqueue_dma source(%dma_start3A_8 : memref<6400xi32, #tpu.memory_space<hbm>>) target(%arg9 : memref<6400xi32, #tpu.memory_space<vmem>>) target_semaphore(%run_scoped3A : memref<!tpu.dma_semaphore, #tpu.memory_space<semaphore_mem>>)
      %dma_wait3A = tpu.memref_slice %arg2[%mul3A_2] : memref<204800xi32, #tpu.memory_space<hbm>> -> memref<6400xi32, #tpu.memory_space<hbm>>
      %dma_wait3A_9 = tpu.memref_slice %arg2[%mul3A_2] : memref<204800xi32, #tpu.memory_space<hbm>> -> memref<6400xi32, #tpu.memory_space<hbm>>
      tpu.wait_dma2 semaphore(%run_scoped3A : memref<!tpu.dma_semaphore, #tpu.memory_space<semaphore_mem>>) src(%dma_wait3A_9 : memref<6400xi32, #tpu.memory_space<hbm>>) dst(%arg9 : memref<6400xi32, #tpu.memory_space<vmem>>)
      tpu.yield
    }) : () -> ()
    "tpu.region"() ({
      %run_scoped3A = tpu.sem_alloc : memref<!tpu.dma_semaphore, #tpu.memory_space<semaphore_mem>>
      %dma_start3A = tpu.memref_slice %arg3[%mul3A_2] : memref<204800xi32, #tpu.memory_space<hbm>> -> memref<6400xi32, #tpu.memory_space<hbm>>
      %dma_start3A_8 = tpu.memref_slice %arg3[%mul3A_2] : memref<204800xi32, #tpu.memory_space<hbm>> -> memref<6400xi32, #tpu.memory_space<hbm>>
      tpu.enqueue_dma source(%dma_start3A_8 : memref<6400xi32, #tpu.memory_space<hbm>>) target(%arg10 : memref<6400xi32, #tpu.memory_space<vmem>>) target_semaphore(%run_scoped3A : memref<!tpu.dma_semaphore, #tpu.memory_space<semaphore_mem>>)
      %dma_wait3A = tpu.memref_slice %arg3[%mul3A_2] : memref<204800xi32, #tpu.memory_space<hbm>> -> memref<6400xi32, #tpu.memory_space<hbm>>
      %dma_wait3A_9 = tpu.memref_slice %arg3[%mul3A_2] : memref<204800xi32, #tpu.memory_space<hbm>> -> memref<6400xi32, #tpu.memory_space<hbm>>
      tpu.wait_dma2 semaphore(%run_scoped3A : memref<!tpu.dma_semaphore, #tpu.memory_space<semaphore_mem>>) src(%dma_wait3A_9 : memref<6400xi32, #tpu.memory_space<hbm>>) dst(%arg10 : memref<6400xi32, #tpu.memory_space<vmem>>)
      tpu.yield
    }) : () -> ()
    "tpu.region"() ({
      %run_scoped3A = tpu.sem_alloc : memref<!tpu.dma_semaphore, #tpu.memory_space<semaphore_mem>>
      %dma_start3A = tpu.memref_slice %arg4[%mul3A_2] : memref<204800xi32, #tpu.memory_space<hbm>> -> memref<6400xi32, #tpu.memory_space<hbm>>
      %dma_start3A_8 = tpu.memref_slice %arg4[%mul3A_2] : memref<204800xi32, #tpu.memory_space<hbm>> -> memref<6400xi32, #tpu.memory_space<hbm>>
      tpu.enqueue_dma source(%dma_start3A_8 : memref<6400xi32, #tpu.memory_space<hbm>>) target(%arg11 : memref<6400xi32, #tpu.memory_space<vmem>>) target_semaphore(%run_scoped3A : memref<!tpu.dma_semaphore, #tpu.memory_space<semaphore_mem>>)
      %dma_wait3A = tpu.memref_slice %arg4[%mul3A_2] : memref<204800xi32, #tpu.memory_space<hbm>> -> memref<6400xi32, #tpu.memory_space<hbm>>
      %dma_wait3A_9 = tpu.memref_slice %arg4[%mul3A_2] : memref<204800xi32, #tpu.memory_space<hbm>> -> memref<6400xi32, #tpu.memory_space<hbm>>
      tpu.wait_dma2 semaphore(%run_scoped3A : memref<!tpu.dma_semaphore, #tpu.memory_space<semaphore_mem>>) src(%dma_wait3A_9 : memref<6400xi32, #tpu.memory_space<hbm>>) dst(%arg11 : memref<6400xi32, #tpu.memory_space<vmem>>)
      tpu.yield
    }) : () -> ()
    %scan3A = arith.constant 0 : i32
    %scan3A_3 = arith.constant 0 : i32
    %scan3A_4 = arith.constant 5 : i32
    %scan3A_5 = arith.addi %scan3A_3, %scan3A_4 : i32
    %scan3A_6 = arith.constant 1 : i32
    scf.for %scan3A_8 = %scan3A_3 to %scan3A_5 step %scan3A_6  : i32 {
      %mul3A_9 = arith.constant 1280 : i32
      %mul3A_10 = arith.muli %scan3A_8, %mul3A_9 : i32
      %add3A_11 = arith.constant 0 : i32
      %add3A_12 = arith.addi %mul3A_10, %add3A_11 : i32
      %dma_start3A = arith.constant 0 : i32
      %dma_start3A_13 = arith.constant 0 : i32
      %dma_start3A_14 = arith.constant 0 : i32
      %dma_start3A_15 = arith.constant 0 : i32
      %dma_start3A_16 = tpu.memref_slice %arg12[%dma_start3A, %dma_start3A_14, %dma_start3A_15] : memref<10x128x64xf32, #tpu.memory_space<vmem>> -> memref<1x128x64xf32, #tpu.memory_space<vmem>>
      %dma_start3A_17 = tpu.memref_squeeze %dma_start3A_16 : memref<1x128x64xf32, #tpu.memory_space<vmem>> -> memref<128x64xf32, #tpu.memory_space<vmem>>
      %dma_start3A_18 = tpu.memref_slice %arg9[%add3A_12] : memref<6400xi32, #tpu.memory_space<vmem>> -> memref<128xi32, #tpu.memory_space<vmem>>
      %dma_start3A_19 = arith.constant 0 : i32
      %dma_start3A_20 = arith.constant 0 : i32
      %dma_start3A_21 = tpu.memref_slice %arg5[%dma_start3A_19, %dma_start3A_20] : memref<100000x64xf32, #tpu.memory_space<hbm>> -> memref<100000x64xf32, #tpu.memory_space<hbm>>
      %dma_start3A_22 = tpu.memref_slice %arg13[%dma_start3A_13] : memref<10x!tpu.dma_semaphore, #tpu.memory_space<semaphore_mem>> -> memref<1x!tpu.dma_semaphore, #tpu.memory_space<semaphore_mem>>
      %dma_start3A_23 = tpu.memref_squeeze %dma_start3A_22 : memref<1x!tpu.dma_semaphore, #tpu.memory_space<semaphore_mem>> -> memref<!tpu.dma_semaphore, #tpu.memory_space<semaphore_mem>>
      tpu.enqueue_indirect_dma source(%dma_start3A_21 : memref<100000x64xf32, #tpu.memory_space<hbm>>) target(%dma_start3A_17 : memref<128x64xf32, #tpu.memory_space<vmem>>) offsets(%dma_start3A_18 : memref<128xi32, #tpu.memory_space<vmem>>) semaphore(%dma_start3A_23 : memref<!tpu.dma_semaphore, #tpu.memory_space<semaphore_mem>>)
      %add3A_24 = arith.constant 128 : i32
      %add3A_25 = arith.addi %mul3A_10, %add3A_24 : i32
      %dma_start3A_26 = arith.constant 1 : i32
      %dma_start3A_27 = arith.constant 1 : i32
      %dma_start3A_28 = arith.constant 0 : i32
      %dma_start3A_29 = arith.constant 0 : i32
      %dma_start3A_30 = tpu.memref_slice %arg12[%dma_start3A_26, %dma_start3A_28, %dma_start3A_29] : memref<10x128x64xf32, #tpu.memory_space<vmem>> -> memref<1x128x64xf32, #tpu.memory_space<vmem>>
      %dma_start3A_31 = tpu.memref_squeeze %dma_start3A_30 : memref<1x128x64xf32, #tpu.memory_space<vmem>> -> memref<128x64xf32, #tpu.memory_space<vmem>>
      %dma_start3A_32 = tpu.memref_slice %arg9[%add3A_25] : memref<6400xi32, #tpu.memory_space<vmem>> -> memref<128xi32, #tpu.memory_space<vmem>>
      %dma_start3A_33 = arith.constant 0 : i32
      %dma_start3A_34 = arith.constant 0 : i32
      %dma_start3A_35 = tpu.memref_slice %arg5[%dma_start3A_33, %dma_start3A_34] : memref<100000x64xf32, #tpu.memory_space<hbm>> -> memref<100000x64xf32, #tpu.memory_space<hbm>>
      %dma_start3A_36 = tpu.memref_slice %arg13[%dma_start3A_27] : memref<10x!tpu.dma_semaphore, #tpu.memory_space<semaphore_mem>> -> memref<1x!tpu.dma_semaphore, #tpu.memory_space<semaphore_mem>>
      %dma_start3A_37 = tpu.memref_squeeze %dma_start3A_36 : memref<1x!tpu.dma_semaphore, #tpu.memory_space<semaphore_mem>> -> memref<!tpu.dma_semaphore, #tpu.memory_space<semaphore_mem>>
      tpu.enqueue_indirect_dma source(%dma_start3A_35 : memref<100000x64xf32, #tpu.memory_space<hbm>>) target(%dma_start3A_31 : memref<128x64xf32, #tpu.memory_space<vmem>>) offsets(%dma_start3A_32 : memref<128xi32, #tpu.memory_space<vmem>>) semaphore(%dma_start3A_37 : memref<!tpu.dma_semaphore, #tpu.memory_space<semaphore_mem>>)
      %add3A_38 = arith.constant 256 : i32
      %add3A_39 = arith.addi %mul3A_10, %add3A_38 : i32
      %dma_start3A_40 = arith.constant 2 : i32
      %dma_start3A_41 = arith.constant 2 : i32
      %dma_start3A_42 = arith.constant 0 : i32
      %dma_start3A_43 = arith.constant 0 : i32
      %dma_start3A_44 = tpu.memref_slice %arg12[%dma_start3A_40, %dma_start3A_42, %dma_start3A_43] : memref<10x128x64xf32, #tpu.memory_space<vmem>> -> memref<1x128x64xf32, #tpu.memory_space<vmem>>
      %dma_start3A_45 = tpu.memref_squeeze %dma_start3A_44 : memref<1x128x64xf32, #tpu.memory_space<vmem>> -> memref<128x64xf32, #tpu.memory_space<vmem>>
      %dma_start3A_46 = tpu.memref_slice %arg9[%add3A_39] : memref<6400xi32, #tpu.memory_space<vmem>> -> memref<128xi32, #tpu.memory_space<vmem>>
      %dma_start3A_47 = arith.constant 0 : i32
      %dma_start3A_48 = arith.constant 0 : i32
      %dma_start3A_49 = tpu.memref_slice %arg5[%dma_start3A_47, %dma_start3A_48] : memref<100000x64xf32, #tpu.memory_space<hbm>> -> memref<100000x64xf32, #tpu.memory_space<hbm>>
      %dma_start3A_50 = tpu.memref_slice %arg13[%dma_start3A_41] : memref<10x!tpu.dma_semaphore, #tpu.memory_space<semaphore_mem>> -> memref<1x!tpu.dma_semaphore, #tpu.memory_space<semaphore_mem>>
      %dma_start3A_51 = tpu.memref_squeeze %dma_start3A_50 : memref<1x!tpu.dma_semaphore, #tpu.memory_space<semaphore_mem>> -> memref<!tpu.dma_semaphore, #tpu.memory_space<semaphore_mem>>
      tpu.enqueue_indirect_dma source(%dma_start3A_49 : memref<100000x64xf32, #tpu.memory_space<hbm>>) target(%dma_start3A_45 : memref<128x64xf32, #tpu.memory_space<vmem>>) offsets(%dma_start3A_46 : memref<128xi32, #tpu.memory_space<vmem>>) semaphore(%dma_start3A_51 : memref<!tpu.dma_semaphore, #tpu.memory_space<semaphore_mem>>)
      %add3A_52 = arith.constant 384 : i32
      %add3A_53 = arith.addi %mul3A_10, %add3A_52 : i32
      %dma_start3A_54 = arith.constant 3 : i32
      %dma_start3A_55 = arith.constant 3 : i32
      %dma_start3A_56 = arith.constant 0 : i32
      %dma_start3A_57 = arith.constant 0 : i32
      %dma_start3A_58 = tpu.memref_slice %arg12[%dma_start3A_54, %dma_start3A_56, %dma_start3A_57] : memref<10x128x64xf32, #tpu.memory_space<vmem>> -> memref<1x128x64xf32, #tpu.memory_space<vmem>>
      %dma_start3A_59 = tpu.memref_squeeze %dma_start3A_58 : memref<1x128x64xf32, #tpu.memory_space<vmem>> -> memref<128x64xf32, #tpu.memory_space<vmem>>
      %dma_start3A_60 = tpu.memref_slice %arg9[%add3A_53] : memref<6400xi32, #tpu.memory_space<vmem>> -> memref<128xi32, #tpu.memory_space<vmem>>
      %dma_start3A_61 = arith.constant 0 : i32
      %dma_start3A_62 = arith.constant 0 : i32
      %dma_start3A_63 = tpu.memref_slice %arg5[%dma_start3A_61, %dma_start3A_62] : memref<100000x64xf32, #tpu.memory_space<hbm>> -> memref<100000x64xf32, #tpu.memory_space<hbm>>
      %dma_start3A_64 = tpu.memref_slice %arg13[%dma_start3A_55] : memref<10x!tpu.dma_semaphore, #tpu.memory_space<semaphore_mem>> -> memref<1x!tpu.dma_semaphore, #tpu.memory_space<semaphore_mem>>
      %dma_start3A_65 = tpu.memref_squeeze %dma_start3A_64 : memref<1x!tpu.dma_semaphore, #tpu.memory_space<semaphore_mem>> -> memref<!tpu.dma_semaphore, #tpu.memory_space<semaphore_mem>>
      tpu.enqueue_indirect_dma source(%dma_start3A_63 : memref<100000x64xf32, #tpu.memory_space<hbm>>) target(%dma_start3A_59 : memref<128x64xf32, #tpu.memory_space<vmem>>) offsets(%dma_start3A_60 : memref<128xi32, #tpu.memory_space<vmem>>) semaphore(%dma_start3A_65 : memref<!tpu.dma_semaphore, #tpu.memory_space<semaphore_mem>>)
      %add3A_66 = arith.constant 512 : i32
      %add3A_67 = arith.addi %mul3A_10, %add3A_66 : i32
      %dma_start3A_68 = arith.constant 4 : i32
      %dma_start3A_69 = arith.constant 4 : i32
      %dma_start3A_70 = arith.constant 0 : i32
      %dma_start3A_71 = arith.constant 0 : i32
      %dma_start3A_72 = tpu.memref_slice %arg12[%dma_start3A_68, %dma_start3A_70, %dma_start3A_71] : memref<10x128x64xf32, #tpu.memory_space<vmem>> -> memref<1x128x64xf32, #tpu.memory_space<vmem>>
      %dma_start3A_73 = tpu.memref_squeeze %dma_start3A_72 : memref<1x128x64xf32, #tpu.memory_space<vmem>> -> memref<128x64xf32, #tpu.memory_space<vmem>>
      %dma_start3A_74 = tpu.memref_slice %arg9[%add3A_67] : memref<6400xi32, #tpu.memory_space<vmem>> -> memref<128xi32, #tpu.memory_space<vmem>>
      %dma_start3A_75 = arith.constant 0 : i32
      %dma_start3A_76 = arith.constant 0 : i32
      %dma_start3A_77 = tpu.memref_slice %arg5[%dma_start3A_75, %dma_start3A_76] : memref<100000x64xf32, #tpu.memory_space<hbm>> -> memref<100000x64xf32, #tpu.memory_space<hbm>>
      %dma_start3A_78 = tpu.memref_slice %arg13[%dma_start3A_69] : memref<10x!tpu.dma_semaphore, #tpu.memory_space<semaphore_mem>> -> memref<1x!tpu.dma_semaphore, #tpu.memory_space<semaphore_mem>>
      %dma_start3A_79 = tpu.memref_squeeze %dma_start3A_78 : memref<1x!tpu.dma_semaphore, #tpu.memory_space<semaphore_mem>> -> memref<!tpu.dma_semaphore, #tpu.memory_space<semaphore_mem>>
      tpu.enqueue_indirect_dma source(%dma_start3A_77 : memref<100000x64xf32, #tpu.memory_space<hbm>>) target(%dma_start3A_73 : memref<128x64xf32, #tpu.memory_space<vmem>>) offsets(%dma_start3A_74 : memref<128xi32, #tpu.memory_space<vmem>>) semaphore(%dma_start3A_79 : memref<!tpu.dma_semaphore, #tpu.memory_space<semaphore_mem>>)
      %add3A_80 = arith.constant 640 : i32
      %add3A_81 = arith.addi %mul3A_10, %add3A_80 : i32
      %dma_start3A_82 = arith.constant 5 : i32
      %dma_start3A_83 = arith.constant 5 : i32
      %dma_start3A_84 = arith.constant 0 : i32
      %dma_start3A_85 = arith.constant 0 : i32
      %dma_start3A_86 = tpu.memref_slice %arg12[%dma_start3A_82, %dma_start3A_84, %dma_start3A_85] : memref<10x128x64xf32, #tpu.memory_space<vmem>> -> memref<1x128x64xf32, #tpu.memory_space<vmem>>
      %dma_start3A_87 = tpu.memref_squeeze %dma_start3A_86 : memref<1x128x64xf32, #tpu.memory_space<vmem>> -> memref<128x64xf32, #tpu.memory_space<vmem>>
      %dma_start3A_88 = tpu.memref_slice %arg9[%add3A_81] : memref<6400xi32, #tpu.memory_space<vmem>> -> memref<128xi32, #tpu.memory_space<vmem>>
      %dma_start3A_89 = arith.constant 0 : i32
      %dma_start3A_90 = arith.constant 0 : i32
      %dma_start3A_91 = tpu.memref_slice %arg5[%dma_start3A_89, %dma_start3A_90] : memref<100000x64xf32, #tpu.memory_space<hbm>> -> memref<100000x64xf32, #tpu.memory_space<hbm>>
      %dma_start3A_92 = tpu.memref_slice %arg13[%dma_start3A_83] : memref<10x!tpu.dma_semaphore, #tpu.memory_space<semaphore_mem>> -> memref<1x!tpu.dma_semaphore, #tpu.memory_space<semaphore_mem>>
      %dma_start3A_93 = tpu.memref_squeeze %dma_start3A_92 : memref<1x!tpu.dma_semaphore, #tpu.memory_space<semaphore_mem>> -> memref<!tpu.dma_semaphore, #tpu.memory_space<semaphore_mem>>
      tpu.enqueue_indirect_dma source(%dma_start3A_91 : memref<100000x64xf32, #tpu.memory_space<hbm>>) target(%dma_start3A_87 : memref<128x64xf32, #tpu.memory_space<vmem>>) offsets(%dma_start3A_88 : memref<128xi32, #tpu.memory_space<vmem>>) semaphore(%dma_start3A_93 : memref<!tpu.dma_semaphore, #tpu.memory_space<semaphore_mem>>)
      %add3A_94 = arith.constant 768 : i32
      %add3A_95 = arith.addi %mul3A_10, %add3A_94 : i32
      %dma_start3A_96 = arith.constant 6 : i32
      %dma_start3A_97 = arith.constant 6 : i32
      %dma_start3A_98 = arith.constant 0 : i32
      %dma_start3A_99 = arith.constant 0 : i32
      %dma_start3A_100 = tpu.memref_slice %arg12[%dma_start3A_96, %dma_start3A_98, %dma_start3A_99] : memref<10x128x64xf32, #tpu.memory_space<vmem>> -> memref<1x128x64xf32, #tpu.memory_space<vmem>>
      %dma_start3A_101 = tpu.memref_squeeze %dma_start3A_100 : memref<1x128x64xf32, #tpu.memory_space<vmem>> -> memref<128x64xf32, #tpu.memory_space<vmem>>
      %dma_start3A_102 = tpu.memref_slice %arg9[%add3A_95] : memref<6400xi32, #tpu.memory_space<vmem>> -> memref<128xi32, #tpu.memory_space<vmem>>
      %dma_start3A_103 = arith.constant 0 : i32
      %dma_start3A_104 = arith.constant 0 : i32
      %dma_start3A_105 = tpu.memref_slice %arg5[%dma_start3A_103, %dma_start3A_104] : memref<100000x64xf32, #tpu.memory_space<hbm>> -> memref<100000x64xf32, #tpu.memory_space<hbm>>
      %dma_start3A_106 = tpu.memref_slice %arg13[%dma_start3A_97] : memref<10x!tpu.dma_semaphore, #tpu.memory_space<semaphore_mem>> -> memref<1x!tpu.dma_semaphore, #tpu.memory_space<semaphore_mem>>
      %dma_start3A_107 = tpu.memref_squeeze %dma_start3A_106 : memref<1x!tpu.dma_semaphore, #tpu.memory_space<semaphore_mem>> -> memref<!tpu.dma_semaphore, #tpu.memory_space<semaphore_mem>>
      tpu.enqueue_indirect_dma source(%dma_start3A_105 : memref<100000x64xf32, #tpu.memory_space<hbm>>) target(%dma_start3A_101 : memref<128x64xf32, #tpu.memory_space<vmem>>) offsets(%dma_start3A_102 : memref<128xi32, #tpu.memory_space<vmem>>) semaphore(%dma_start3A_107 : memref<!tpu.dma_semaphore, #tpu.memory_space<semaphore_mem>>)
      %add3A_108 = arith.constant 896 : i32
      %add3A_109 = arith.addi %mul3A_10, %add3A_108 : i32
      %dma_start3A_110 = arith.constant 7 : i32
      %dma_start3A_111 = arith.constant 7 : i32
      %dma_start3A_112 = arith.constant 0 : i32
      %dma_start3A_113 = arith.constant 0 : i32
      %dma_start3A_114 = tpu.memref_slice %arg12[%dma_start3A_110, %dma_start3A_112, %dma_start3A_113] : memref<10x128x64xf32, #tpu.memory_space<vmem>> -> memref<1x128x64xf32, #tpu.memory_space<vmem>>
      %dma_start3A_115 = tpu.memref_squeeze %dma_start3A_114 : memref<1x128x64xf32, #tpu.memory_space<vmem>> -> memref<128x64xf32, #tpu.memory_space<vmem>>
      %dma_start3A_116 = tpu.memref_slice %arg9[%add3A_109] : memref<6400xi32, #tpu.memory_space<vmem>> -> memref<128xi32, #tpu.memory_space<vmem>>
      %dma_start3A_117 = arith.constant 0 : i32
      %dma_start3A_118 = arith.constant 0 : i32
      %dma_start3A_119 = tpu.memref_slice %arg5[%dma_start3A_117, %dma_start3A_118] : memref<100000x64xf32, #tpu.memory_space<hbm>> -> memref<100000x64xf32, #tpu.memory_space<hbm>>
      %dma_start3A_120 = tpu.memref_slice %arg13[%dma_start3A_111] : memref<10x!tpu.dma_semaphore, #tpu.memory_space<semaphore_mem>> -> memref<1x!tpu.dma_semaphore, #tpu.memory_space<semaphore_mem>>
      %dma_start3A_121 = tpu.memref_squeeze %dma_start3A_120 : memref<1x!tpu.dma_semaphore, #tpu.memory_space<semaphore_mem>> -> memref<!tpu.dma_semaphore, #tpu.memory_space<semaphore_mem>>
      tpu.enqueue_indirect_dma source(%dma_start3A_119 : memref<100000x64xf32, #tpu.memory_space<hbm>>) target(%dma_start3A_115 : memref<128x64xf32, #tpu.memory_space<vmem>>) offsets(%dma_start3A_116 : memref<128xi32, #tpu.memory_space<vmem>>) semaphore(%dma_start3A_121 : memref<!tpu.dma_semaphore, #tpu.memory_space<semaphore_mem>>)
      %add3A_122 = arith.constant 1024 : i32
      %add3A_123 = arith.addi %mul3A_10, %add3A_122 : i32
      %dma_start3A_124 = arith.constant 8 : i32
      %dma_start3A_125 = arith.constant 8 : i32
      %dma_start3A_126 = arith.constant 0 : i32
      %dma_start3A_127 = arith.constant 0 : i32
      %dma_start3A_128 = tpu.memref_slice %arg12[%dma_start3A_124, %dma_start3A_126, %dma_start3A_127] : memref<10x128x64xf32, #tpu.memory_space<vmem>> -> memref<1x128x64xf32, #tpu.memory_space<vmem>>
      %dma_start3A_129 = tpu.memref_squeeze %dma_start3A_128 : memref<1x128x64xf32, #tpu.memory_space<vmem>> -> memref<128x64xf32, #tpu.memory_space<vmem>>
      %dma_start3A_130 = tpu.memref_slice %arg9[%add3A_123] : memref<6400xi32, #tpu.memory_space<vmem>> -> memref<128xi32, #tpu.memory_space<vmem>>
      %dma_start3A_131 = arith.constant 0 : i32
      %dma_start3A_132 = arith.constant 0 : i32
      %dma_start3A_133 = tpu.memref_slice %arg5[%dma_start3A_131, %dma_start3A_132] : memref<100000x64xf32, #tpu.memory_space<hbm>> -> memref<100000x64xf32, #tpu.memory_space<hbm>>
      %dma_start3A_134 = tpu.memref_slice %arg13[%dma_start3A_125] : memref<10x!tpu.dma_semaphore, #tpu.memory_space<semaphore_mem>> -> memref<1x!tpu.dma_semaphore, #tpu.memory_space<semaphore_mem>>
      %dma_start3A_135 = tpu.memref_squeeze %dma_start3A_134 : memref<1x!tpu.dma_semaphore, #tpu.memory_space<semaphore_mem>> -> memref<!tpu.dma_semaphore, #tpu.memory_space<semaphore_mem>>
      tpu.enqueue_indirect_dma source(%dma_start3A_133 : memref<100000x64xf32, #tpu.memory_space<hbm>>) target(%dma_start3A_129 : memref<128x64xf32, #tpu.memory_space<vmem>>) offsets(%dma_start3A_130 : memref<128xi32, #tpu.memory_space<vmem>>) semaphore(%dma_start3A_135 : memref<!tpu.dma_semaphore, #tpu.memory_space<semaphore_mem>>)
      %add3A_136 = arith.constant 1152 : i32
      %add3A_137 = arith.addi %mul3A_10, %add3A_136 : i32
      %dma_start3A_138 = arith.constant 9 : i32
      %dma_start3A_139 = arith.constant 9 : i32
      %dma_start3A_140 = arith.constant 0 : i32
      %dma_start3A_141 = arith.constant 0 : i32
      %dma_start3A_142 = tpu.memref_slice %arg12[%dma_start3A_138, %dma_start3A_140, %dma_start3A_141] : memref<10x128x64xf32, #tpu.memory_space<vmem>> -> memref<1x128x64xf32, #tpu.memory_space<vmem>>
      %dma_start3A_143 = tpu.memref_squeeze %dma_start3A_142 : memref<1x128x64xf32, #tpu.memory_space<vmem>> -> memref<128x64xf32, #tpu.memory_space<vmem>>
      %dma_start3A_144 = tpu.memref_slice %arg9[%add3A_137] : memref<6400xi32, #tpu.memory_space<vmem>> -> memref<128xi32, #tpu.memory_space<vmem>>
      %dma_start3A_145 = arith.constant 0 : i32
      %dma_start3A_146 = arith.constant 0 : i32
      %dma_start3A_147 = tpu.memref_slice %arg5[%dma_start3A_145, %dma_start3A_146] : memref<100000x64xf32, #tpu.memory_space<hbm>> -> memref<100000x64xf32, #tpu.memory_space<hbm>>
      %dma_start3A_148 = tpu.memref_slice %arg13[%dma_start3A_139] : memref<10x!tpu.dma_semaphore, #tpu.memory_space<semaphore_mem>> -> memref<1x!tpu.dma_semaphore, #tpu.memory_space<semaphore_mem>>
      %dma_start3A_149 = tpu.memref_squeeze %dma_start3A_148 : memref<1x!tpu.dma_semaphore, #tpu.memory_space<semaphore_mem>> -> memref<!tpu.dma_semaphore, #tpu.memory_space<semaphore_mem>>
      tpu.enqueue_indirect_dma source(%dma_start3A_147 : memref<100000x64xf32, #tpu.memory_space<hbm>>) target(%dma_start3A_143 : memref<128x64xf32, #tpu.memory_space<vmem>>) offsets(%dma_start3A_144 : memref<128xi32, #tpu.memory_space<vmem>>) semaphore(%dma_start3A_149 : memref<!tpu.dma_semaphore, #tpu.memory_space<semaphore_mem>>)
      %add3A_150 = arith.constant 0 : i32
      %add3A_151 = arith.addi %mul3A_10, %add3A_150 : i32
      %dma_wait3A = arith.constant 0 : i32
      %dma_wait3A_152 = arith.constant 0 : i32
      %dma_wait3A_153 = arith.constant 0 : i32
      %dma_wait3A_154 = arith.constant 0 : i32
      %dma_wait3A_155 = tpu.memref_slice %arg12[%dma_wait3A, %dma_wait3A_153, %dma_wait3A_154] : memref<10x128x64xf32, #tpu.memory_space<vmem>> -> memref<1x128x64xf32, #tpu.memory_space<vmem>>
      %dma_wait3A_156 = tpu.memref_squeeze %dma_wait3A_155 : memref<1x128x64xf32, #tpu.memory_space<vmem>> -> memref<128x64xf32, #tpu.memory_space<vmem>>
      %dma_wait3A_157 = tpu.memref_slice %arg9[%add3A_12] : memref<6400xi32, #tpu.memory_space<vmem>> -> memref<128xi32, #tpu.memory_space<vmem>>
      %dma_wait3A_158 = arith.constant 0 : i32
      %dma_wait3A_159 = arith.constant 0 : i32
      %dma_wait3A_160 = tpu.memref_slice %arg5[%dma_wait3A_158, %dma_wait3A_159] : memref<100000x64xf32, #tpu.memory_space<hbm>> -> memref<100000x64xf32, #tpu.memory_space<hbm>>
      %dma_wait3A_161 = tpu.memref_slice %arg13[%dma_wait3A_152] : memref<10x!tpu.dma_semaphore, #tpu.memory_space<semaphore_mem>> -> memref<1x!tpu.dma_semaphore, #tpu.memory_space<semaphore_mem>>
      %dma_wait3A_162 = tpu.memref_squeeze %dma_wait3A_161 : memref<1x!tpu.dma_semaphore, #tpu.memory_space<semaphore_mem>> -> memref<!tpu.dma_semaphore, #tpu.memory_space<semaphore_mem>>
      tpu.wait_indirect_dma semaphore(%dma_wait3A_162 : memref<!tpu.dma_semaphore, #tpu.memory_space<semaphore_mem>>) src(%dma_wait3A_160 : memref<100000x64xf32, #tpu.memory_space<hbm>>) dst(%dma_wait3A_156 : memref<128x64xf32, #tpu.memory_space<vmem>>)
      %dma_start3A_163 = arith.constant 0 : i32
      %dma_start3A_164 = arith.constant 0 : i32
      %dma_start3A_165 = arith.constant 0 : i32
      %dma_start3A_166 = arith.constant 0 : i32
      %dma_start3A_167 = tpu.memref_slice %arg12[%dma_start3A_163, %dma_start3A_165, %dma_start3A_166] : memref<10x128x64xf32, #tpu.memory_space<vmem>> -> memref<1x128x64xf32, #tpu.memory_space<vmem>>
      %dma_start3A_168 = tpu.memref_squeeze %dma_start3A_167 : memref<1x128x64xf32, #tpu.memory_space<vmem>> -> memref<128x64xf32, #tpu.memory_space<vmem>>
      %dma_start3A_169 = tpu.memref_slice %arg10[%add3A_151] : memref<6400xi32, #tpu.memory_space<vmem>> -> memref<128xi32, #tpu.memory_space<vmem>>
      %dma_start3A_170 = arith.constant 0 : i32
      %dma_start3A_171 = arith.constant 0 : i32
      %dma_start3A_172 = tpu.memref_slice %arg6[%dma_start3A_170, %dma_start3A_171] : memref<5000x64xf32, #tpu.memory_space<hbm>> -> memref<5000x64xf32, #tpu.memory_space<hbm>>
      %dma_start3A_173 = tpu.memref_slice %arg14[%dma_start3A_164] : memref<10x!tpu.dma_semaphore, #tpu.memory_space<semaphore_mem>> -> memref<1x!tpu.dma_semaphore, #tpu.memory_space<semaphore_mem>>
      %dma_start3A_174 = tpu.memref_squeeze %dma_start3A_173 : memref<1x!tpu.dma_semaphore, #tpu.memory_space<semaphore_mem>> -> memref<!tpu.dma_semaphore, #tpu.memory_space<semaphore_mem>>
      tpu.enqueue_indirect_dma source(%dma_start3A_172 : memref<5000x64xf32, #tpu.memory_space<hbm>>) target(%dma_start3A_168 : memref<128x64xf32, #tpu.memory_space<vmem>>) offsets(%dma_start3A_169 : memref<128xi32, #tpu.memory_space<vmem>>) semaphore(%dma_start3A_174 : memref<!tpu.dma_semaphore, #tpu.memory_space<semaphore_mem>>) {add = true}
      %dma_start3A_175 = arith.constant 0 : i32
      %dma_start3A_176 = arith.constant 0 : i32
      %dma_start3A_177 = arith.constant 0 : i32
      %dma_start3A_178 = arith.constant 0 : i32
      %dma_start3A_179 = tpu.memref_slice %arg12[%dma_start3A_175, %dma_start3A_177, %dma_start3A_178] : memref<10x128x64xf32, #tpu.memory_space<vmem>> -> memref<1x128x64xf32, #tpu.memory_space<vmem>>
      %dma_start3A_180 = tpu.memref_squeeze %dma_start3A_179 : memref<1x128x64xf32, #tpu.memory_space<vmem>> -> memref<128x64xf32, #tpu.memory_space<vmem>>
      %dma_start3A_181 = tpu.memref_slice %arg11[%add3A_151] : memref<6400xi32, #tpu.memory_space<vmem>> -> memref<128xi32, #tpu.memory_space<vmem>>
      %dma_start3A_182 = arith.constant 0 : i32
      %dma_start3A_183 = arith.constant 0 : i32
      %dma_start3A_184 = tpu.memref_slice %arg7[%dma_start3A_182, %dma_start3A_183] : memref<5000x64xf32, #tpu.memory_space<hbm>> -> memref<5000x64xf32, #tpu.memory_space<hbm>>
      %dma_start3A_185 = tpu.memref_slice %arg14[%dma_start3A_176] : memref<10x!tpu.dma_semaphore, #tpu.memory_space<semaphore_mem>> -> memref<1x!tpu.dma_semaphore, #tpu.memory_space<semaphore_mem>>
      %dma_start3A_186 = tpu.memref_squeeze %dma_start3A_185 : memref<1x!tpu.dma_semaphore, #tpu.memory_space<semaphore_mem>> -> memref<!tpu.dma_semaphore, #tpu.memory_space<semaphore_mem>>
      tpu.enqueue_indirect_dma source(%dma_start3A_184 : memref<5000x64xf32, #tpu.memory_space<hbm>>) target(%dma_start3A_180 : memref<128x64xf32, #tpu.memory_space<vmem>>) offsets(%dma_start3A_181 : memref<128xi32, #tpu.memory_space<vmem>>) semaphore(%dma_start3A_186 : memref<!tpu.dma_semaphore, #tpu.memory_space<semaphore_mem>>) {add = true}
      %add3A_187 = arith.constant 128 : i32
      %add3A_188 = arith.addi %mul3A_10, %add3A_187 : i32
      %dma_wait3A_189 = arith.constant 1 : i32
      %dma_wait3A_190 = arith.constant 1 : i32
      %dma_wait3A_191 = arith.constant 0 : i32
      %dma_wait3A_192 = arith.constant 0 : i32
      %dma_wait3A_193 = tpu.memref_slice %arg12[%dma_wait3A_189, %dma_wait3A_191, %dma_wait3A_192] : memref<10x128x64xf32, #tpu.memory_space<vmem>> -> memref<1x128x64xf32, #tpu.memory_space<vmem>>
      %dma_wait3A_194 = tpu.memref_squeeze %dma_wait3A_193 : memref<1x128x64xf32, #tpu.memory_space<vmem>> -> memref<128x64xf32, #tpu.memory_space<vmem>>
      %dma_wait3A_195 = tpu.memref_slice %arg9[%add3A_25] : memref<6400xi32, #tpu.memory_space<vmem>> -> memref<128xi32, #tpu.memory_space<vmem>>
      %dma_wait3A_196 = arith.constant 0 : i32
      %dma_wait3A_197 = arith.constant 0 : i32
      %dma_wait3A_198 = tpu.memref_slice %arg5[%dma_wait3A_196, %dma_wait3A_197] : memref<100000x64xf32, #tpu.memory_space<hbm>> -> memref<100000x64xf32, #tpu.memory_space<hbm>>
      %dma_wait3A_199 = tpu.memref_slice %arg13[%dma_wait3A_190] : memref<10x!tpu.dma_semaphore, #tpu.memory_space<semaphore_mem>> -> memref<1x!tpu.dma_semaphore, #tpu.memory_space<semaphore_mem>>
      %dma_wait3A_200 = tpu.memref_squeeze %dma_wait3A_199 : memref<1x!tpu.dma_semaphore, #tpu.memory_space<semaphore_mem>> -> memref<!tpu.dma_semaphore, #tpu.memory_space<semaphore_mem>>
      tpu.wait_indirect_dma semaphore(%dma_wait3A_200 : memref<!tpu.dma_semaphore, #tpu.memory_space<semaphore_mem>>) src(%dma_wait3A_198 : memref<100000x64xf32, #tpu.memory_space<hbm>>) dst(%dma_wait3A_194 : memref<128x64xf32, #tpu.memory_space<vmem>>)
      %dma_start3A_201 = arith.constant 1 : i32
      %dma_start3A_202 = arith.constant 1 : i32
      %dma_start3A_203 = arith.constant 0 : i32
      %dma_start3A_204 = arith.constant 0 : i32
      %dma_start3A_205 = tpu.memref_slice %arg12[%dma_start3A_201, %dma_start3A_203, %dma_start3A_204] : memref<10x128x64xf32, #tpu.memory_space<vmem>> -> memref<1x128x64xf32, #tpu.memory_space<vmem>>
      %dma_start3A_206 = tpu.memref_squeeze %dma_start3A_205 : memref<1x128x64xf32, #tpu.memory_space<vmem>> -> memref<128x64xf32, #tpu.memory_space<vmem>>
      %dma_start3A_207 = tpu.memref_slice %arg10[%add3A_188] : memref<6400xi32, #tpu.memory_space<vmem>> -> memref<128xi32, #tpu.memory_space<vmem>>
      %dma_start3A_208 = arith.constant 0 : i32
      %dma_start3A_209 = arith.constant 0 : i32
      %dma_start3A_210 = tpu.memref_slice %arg6[%dma_start3A_208, %dma_start3A_209] : memref<5000x64xf32, #tpu.memory_space<hbm>> -> memref<5000x64xf32, #tpu.memory_space<hbm>>
      %dma_start3A_211 = tpu.memref_slice %arg14[%dma_start3A_202] : memref<10x!tpu.dma_semaphore, #tpu.memory_space<semaphore_mem>> -> memref<1x!tpu.dma_semaphore, #tpu.memory_space<semaphore_mem>>
      %dma_start3A_212 = tpu.memref_squeeze %dma_start3A_211 : memref<1x!tpu.dma_semaphore, #tpu.memory_space<semaphore_mem>> -> memref<!tpu.dma_semaphore, #tpu.memory_space<semaphore_mem>>
      tpu.enqueue_indirect_dma source(%dma_start3A_210 : memref<5000x64xf32, #tpu.memory_space<hbm>>) target(%dma_start3A_206 : memref<128x64xf32, #tpu.memory_space<vmem>>) offsets(%dma_start3A_207 : memref<128xi32, #tpu.memory_space<vmem>>) semaphore(%dma_start3A_212 : memref<!tpu.dma_semaphore, #tpu.memory_space<semaphore_mem>>) {add = true}
      %dma_start3A_213 = arith.constant 1 : i32
      %dma_start3A_214 = arith.constant 1 : i32
      %dma_start3A_215 = arith.constant 0 : i32
      %dma_start3A_216 = arith.constant 0 : i32
      %dma_start3A_217 = tpu.memref_slice %arg12[%dma_start3A_213, %dma_start3A_215, %dma_start3A_216] : memref<10x128x64xf32, #tpu.memory_space<vmem>> -> memref<1x128x64xf32, #tpu.memory_space<vmem>>
      %dma_start3A_218 = tpu.memref_squeeze %dma_start3A_217 : memref<1x128x64xf32, #tpu.memory_space<vmem>> -> memref<128x64xf32, #tpu.memory_space<vmem>>
      %dma_start3A_219 = tpu.memref_slice %arg11[%add3A_188] : memref<6400xi32, #tpu.memory_space<vmem>> -> memref<128xi32, #tpu.memory_space<vmem>>
      %dma_start3A_220 = arith.constant 0 : i32
      %dma_start3A_221 = arith.constant 0 : i32
      %dma_start3A_222 = tpu.memref_slice %arg7[%dma_start3A_220, %dma_start3A_221] : memref<5000x64xf32, #tpu.memory_space<hbm>> -> memref<5000x64xf32, #tpu.memory_space<hbm>>
      %dma_start3A_223 = tpu.memref_slice %arg14[%dma_start3A_214] : memref<10x!tpu.dma_semaphore, #tpu.memory_space<semaphore_mem>> -> memref<1x!tpu.dma_semaphore, #tpu.memory_space<semaphore_mem>>
      %dma_start3A_224 = tpu.memref_squeeze %dma_start3A_223 : memref<1x!tpu.dma_semaphore, #tpu.memory_space<semaphore_mem>> -> memref<!tpu.dma_semaphore, #tpu.memory_space<semaphore_mem>>
      tpu.enqueue_indirect_dma source(%dma_start3A_222 : memref<5000x64xf32, #tpu.memory_space<hbm>>) target(%dma_start3A_218 : memref<128x64xf32, #tpu.memory_space<vmem>>) offsets(%dma_start3A_219 : memref<128xi32, #tpu.memory_space<vmem>>) semaphore(%dma_start3A_224 : memref<!tpu.dma_semaphore, #tpu.memory_space<semaphore_mem>>) {add = true}
      %add3A_225 = arith.constant 256 : i32
      %add3A_226 = arith.addi %mul3A_10, %add3A_225 : i32
      %dma_wait3A_227 = arith.constant 2 : i32
      %dma_wait3A_228 = arith.constant 2 : i32
      %dma_wait3A_229 = arith.constant 0 : i32
      %dma_wait3A_230 = arith.constant 0 : i32
      %dma_wait3A_231 = tpu.memref_slice %arg12[%dma_wait3A_227, %dma_wait3A_229, %dma_wait3A_230] : memref<10x128x64xf32, #tpu.memory_space<vmem>> -> memref<1x128x64xf32, #tpu.memory_space<vmem>>
      %dma_wait3A_232 = tpu.memref_squeeze %dma_wait3A_231 : memref<1x128x64xf32, #tpu.memory_space<vmem>> -> memref<128x64xf32, #tpu.memory_space<vmem>>
      %dma_wait3A_233 = tpu.memref_slice %arg9[%add3A_39] : memref<6400xi32, #tpu.memory_space<vmem>> -> memref<128xi32, #tpu.memory_space<vmem>>
      %dma_wait3A_234 = arith.constant 0 : i32
      %dma_wait3A_235 = arith.constant 0 : i32
      %dma_wait3A_236 = tpu.memref_slice %arg5[%dma_wait3A_234, %dma_wait3A_235] : memref<100000x64xf32, #tpu.memory_space<hbm>> -> memref<100000x64xf32, #tpu.memory_space<hbm>>
      %dma_wait3A_237 = tpu.memref_slice %arg13[%dma_wait3A_228] : memref<10x!tpu.dma_semaphore, #tpu.memory_space<semaphore_mem>> -> memref<1x!tpu.dma_semaphore, #tpu.memory_space<semaphore_mem>>
      %dma_wait3A_238 = tpu.memref_squeeze %dma_wait3A_237 : memref<1x!tpu.dma_semaphore, #tpu.memory_space<semaphore_mem>> -> memref<!tpu.dma_semaphore, #tpu.memory_space<semaphore_mem>>
      tpu.wait_indirect_dma semaphore(%dma_wait3A_238 : memref<!tpu.dma_semaphore, #tpu.memory_space<semaphore_mem>>) src(%dma_wait3A_236 : memref<100000x64xf32, #tpu.memory_space<hbm>>) dst(%dma_wait3A_232 : memref<128x64xf32, #tpu.memory_space<vmem>>)
      %dma_start3A_239 = arith.constant 2 : i32
      %dma_start3A_240 = arith.constant 2 : i32
      %dma_start3A_241 = arith.constant 0 : i32
      %dma_start3A_242 = arith.constant 0 : i32
      %dma_start3A_243 = tpu.memref_slice %arg12[%dma_start3A_239, %dma_start3A_241, %dma_start3A_242] : memref<10x128x64xf32, #tpu.memory_space<vmem>> -> memref<1x128x64xf32, #tpu.memory_space<vmem>>
      %dma_start3A_244 = tpu.memref_squeeze %dma_start3A_243 : memref<1x128x64xf32, #tpu.memory_space<vmem>> -> memref<128x64xf32, #tpu.memory_space<vmem>>
      %dma_start3A_245 = tpu.memref_slice %arg10[%add3A_226] : memref<6400xi32, #tpu.memory_space<vmem>> -> memref<128xi32, #tpu.memory_space<vmem>>
      %dma_start3A_246 = arith.constant 0 : i32
      %dma_start3A_247 = arith.constant 0 : i32
      %dma_start3A_248 = tpu.memref_slice %arg6[%dma_start3A_246, %dma_start3A_247] : memref<5000x64xf32, #tpu.memory_space<hbm>> -> memref<5000x64xf32, #tpu.memory_space<hbm>>
      %dma_start3A_249 = tpu.memref_slice %arg14[%dma_start3A_240] : memref<10x!tpu.dma_semaphore, #tpu.memory_space<semaphore_mem>> -> memref<1x!tpu.dma_semaphore, #tpu.memory_space<semaphore_mem>>
      %dma_start3A_250 = tpu.memref_squeeze %dma_start3A_249 : memref<1x!tpu.dma_semaphore, #tpu.memory_space<semaphore_mem>> -> memref<!tpu.dma_semaphore, #tpu.memory_space<semaphore_mem>>
      tpu.enqueue_indirect_dma source(%dma_start3A_248 : memref<5000x64xf32, #tpu.memory_space<hbm>>) target(%dma_start3A_244 : memref<128x64xf32, #tpu.memory_space<vmem>>) offsets(%dma_start3A_245 : memref<128xi32, #tpu.memory_space<vmem>>) semaphore(%dma_start3A_250 : memref<!tpu.dma_semaphore, #tpu.memory_space<semaphore_mem>>) {add = true}
      %dma_start3A_251 = arith.constant 2 : i32
      %dma_start3A_252 = arith.constant 2 : i32
      %dma_start3A_253 = arith.constant 0 : i32
      %dma_start3A_254 = arith.constant 0 : i32
      %dma_start3A_255 = tpu.memref_slice %arg12[%dma_start3A_251, %dma_start3A_253, %dma_start3A_254] : memref<10x128x64xf32, #tpu.memory_space<vmem>> -> memref<1x128x64xf32, #tpu.memory_space<vmem>>
      %dma_start3A_256 = tpu.memref_squeeze %dma_start3A_255 : memref<1x128x64xf32, #tpu.memory_space<vmem>> -> memref<128x64xf32, #tpu.memory_space<vmem>>
      %dma_start3A_257 = tpu.memref_slice %arg11[%add3A_226] : memref<6400xi32, #tpu.memory_space<vmem>> -> memref<128xi32, #tpu.memory_space<vmem>>
      %dma_start3A_258 = arith.constant 0 : i32
      %dma_start3A_259 = arith.constant 0 : i32
      %dma_start3A_260 = tpu.memref_slice %arg7[%dma_start3A_258, %dma_start3A_259] : memref<5000x64xf32, #tpu.memory_space<hbm>> -> memref<5000x64xf32, #tpu.memory_space<hbm>>
      %dma_start3A_261 = tpu.memref_slice %arg14[%dma_start3A_252] : memref<10x!tpu.dma_semaphore, #tpu.memory_space<semaphore_mem>> -> memref<1x!tpu.dma_semaphore, #tpu.memory_space<semaphore_mem>>
      %dma_start3A_262 = tpu.memref_squeeze %dma_start3A_261 : memref<1x!tpu.dma_semaphore, #tpu.memory_space<semaphore_mem>> -> memref<!tpu.dma_semaphore, #tpu.memory_space<semaphore_mem>>
      tpu.enqueue_indirect_dma source(%dma_start3A_260 : memref<5000x64xf32, #tpu.memory_space<hbm>>) target(%dma_start3A_256 : memref<128x64xf32, #tpu.memory_space<vmem>>) offsets(%dma_start3A_257 : memref<128xi32, #tpu.memory_space<vmem>>) semaphore(%dma_start3A_262 : memref<!tpu.dma_semaphore, #tpu.memory_space<semaphore_mem>>) {add = true}
      %add3A_263 = arith.constant 384 : i32
      %add3A_264 = arith.addi %mul3A_10, %add3A_263 : i32
      %dma_wait3A_265 = arith.constant 3 : i32
      %dma_wait3A_266 = arith.constant 3 : i32
      %dma_wait3A_267 = arith.constant 0 : i32
      %dma_wait3A_268 = arith.constant 0 : i32
      %dma_wait3A_269 = tpu.memref_slice %arg12[%dma_wait3A_265, %dma_wait3A_267, %dma_wait3A_268] : memref<10x128x64xf32, #tpu.memory_space<vmem>> -> memref<1x128x64xf32, #tpu.memory_space<vmem>>
      %dma_wait3A_270 = tpu.memref_squeeze %dma_wait3A_269 : memref<1x128x64xf32, #tpu.memory_space<vmem>> -> memref<128x64xf32, #tpu.memory_space<vmem>>
      %dma_wait3A_271 = tpu.memref_slice %arg9[%add3A_53] : memref<6400xi32, #tpu.memory_space<vmem>> -> memref<128xi32, #tpu.memory_space<vmem>>
      %dma_wait3A_272 = arith.constant 0 : i32
      %dma_wait3A_273 = arith.constant 0 : i32
      %dma_wait3A_274 = tpu.memref_slice %arg5[%dma_wait3A_272, %dma_wait3A_273] : memref<100000x64xf32, #tpu.memory_space<hbm>> -> memref<100000x64xf32, #tpu.memory_space<hbm>>
      %dma_wait3A_275 = tpu.memref_slice %arg13[%dma_wait3A_266] : memref<10x!tpu.dma_semaphore, #tpu.memory_space<semaphore_mem>> -> memref<1x!tpu.dma_semaphore, #tpu.memory_space<semaphore_mem>>
      %dma_wait3A_276 = tpu.memref_squeeze %dma_wait3A_275 : memref<1x!tpu.dma_semaphore, #tpu.memory_space<semaphore_mem>> -> memref<!tpu.dma_semaphore, #tpu.memory_space<semaphore_mem>>
      tpu.wait_indirect_dma semaphore(%dma_wait3A_276 : memref<!tpu.dma_semaphore, #tpu.memory_space<semaphore_mem>>) src(%dma_wait3A_274 : memref<100000x64xf32, #tpu.memory_space<hbm>>) dst(%dma_wait3A_270 : memref<128x64xf32, #tpu.memory_space<vmem>>)
      %dma_start3A_277 = arith.constant 3 : i32
      %dma_start3A_278 = arith.constant 3 : i32
      %dma_start3A_279 = arith.constant 0 : i32
      %dma_start3A_280 = arith.constant 0 : i32
      %dma_start3A_281 = tpu.memref_slice %arg12[%dma_start3A_277, %dma_start3A_279, %dma_start3A_280] : memref<10x128x64xf32, #tpu.memory_space<vmem>> -> memref<1x128x64xf32, #tpu.memory_space<vmem>>
      %dma_start3A_282 = tpu.memref_squeeze %dma_start3A_281 : memref<1x128x64xf32, #tpu.memory_space<vmem>> -> memref<128x64xf32, #tpu.memory_space<vmem>>
      %dma_start3A_283 = tpu.memref_slice %arg10[%add3A_264] : memref<6400xi32, #tpu.memory_space<vmem>> -> memref<128xi32, #tpu.memory_space<vmem>>
      %dma_start3A_284 = arith.constant 0 : i32
      %dma_start3A_285 = arith.constant 0 : i32
      %dma_start3A_286 = tpu.memref_slice %arg6[%dma_start3A_284, %dma_start3A_285] : memref<5000x64xf32, #tpu.memory_space<hbm>> -> memref<5000x64xf32, #tpu.memory_space<hbm>>
      %dma_start3A_287 = tpu.memref_slice %arg14[%dma_start3A_278] : memref<10x!tpu.dma_semaphore, #tpu.memory_space<semaphore_mem>> -> memref<1x!tpu.dma_semaphore, #tpu.memory_space<semaphore_mem>>
      %dma_start3A_288 = tpu.memref_squeeze %dma_start3A_287 : memref<1x!tpu.dma_semaphore, #tpu.memory_space<semaphore_mem>> -> memref<!tpu.dma_semaphore, #tpu.memory_space<semaphore_mem>>
      tpu.enqueue_indirect_dma source(%dma_start3A_286 : memref<5000x64xf32, #tpu.memory_space<hbm>>) target(%dma_start3A_282 : memref<128x64xf32, #tpu.memory_space<vmem>>) offsets(%dma_start3A_283 : memref<128xi32, #tpu.memory_space<vmem>>) semaphore(%dma_start3A_288 : memref<!tpu.dma_semaphore, #tpu.memory_space<semaphore_mem>>) {add = true}
      %dma_start3A_289 = arith.constant 3 : i32
      %dma_start3A_290 = arith.constant 3 : i32
      %dma_start3A_291 = arith.constant 0 : i32
      %dma_start3A_292 = arith.constant 0 : i32
      %dma_start3A_293 = tpu.memref_slice %arg12[%dma_start3A_289, %dma_start3A_291, %dma_start3A_292] : memref<10x128x64xf32, #tpu.memory_space<vmem>> -> memref<1x128x64xf32, #tpu.memory_space<vmem>>
      %dma_start3A_294 = tpu.memref_squeeze %dma_start3A_293 : memref<1x128x64xf32, #tpu.memory_space<vmem>> -> memref<128x64xf32, #tpu.memory_space<vmem>>
      %dma_start3A_295 = tpu.memref_slice %arg11[%add3A_264] : memref<6400xi32, #tpu.memory_space<vmem>> -> memref<128xi32, #tpu.memory_space<vmem>>
      %dma_start3A_296 = arith.constant 0 : i32
      %dma_start3A_297 = arith.constant 0 : i32
      %dma_start3A_298 = tpu.memref_slice %arg7[%dma_start3A_296, %dma_start3A_297] : memref<5000x64xf32, #tpu.memory_space<hbm>> -> memref<5000x64xf32, #tpu.memory_space<hbm>>
      %dma_start3A_299 = tpu.memref_slice %arg14[%dma_start3A_290] : memref<10x!tpu.dma_semaphore, #tpu.memory_space<semaphore_mem>> -> memref<1x!tpu.dma_semaphore, #tpu.memory_space<semaphore_mem>>
      %dma_start3A_300 = tpu.memref_squeeze %dma_start3A_299 : memref<1x!tpu.dma_semaphore, #tpu.memory_space<semaphore_mem>> -> memref<!tpu.dma_semaphore, #tpu.memory_space<semaphore_mem>>
      tpu.enqueue_indirect_dma source(%dma_start3A_298 : memref<5000x64xf32, #tpu.memory_space<hbm>>) target(%dma_start3A_294 : memref<128x64xf32, #tpu.memory_space<vmem>>) offsets(%dma_start3A_295 : memref<128xi32, #tpu.memory_space<vmem>>) semaphore(%dma_start3A_300 : memref<!tpu.dma_semaphore, #tpu.memory_space<semaphore_mem>>) {add = true}
      %add3A_301 = arith.constant 512 : i32
      %add3A_302 = arith.addi %mul3A_10, %add3A_301 : i32
      %dma_wait3A_303 = arith.constant 4 : i32
      %dma_wait3A_304 = arith.constant 4 : i32
      %dma_wait3A_305 = arith.constant 0 : i32
      %dma_wait3A_306 = arith.constant 0 : i32
      %dma_wait3A_307 = tpu.memref_slice %arg12[%dma_wait3A_303, %dma_wait3A_305, %dma_wait3A_306] : memref<10x128x64xf32, #tpu.memory_space<vmem>> -> memref<1x128x64xf32, #tpu.memory_space<vmem>>
      %dma_wait3A_308 = tpu.memref_squeeze %dma_wait3A_307 : memref<1x128x64xf32, #tpu.memory_space<vmem>> -> memref<128x64xf32, #tpu.memory_space<vmem>>
      %dma_wait3A_309 = tpu.memref_slice %arg9[%add3A_67] : memref<6400xi32, #tpu.memory_space<vmem>> -> memref<128xi32, #tpu.memory_space<vmem>>
      %dma_wait3A_310 = arith.constant 0 : i32
      %dma_wait3A_311 = arith.constant 0 : i32
      %dma_wait3A_312 = tpu.memref_slice %arg5[%dma_wait3A_310, %dma_wait3A_311] : memref<100000x64xf32, #tpu.memory_space<hbm>> -> memref<100000x64xf32, #tpu.memory_space<hbm>>
      %dma_wait3A_313 = tpu.memref_slice %arg13[%dma_wait3A_304] : memref<10x!tpu.dma_semaphore, #tpu.memory_space<semaphore_mem>> -> memref<1x!tpu.dma_semaphore, #tpu.memory_space<semaphore_mem>>
      %dma_wait3A_314 = tpu.memref_squeeze %dma_wait3A_313 : memref<1x!tpu.dma_semaphore, #tpu.memory_space<semaphore_mem>> -> memref<!tpu.dma_semaphore, #tpu.memory_space<semaphore_mem>>
      tpu.wait_indirect_dma semaphore(%dma_wait3A_314 : memref<!tpu.dma_semaphore, #tpu.memory_space<semaphore_mem>>) src(%dma_wait3A_312 : memref<100000x64xf32, #tpu.memory_space<hbm>>) dst(%dma_wait3A_308 : memref<128x64xf32, #tpu.memory_space<vmem>>)
      %dma_start3A_315 = arith.constant 4 : i32
      %dma_start3A_316 = arith.constant 4 : i32
      %dma_start3A_317 = arith.constant 0 : i32
      %dma_start3A_318 = arith.constant 0 : i32
      %dma_start3A_319 = tpu.memref_slice %arg12[%dma_start3A_315, %dma_start3A_317, %dma_start3A_318] : memref<10x128x64xf32, #tpu.memory_space<vmem>> -> memref<1x128x64xf32, #tpu.memory_space<vmem>>
      %dma_start3A_320 = tpu.memref_squeeze %dma_start3A_319 : memref<1x128x64xf32, #tpu.memory_space<vmem>> -> memref<128x64xf32, #tpu.memory_space<vmem>>
      %dma_start3A_321 = tpu.memref_slice %arg10[%add3A_302] : memref<6400xi32, #tpu.memory_space<vmem>> -> memref<128xi32, #tpu.memory_space<vmem>>
      %dma_start3A_322 = arith.constant 0 : i32
      %dma_start3A_323 = arith.constant 0 : i32
      %dma_start3A_324 = tpu.memref_slice %arg6[%dma_start3A_322, %dma_start3A_323] : memref<5000x64xf32, #tpu.memory_space<hbm>> -> memref<5000x64xf32, #tpu.memory_space<hbm>>
      %dma_start3A_325 = tpu.memref_slice %arg14[%dma_start3A_316] : memref<10x!tpu.dma_semaphore, #tpu.memory_space<semaphore_mem>> -> memref<1x!tpu.dma_semaphore, #tpu.memory_space<semaphore_mem>>
      %dma_start3A_326 = tpu.memref_squeeze %dma_start3A_325 : memref<1x!tpu.dma_semaphore, #tpu.memory_space<semaphore_mem>> -> memref<!tpu.dma_semaphore, #tpu.memory_space<semaphore_mem>>
      tpu.enqueue_indirect_dma source(%dma_start3A_324 : memref<5000x64xf32, #tpu.memory_space<hbm>>) target(%dma_start3A_320 : memref<128x64xf32, #tpu.memory_space<vmem>>) offsets(%dma_start3A_321 : memref<128xi32, #tpu.memory_space<vmem>>) semaphore(%dma_start3A_326 : memref<!tpu.dma_semaphore, #tpu.memory_space<semaphore_mem>>) {add = true}
      %dma_start3A_327 = arith.constant 4 : i32
      %dma_start3A_328 = arith.constant 4 : i32
      %dma_start3A_329 = arith.constant 0 : i32
      %dma_start3A_330 = arith.constant 0 : i32
      %dma_start3A_331 = tpu.memref_slice %arg12[%dma_start3A_327, %dma_start3A_329, %dma_start3A_330] : memref<10x128x64xf32, #tpu.memory_space<vmem>> -> memref<1x128x64xf32, #tpu.memory_space<vmem>>
      %dma_start3A_332 = tpu.memref_squeeze %dma_start3A_331 : memref<1x128x64xf32, #tpu.memory_space<vmem>> -> memref<128x64xf32, #tpu.memory_space<vmem>>
      %dma_start3A_333 = tpu.memref_slice %arg11[%add3A_302] : memref<6400xi32, #tpu.memory_space<vmem>> -> memref<128xi32, #tpu.memory_space<vmem>>
      %dma_start3A_334 = arith.constant 0 : i32
      %dma_start3A_335 = arith.constant 0 : i32
      %dma_start3A_336 = tpu.memref_slice %arg7[%dma_start3A_334, %dma_start3A_335] : memref<5000x64xf32, #tpu.memory_space<hbm>> -> memref<5000x64xf32, #tpu.memory_space<hbm>>
      %dma_start3A_337 = tpu.memref_slice %arg14[%dma_start3A_328] : memref<10x!tpu.dma_semaphore, #tpu.memory_space<semaphore_mem>> -> memref<1x!tpu.dma_semaphore, #tpu.memory_space<semaphore_mem>>
      %dma_start3A_338 = tpu.memref_squeeze %dma_start3A_337 : memref<1x!tpu.dma_semaphore, #tpu.memory_space<semaphore_mem>> -> memref<!tpu.dma_semaphore, #tpu.memory_space<semaphore_mem>>
      tpu.enqueue_indirect_dma source(%dma_start3A_336 : memref<5000x64xf32, #tpu.memory_space<hbm>>) target(%dma_start3A_332 : memref<128x64xf32, #tpu.memory_space<vmem>>) offsets(%dma_start3A_333 : memref<128xi32, #tpu.memory_space<vmem>>) semaphore(%dma_start3A_338 : memref<!tpu.dma_semaphore, #tpu.memory_space<semaphore_mem>>) {add = true}
      %add3A_339 = arith.constant 640 : i32
      %add3A_340 = arith.addi %mul3A_10, %add3A_339 : i32
      %dma_wait3A_341 = arith.constant 5 : i32
      %dma_wait3A_342 = arith.constant 5 : i32
      %dma_wait3A_343 = arith.constant 0 : i32
      %dma_wait3A_344 = arith.constant 0 : i32
      %dma_wait3A_345 = tpu.memref_slice %arg12[%dma_wait3A_341, %dma_wait3A_343, %dma_wait3A_344] : memref<10x128x64xf32, #tpu.memory_space<vmem>> -> memref<1x128x64xf32, #tpu.memory_space<vmem>>
      %dma_wait3A_346 = tpu.memref_squeeze %dma_wait3A_345 : memref<1x128x64xf32, #tpu.memory_space<vmem>> -> memref<128x64xf32, #tpu.memory_space<vmem>>
      %dma_wait3A_347 = tpu.memref_slice %arg9[%add3A_81] : memref<6400xi32, #tpu.memory_space<vmem>> -> memref<128xi32, #tpu.memory_space<vmem>>
      %dma_wait3A_348 = arith.constant 0 : i32
      %dma_wait3A_349 = arith.constant 0 : i32
      %dma_wait3A_350 = tpu.memref_slice %arg5[%dma_wait3A_348, %dma_wait3A_349] : memref<100000x64xf32, #tpu.memory_space<hbm>> -> memref<100000x64xf32, #tpu.memory_space<hbm>>
      %dma_wait3A_351 = tpu.memref_slice %arg13[%dma_wait3A_342] : memref<10x!tpu.dma_semaphore, #tpu.memory_space<semaphore_mem>> -> memref<1x!tpu.dma_semaphore, #tpu.memory_space<semaphore_mem>>
      %dma_wait3A_352 = tpu.memref_squeeze %dma_wait3A_351 : memref<1x!tpu.dma_semaphore, #tpu.memory_space<semaphore_mem>> -> memref<!tpu.dma_semaphore, #tpu.memory_space<semaphore_mem>>
      tpu.wait_indirect_dma semaphore(%dma_wait3A_352 : memref<!tpu.dma_semaphore, #tpu.memory_space<semaphore_mem>>) src(%dma_wait3A_350 : memref<100000x64xf32, #tpu.memory_space<hbm>>) dst(%dma_wait3A_346 : memref<128x64xf32, #tpu.memory_space<vmem>>)
      %dma_start3A_353 = arith.constant 5 : i32
      %dma_start3A_354 = arith.constant 5 : i32
      %dma_start3A_355 = arith.constant 0 : i32
      %dma_start3A_356 = arith.constant 0 : i32
      %dma_start3A_357 = tpu.memref_slice %arg12[%dma_start3A_353, %dma_start3A_355, %dma_start3A_356] : memref<10x128x64xf32, #tpu.memory_space<vmem>> -> memref<1x128x64xf32, #tpu.memory_space<vmem>>
      %dma_start3A_358 = tpu.memref_squeeze %dma_start3A_357 : memref<1x128x64xf32, #tpu.memory_space<vmem>> -> memref<128x64xf32, #tpu.memory_space<vmem>>
      %dma_start3A_359 = tpu.memref_slice %arg10[%add3A_340] : memref<6400xi32, #tpu.memory_space<vmem>> -> memref<128xi32, #tpu.memory_space<vmem>>
      %dma_start3A_360 = arith.constant 0 : i32
      %dma_start3A_361 = arith.constant 0 : i32
      %dma_start3A_362 = tpu.memref_slice %arg6[%dma_start3A_360, %dma_start3A_361] : memref<5000x64xf32, #tpu.memory_space<hbm>> -> memref<5000x64xf32, #tpu.memory_space<hbm>>
      %dma_start3A_363 = tpu.memref_slice %arg14[%dma_start3A_354] : memref<10x!tpu.dma_semaphore, #tpu.memory_space<semaphore_mem>> -> memref<1x!tpu.dma_semaphore, #tpu.memory_space<semaphore_mem>>
      %dma_start3A_364 = tpu.memref_squeeze %dma_start3A_363 : memref<1x!tpu.dma_semaphore, #tpu.memory_space<semaphore_mem>> -> memref<!tpu.dma_semaphore, #tpu.memory_space<semaphore_mem>>
      tpu.enqueue_indirect_dma source(%dma_start3A_362 : memref<5000x64xf32, #tpu.memory_space<hbm>>) target(%dma_start3A_358 : memref<128x64xf32, #tpu.memory_space<vmem>>) offsets(%dma_start3A_359 : memref<128xi32, #tpu.memory_space<vmem>>) semaphore(%dma_start3A_364 : memref<!tpu.dma_semaphore, #tpu.memory_space<semaphore_mem>>) {add = true}
      %dma_start3A_365 = arith.constant 5 : i32
      %dma_start3A_366 = arith.constant 5 : i32
      %dma_start3A_367 = arith.constant 0 : i32
      %dma_start3A_368 = arith.constant 0 : i32
      %dma_start3A_369 = tpu.memref_slice %arg12[%dma_start3A_365, %dma_start3A_367, %dma_start3A_368] : memref<10x128x64xf32, #tpu.memory_space<vmem>> -> memref<1x128x64xf32, #tpu.memory_space<vmem>>
      %dma_start3A_370 = tpu.memref_squeeze %dma_start3A_369 : memref<1x128x64xf32, #tpu.memory_space<vmem>> -> memref<128x64xf32, #tpu.memory_space<vmem>>
      %dma_start3A_371 = tpu.memref_slice %arg11[%add3A_340] : memref<6400xi32, #tpu.memory_space<vmem>> -> memref<128xi32, #tpu.memory_space<vmem>>
      %dma_start3A_372 = arith.constant 0 : i32
      %dma_start3A_373 = arith.constant 0 : i32
      %dma_start3A_374 = tpu.memref_slice %arg7[%dma_start3A_372, %dma_start3A_373] : memref<5000x64xf32, #tpu.memory_space<hbm>> -> memref<5000x64xf32, #tpu.memory_space<hbm>>
      %dma_start3A_375 = tpu.memref_slice %arg14[%dma_start3A_366] : memref<10x!tpu.dma_semaphore, #tpu.memory_space<semaphore_mem>> -> memref<1x!tpu.dma_semaphore, #tpu.memory_space<semaphore_mem>>
      %dma_start3A_376 = tpu.memref_squeeze %dma_start3A_375 : memref<1x!tpu.dma_semaphore, #tpu.memory_space<semaphore_mem>> -> memref<!tpu.dma_semaphore, #tpu.memory_space<semaphore_mem>>
      tpu.enqueue_indirect_dma source(%dma_start3A_374 : memref<5000x64xf32, #tpu.memory_space<hbm>>) target(%dma_start3A_370 : memref<128x64xf32, #tpu.memory_space<vmem>>) offsets(%dma_start3A_371 : memref<128xi32, #tpu.memory_space<vmem>>) semaphore(%dma_start3A_376 : memref<!tpu.dma_semaphore, #tpu.memory_space<semaphore_mem>>) {add = true}
      %add3A_377 = arith.constant 768 : i32
      %add3A_378 = arith.addi %mul3A_10, %add3A_377 : i32
      %dma_wait3A_379 = arith.constant 6 : i32
      %dma_wait3A_380 = arith.constant 6 : i32
      %dma_wait3A_381 = arith.constant 0 : i32
      %dma_wait3A_382 = arith.constant 0 : i32
      %dma_wait3A_383 = tpu.memref_slice %arg12[%dma_wait3A_379, %dma_wait3A_381, %dma_wait3A_382] : memref<10x128x64xf32, #tpu.memory_space<vmem>> -> memref<1x128x64xf32, #tpu.memory_space<vmem>>
      %dma_wait3A_384 = tpu.memref_squeeze %dma_wait3A_383 : memref<1x128x64xf32, #tpu.memory_space<vmem>> -> memref<128x64xf32, #tpu.memory_space<vmem>>
      %dma_wait3A_385 = tpu.memref_slice %arg9[%add3A_95] : memref<6400xi32, #tpu.memory_space<vmem>> -> memref<128xi32, #tpu.memory_space<vmem>>
      %dma_wait3A_386 = arith.constant 0 : i32
      %dma_wait3A_387 = arith.constant 0 : i32
      %dma_wait3A_388 = tpu.memref_slice %arg5[%dma_wait3A_386, %dma_wait3A_387] : memref<100000x64xf32, #tpu.memory_space<hbm>> -> memref<100000x64xf32, #tpu.memory_space<hbm>>
      %dma_wait3A_389 = tpu.memref_slice %arg13[%dma_wait3A_380] : memref<10x!tpu.dma_semaphore, #tpu.memory_space<semaphore_mem>> -> memref<1x!tpu.dma_semaphore, #tpu.memory_space<semaphore_mem>>
      %dma_wait3A_390 = tpu.memref_squeeze %dma_wait3A_389 : memref<1x!tpu.dma_semaphore, #tpu.memory_space<semaphore_mem>> -> memref<!tpu.dma_semaphore, #tpu.memory_space<semaphore_mem>>
      tpu.wait_indirect_dma semaphore(%dma_wait3A_390 : memref<!tpu.dma_semaphore, #tpu.memory_space<semaphore_mem>>) src(%dma_wait3A_388 : memref<100000x64xf32, #tpu.memory_space<hbm>>) dst(%dma_wait3A_384 : memref<128x64xf32, #tpu.memory_space<vmem>>)
      %dma_start3A_391 = arith.constant 6 : i32
      %dma_start3A_392 = arith.constant 6 : i32
      %dma_start3A_393 = arith.constant 0 : i32
      %dma_start3A_394 = arith.constant 0 : i32
      %dma_start3A_395 = tpu.memref_slice %arg12[%dma_start3A_391, %dma_start3A_393, %dma_start3A_394] : memref<10x128x64xf32, #tpu.memory_space<vmem>> -> memref<1x128x64xf32, #tpu.memory_space<vmem>>
      %dma_start3A_396 = tpu.memref_squeeze %dma_start3A_395 : memref<1x128x64xf32, #tpu.memory_space<vmem>> -> memref<128x64xf32, #tpu.memory_space<vmem>>
      %dma_start3A_397 = tpu.memref_slice %arg10[%add3A_378] : memref<6400xi32, #tpu.memory_space<vmem>> -> memref<128xi32, #tpu.memory_space<vmem>>
      %dma_start3A_398 = arith.constant 0 : i32
      %dma_start3A_399 = arith.constant 0 : i32
      %dma_start3A_400 = tpu.memref_slice %arg6[%dma_start3A_398, %dma_start3A_399] : memref<5000x64xf32, #tpu.memory_space<hbm>> -> memref<5000x64xf32, #tpu.memory_space<hbm>>
      %dma_start3A_401 = tpu.memref_slice %arg14[%dma_start3A_392] : memref<10x!tpu.dma_semaphore, #tpu.memory_space<semaphore_mem>> -> memref<1x!tpu.dma_semaphore, #tpu.memory_space<semaphore_mem>>
      %dma_start3A_402 = tpu.memref_squeeze %dma_start3A_401 : memref<1x!tpu.dma_semaphore, #tpu.memory_space<semaphore_mem>> -> memref<!tpu.dma_semaphore, #tpu.memory_space<semaphore_mem>>
      tpu.enqueue_indirect_dma source(%dma_start3A_400 : memref<5000x64xf32, #tpu.memory_space<hbm>>) target(%dma_start3A_396 : memref<128x64xf32, #tpu.memory_space<vmem>>) offsets(%dma_start3A_397 : memref<128xi32, #tpu.memory_space<vmem>>) semaphore(%dma_start3A_402 : memref<!tpu.dma_semaphore, #tpu.memory_space<semaphore_mem>>) {add = true}
      %dma_start3A_403 = arith.constant 6 : i32
      %dma_start3A_404 = arith.constant 6 : i32
      %dma_start3A_405 = arith.constant 0 : i32
      %dma_start3A_406 = arith.constant 0 : i32
      %dma_start3A_407 = tpu.memref_slice %arg12[%dma_start3A_403, %dma_start3A_405, %dma_start3A_406] : memref<10x128x64xf32, #tpu.memory_space<vmem>> -> memref<1x128x64xf32, #tpu.memory_space<vmem>>
      %dma_start3A_408 = tpu.memref_squeeze %dma_start3A_407 : memref<1x128x64xf32, #tpu.memory_space<vmem>> -> memref<128x64xf32, #tpu.memory_space<vmem>>
      %dma_start3A_409 = tpu.memref_slice %arg11[%add3A_378] : memref<6400xi32, #tpu.memory_space<vmem>> -> memref<128xi32, #tpu.memory_space<vmem>>
      %dma_start3A_410 = arith.constant 0 : i32
      %dma_start3A_411 = arith.constant 0 : i32
      %dma_start3A_412 = tpu.memref_slice %arg7[%dma_start3A_410, %dma_start3A_411] : memref<5000x64xf32, #tpu.memory_space<hbm>> -> memref<5000x64xf32, #tpu.memory_space<hbm>>
      %dma_start3A_413 = tpu.memref_slice %arg14[%dma_start3A_404] : memref<10x!tpu.dma_semaphore, #tpu.memory_space<semaphore_mem>> -> memref<1x!tpu.dma_semaphore, #tpu.memory_space<semaphore_mem>>
      %dma_start3A_414 = tpu.memref_squeeze %dma_start3A_413 : memref<1x!tpu.dma_semaphore, #tpu.memory_space<semaphore_mem>> -> memref<!tpu.dma_semaphore, #tpu.memory_space<semaphore_mem>>
      tpu.enqueue_indirect_dma source(%dma_start3A_412 : memref<5000x64xf32, #tpu.memory_space<hbm>>) target(%dma_start3A_408 : memref<128x64xf32, #tpu.memory_space<vmem>>) offsets(%dma_start3A_409 : memref<128xi32, #tpu.memory_space<vmem>>) semaphore(%dma_start3A_414 : memref<!tpu.dma_semaphore, #tpu.memory_space<semaphore_mem>>) {add = true}
      %add3A_415 = arith.constant 896 : i32
      %add3A_416 = arith.addi %mul3A_10, %add3A_415 : i32
      %dma_wait3A_417 = arith.constant 7 : i32
      %dma_wait3A_418 = arith.constant 7 : i32
      %dma_wait3A_419 = arith.constant 0 : i32
      %dma_wait3A_420 = arith.constant 0 : i32
      %dma_wait3A_421 = tpu.memref_slice %arg12[%dma_wait3A_417, %dma_wait3A_419, %dma_wait3A_420] : memref<10x128x64xf32, #tpu.memory_space<vmem>> -> memref<1x128x64xf32, #tpu.memory_space<vmem>>
      %dma_wait3A_422 = tpu.memref_squeeze %dma_wait3A_421 : memref<1x128x64xf32, #tpu.memory_space<vmem>> -> memref<128x64xf32, #tpu.memory_space<vmem>>
      %dma_wait3A_423 = tpu.memref_slice %arg9[%add3A_109] : memref<6400xi32, #tpu.memory_space<vmem>> -> memref<128xi32, #tpu.memory_space<vmem>>
      %dma_wait3A_424 = arith.constant 0 : i32
      %dma_wait3A_425 = arith.constant 0 : i32
      %dma_wait3A_426 = tpu.memref_slice %arg5[%dma_wait3A_424, %dma_wait3A_425] : memref<100000x64xf32, #tpu.memory_space<hbm>> -> memref<100000x64xf32, #tpu.memory_space<hbm>>
      %dma_wait3A_427 = tpu.memref_slice %arg13[%dma_wait3A_418] : memref<10x!tpu.dma_semaphore, #tpu.memory_space<semaphore_mem>> -> memref<1x!tpu.dma_semaphore, #tpu.memory_space<semaphore_mem>>
      %dma_wait3A_428 = tpu.memref_squeeze %dma_wait3A_427 : memref<1x!tpu.dma_semaphore, #tpu.memory_space<semaphore_mem>> -> memref<!tpu.dma_semaphore, #tpu.memory_space<semaphore_mem>>
      tpu.wait_indirect_dma semaphore(%dma_wait3A_428 : memref<!tpu.dma_semaphore, #tpu.memory_space<semaphore_mem>>) src(%dma_wait3A_426 : memref<100000x64xf32, #tpu.memory_space<hbm>>) dst(%dma_wait3A_422 : memref<128x64xf32, #tpu.memory_space<vmem>>)
      %dma_start3A_429 = arith.constant 7 : i32
      %dma_start3A_430 = arith.constant 7 : i32
      %dma_start3A_431 = arith.constant 0 : i32
      %dma_start3A_432 = arith.constant 0 : i32
      %dma_start3A_433 = tpu.memref_slice %arg12[%dma_start3A_429, %dma_start3A_431, %dma_start3A_432] : memref<10x128x64xf32, #tpu.memory_space<vmem>> -> memref<1x128x64xf32, #tpu.memory_space<vmem>>
      %dma_start3A_434 = tpu.memref_squeeze %dma_start3A_433 : memref<1x128x64xf32, #tpu.memory_space<vmem>> -> memref<128x64xf32, #tpu.memory_space<vmem>>
      %dma_start3A_435 = tpu.memref_slice %arg10[%add3A_416] : memref<6400xi32, #tpu.memory_space<vmem>> -> memref<128xi32, #tpu.memory_space<vmem>>
      %dma_start3A_436 = arith.constant 0 : i32
      %dma_start3A_437 = arith.constant 0 : i32
      %dma_start3A_438 = tpu.memref_slice %arg6[%dma_start3A_436, %dma_start3A_437] : memref<5000x64xf32, #tpu.memory_space<hbm>> -> memref<5000x64xf32, #tpu.memory_space<hbm>>
      %dma_start3A_439 = tpu.memref_slice %arg14[%dma_start3A_430] : memref<10x!tpu.dma_semaphore, #tpu.memory_space<semaphore_mem>> -> memref<1x!tpu.dma_semaphore, #tpu.memory_space<semaphore_mem>>
      %dma_start3A_440 = tpu.memref_squeeze %dma_start3A_439 : memref<1x!tpu.dma_semaphore, #tpu.memory_space<semaphore_mem>> -> memref<!tpu.dma_semaphore, #tpu.memory_space<semaphore_mem>>
      tpu.enqueue_indirect_dma source(%dma_start3A_438 : memref<5000x64xf32, #tpu.memory_space<hbm>>) target(%dma_start3A_434 : memref<128x64xf32, #tpu.memory_space<vmem>>) offsets(%dma_start3A_435 : memref<128xi32, #tpu.memory_space<vmem>>) semaphore(%dma_start3A_440 : memref<!tpu.dma_semaphore, #tpu.memory_space<semaphore_mem>>) {add = true}
      %dma_start3A_441 = arith.constant 7 : i32
      %dma_start3A_442 = arith.constant 7 : i32
      %dma_start3A_443 = arith.constant 0 : i32
      %dma_start3A_444 = arith.constant 0 : i32
      %dma_start3A_445 = tpu.memref_slice %arg12[%dma_start3A_441, %dma_start3A_443, %dma_start3A_444] : memref<10x128x64xf32, #tpu.memory_space<vmem>> -> memref<1x128x64xf32, #tpu.memory_space<vmem>>
      %dma_start3A_446 = tpu.memref_squeeze %dma_start3A_445 : memref<1x128x64xf32, #tpu.memory_space<vmem>> -> memref<128x64xf32, #tpu.memory_space<vmem>>
      %dma_start3A_447 = tpu.memref_slice %arg11[%add3A_416] : memref<6400xi32, #tpu.memory_space<vmem>> -> memref<128xi32, #tpu.memory_space<vmem>>
      %dma_start3A_448 = arith.constant 0 : i32
      %dma_start3A_449 = arith.constant 0 : i32
      %dma_start3A_450 = tpu.memref_slice %arg7[%dma_start3A_448, %dma_start3A_449] : memref<5000x64xf32, #tpu.memory_space<hbm>> -> memref<5000x64xf32, #tpu.memory_space<hbm>>
      %dma_start3A_451 = tpu.memref_slice %arg14[%dma_start3A_442] : memref<10x!tpu.dma_semaphore, #tpu.memory_space<semaphore_mem>> -> memref<1x!tpu.dma_semaphore, #tpu.memory_space<semaphore_mem>>
      %dma_start3A_452 = tpu.memref_squeeze %dma_start3A_451 : memref<1x!tpu.dma_semaphore, #tpu.memory_space<semaphore_mem>> -> memref<!tpu.dma_semaphore, #tpu.memory_space<semaphore_mem>>
      tpu.enqueue_indirect_dma source(%dma_start3A_450 : memref<5000x64xf32, #tpu.memory_space<hbm>>) target(%dma_start3A_446 : memref<128x64xf32, #tpu.memory_space<vmem>>) offsets(%dma_start3A_447 : memref<128xi32, #tpu.memory_space<vmem>>) semaphore(%dma_start3A_452 : memref<!tpu.dma_semaphore, #tpu.memory_space<semaphore_mem>>) {add = true}
      %add3A_453 = arith.constant 1024 : i32
      %add3A_454 = arith.addi %mul3A_10, %add3A_453 : i32
      %dma_wait3A_455 = arith.constant 8 : i32
      %dma_wait3A_456 = arith.constant 8 : i32
      %dma_wait3A_457 = arith.constant 0 : i32
      %dma_wait3A_458 = arith.constant 0 : i32
      %dma_wait3A_459 = tpu.memref_slice %arg12[%dma_wait3A_455, %dma_wait3A_457, %dma_wait3A_458] : memref<10x128x64xf32, #tpu.memory_space<vmem>> -> memref<1x128x64xf32, #tpu.memory_space<vmem>>
      %dma_wait3A_460 = tpu.memref_squeeze %dma_wait3A_459 : memref<1x128x64xf32, #tpu.memory_space<vmem>> -> memref<128x64xf32, #tpu.memory_space<vmem>>
      %dma_wait3A_461 = tpu.memref_slice %arg9[%add3A_123] : memref<6400xi32, #tpu.memory_space<vmem>> -> memref<128xi32, #tpu.memory_space<vmem>>
      %dma_wait3A_462 = arith.constant 0 : i32
      %dma_wait3A_463 = arith.constant 0 : i32
      %dma_wait3A_464 = tpu.memref_slice %arg5[%dma_wait3A_462, %dma_wait3A_463] : memref<100000x64xf32, #tpu.memory_space<hbm>> -> memref<100000x64xf32, #tpu.memory_space<hbm>>
      %dma_wait3A_465 = tpu.memref_slice %arg13[%dma_wait3A_456] : memref<10x!tpu.dma_semaphore, #tpu.memory_space<semaphore_mem>> -> memref<1x!tpu.dma_semaphore, #tpu.memory_space<semaphore_mem>>
      %dma_wait3A_466 = tpu.memref_squeeze %dma_wait3A_465 : memref<1x!tpu.dma_semaphore, #tpu.memory_space<semaphore_mem>> -> memref<!tpu.dma_semaphore, #tpu.memory_space<semaphore_mem>>
      tpu.wait_indirect_dma semaphore(%dma_wait3A_466 : memref<!tpu.dma_semaphore, #tpu.memory_space<semaphore_mem>>) src(%dma_wait3A_464 : memref<100000x64xf32, #tpu.memory_space<hbm>>) dst(%dma_wait3A_460 : memref<128x64xf32, #tpu.memory_space<vmem>>)
      %dma_start3A_467 = arith.constant 8 : i32
      %dma_start3A_468 = arith.constant 8 : i32
      %dma_start3A_469 = arith.constant 0 : i32
      %dma_start3A_470 = arith.constant 0 : i32
      %dma_start3A_471 = tpu.memref_slice %arg12[%dma_start3A_467, %dma_start3A_469, %dma_start3A_470] : memref<10x128x64xf32, #tpu.memory_space<vmem>> -> memref<1x128x64xf32, #tpu.memory_space<vmem>>
      %dma_start3A_472 = tpu.memref_squeeze %dma_start3A_471 : memref<1x128x64xf32, #tpu.memory_space<vmem>> -> memref<128x64xf32, #tpu.memory_space<vmem>>
      %dma_start3A_473 = tpu.memref_slice %arg10[%add3A_454] : memref<6400xi32, #tpu.memory_space<vmem>> -> memref<128xi32, #tpu.memory_space<vmem>>
      %dma_start3A_474 = arith.constant 0 : i32
      %dma_start3A_475 = arith.constant 0 : i32
      %dma_start3A_476 = tpu.memref_slice %arg6[%dma_start3A_474, %dma_start3A_475] : memref<5000x64xf32, #tpu.memory_space<hbm>> -> memref<5000x64xf32, #tpu.memory_space<hbm>>
      %dma_start3A_477 = tpu.memref_slice %arg14[%dma_start3A_468] : memref<10x!tpu.dma_semaphore, #tpu.memory_space<semaphore_mem>> -> memref<1x!tpu.dma_semaphore, #tpu.memory_space<semaphore_mem>>
      %dma_start3A_478 = tpu.memref_squeeze %dma_start3A_477 : memref<1x!tpu.dma_semaphore, #tpu.memory_space<semaphore_mem>> -> memref<!tpu.dma_semaphore, #tpu.memory_space<semaphore_mem>>
      tpu.enqueue_indirect_dma source(%dma_start3A_476 : memref<5000x64xf32, #tpu.memory_space<hbm>>) target(%dma_start3A_472 : memref<128x64xf32, #tpu.memory_space<vmem>>) offsets(%dma_start3A_473 : memref<128xi32, #tpu.memory_space<vmem>>) semaphore(%dma_start3A_478 : memref<!tpu.dma_semaphore, #tpu.memory_space<semaphore_mem>>) {add = true}
      %dma_start3A_479 = arith.constant 8 : i32
      %dma_start3A_480 = arith.constant 8 : i32
      %dma_start3A_481 = arith.constant 0 : i32
      %dma_start3A_482 = arith.constant 0 : i32
      %dma_start3A_483 = tpu.memref_slice %arg12[%dma_start3A_479, %dma_start3A_481, %dma_start3A_482] : memref<10x128x64xf32, #tpu.memory_space<vmem>> -> memref<1x128x64xf32, #tpu.memory_space<vmem>>
      %dma_start3A_484 = tpu.memref_squeeze %dma_start3A_483 : memref<1x128x64xf32, #tpu.memory_space<vmem>> -> memref<128x64xf32, #tpu.memory_space<vmem>>
      %dma_start3A_485 = tpu.memref_slice %arg11[%add3A_454] : memref<6400xi32, #tpu.memory_space<vmem>> -> memref<128xi32, #tpu.memory_space<vmem>>
      %dma_start3A_486 = arith.constant 0 : i32
      %dma_start3A_487 = arith.constant 0 : i32
      %dma_start3A_488 = tpu.memref_slice %arg7[%dma_start3A_486, %dma_start3A_487] : memref<5000x64xf32, #tpu.memory_space<hbm>> -> memref<5000x64xf32, #tpu.memory_space<hbm>>
      %dma_start3A_489 = tpu.memref_slice %arg14[%dma_start3A_480] : memref<10x!tpu.dma_semaphore, #tpu.memory_space<semaphore_mem>> -> memref<1x!tpu.dma_semaphore, #tpu.memory_space<semaphore_mem>>
      %dma_start3A_490 = tpu.memref_squeeze %dma_start3A_489 : memref<1x!tpu.dma_semaphore, #tpu.memory_space<semaphore_mem>> -> memref<!tpu.dma_semaphore, #tpu.memory_space<semaphore_mem>>
      tpu.enqueue_indirect_dma source(%dma_start3A_488 : memref<5000x64xf32, #tpu.memory_space<hbm>>) target(%dma_start3A_484 : memref<128x64xf32, #tpu.memory_space<vmem>>) offsets(%dma_start3A_485 : memref<128xi32, #tpu.memory_space<vmem>>) semaphore(%dma_start3A_490 : memref<!tpu.dma_semaphore, #tpu.memory_space<semaphore_mem>>) {add = true}
      %add3A_491 = arith.constant 1152 : i32
      %add3A_492 = arith.addi %mul3A_10, %add3A_491 : i32
      %dma_wait3A_493 = arith.constant 9 : i32
      %dma_wait3A_494 = arith.constant 9 : i32
      %dma_wait3A_495 = arith.constant 0 : i32
      %dma_wait3A_496 = arith.constant 0 : i32
      %dma_wait3A_497 = tpu.memref_slice %arg12[%dma_wait3A_493, %dma_wait3A_495, %dma_wait3A_496] : memref<10x128x64xf32, #tpu.memory_space<vmem>> -> memref<1x128x64xf32, #tpu.memory_space<vmem>>
      %dma_wait3A_498 = tpu.memref_squeeze %dma_wait3A_497 : memref<1x128x64xf32, #tpu.memory_space<vmem>> -> memref<128x64xf32, #tpu.memory_space<vmem>>
      %dma_wait3A_499 = tpu.memref_slice %arg9[%add3A_137] : memref<6400xi32, #tpu.memory_space<vmem>> -> memref<128xi32, #tpu.memory_space<vmem>>
      %dma_wait3A_500 = arith.constant 0 : i32
      %dma_wait3A_501 = arith.constant 0 : i32
      %dma_wait3A_502 = tpu.memref_slice %arg5[%dma_wait3A_500, %dma_wait3A_501] : memref<100000x64xf32, #tpu.memory_space<hbm>> -> memref<100000x64xf32, #tpu.memory_space<hbm>>
      %dma_wait3A_503 = tpu.memref_slice %arg13[%dma_wait3A_494] : memref<10x!tpu.dma_semaphore, #tpu.memory_space<semaphore_mem>> -> memref<1x!tpu.dma_semaphore, #tpu.memory_space<semaphore_mem>>
      %dma_wait3A_504 = tpu.memref_squeeze %dma_wait3A_503 : memref<1x!tpu.dma_semaphore, #tpu.memory_space<semaphore_mem>> -> memref<!tpu.dma_semaphore, #tpu.memory_space<semaphore_mem>>
      tpu.wait_indirect_dma semaphore(%dma_wait3A_504 : memref<!tpu.dma_semaphore, #tpu.memory_space<semaphore_mem>>) src(%dma_wait3A_502 : memref<100000x64xf32, #tpu.memory_space<hbm>>) dst(%dma_wait3A_498 : memref<128x64xf32, #tpu.memory_space<vmem>>)
      %dma_start3A_505 = arith.constant 9 : i32
      %dma_start3A_506 = arith.constant 9 : i32
      %dma_start3A_507 = arith.constant 0 : i32
      %dma_start3A_508 = arith.constant 0 : i32
      %dma_start3A_509 = tpu.memref_slice %arg12[%dma_start3A_505, %dma_start3A_507, %dma_start3A_508] : memref<10x128x64xf32, #tpu.memory_space<vmem>> -> memref<1x128x64xf32, #tpu.memory_space<vmem>>
      %dma_start3A_510 = tpu.memref_squeeze %dma_start3A_509 : memref<1x128x64xf32, #tpu.memory_space<vmem>> -> memref<128x64xf32, #tpu.memory_space<vmem>>
      %dma_start3A_511 = tpu.memref_slice %arg10[%add3A_492] : memref<6400xi32, #tpu.memory_space<vmem>> -> memref<128xi32, #tpu.memory_space<vmem>>
      %dma_start3A_512 = arith.constant 0 : i32
      %dma_start3A_513 = arith.constant 0 : i32
      %dma_start3A_514 = tpu.memref_slice %arg6[%dma_start3A_512, %dma_start3A_513] : memref<5000x64xf32, #tpu.memory_space<hbm>> -> memref<5000x64xf32, #tpu.memory_space<hbm>>
      %dma_start3A_515 = tpu.memref_slice %arg14[%dma_start3A_506] : memref<10x!tpu.dma_semaphore, #tpu.memory_space<semaphore_mem>> -> memref<1x!tpu.dma_semaphore, #tpu.memory_space<semaphore_mem>>
      %dma_start3A_516 = tpu.memref_squeeze %dma_start3A_515 : memref<1x!tpu.dma_semaphore, #tpu.memory_space<semaphore_mem>> -> memref<!tpu.dma_semaphore, #tpu.memory_space<semaphore_mem>>
      tpu.enqueue_indirect_dma source(%dma_start3A_514 : memref<5000x64xf32, #tpu.memory_space<hbm>>) target(%dma_start3A_510 : memref<128x64xf32, #tpu.memory_space<vmem>>) offsets(%dma_start3A_511 : memref<128xi32, #tpu.memory_space<vmem>>) semaphore(%dma_start3A_516 : memref<!tpu.dma_semaphore, #tpu.memory_space<semaphore_mem>>) {add = true}
      %dma_start3A_517 = arith.constant 9 : i32
      %dma_start3A_518 = arith.constant 9 : i32
      %dma_start3A_519 = arith.constant 0 : i32
      %dma_start3A_520 = arith.constant 0 : i32
      %dma_start3A_521 = tpu.memref_slice %arg12[%dma_start3A_517, %dma_start3A_519, %dma_start3A_520] : memref<10x128x64xf32, #tpu.memory_space<vmem>> -> memref<1x128x64xf32, #tpu.memory_space<vmem>>
      %dma_start3A_522 = tpu.memref_squeeze %dma_start3A_521 : memref<1x128x64xf32, #tpu.memory_space<vmem>> -> memref<128x64xf32, #tpu.memory_space<vmem>>
      %dma_start3A_523 = tpu.memref_slice %arg11[%add3A_492] : memref<6400xi32, #tpu.memory_space<vmem>> -> memref<128xi32, #tpu.memory_space<vmem>>
      %dma_start3A_524 = arith.constant 0 : i32
      %dma_start3A_525 = arith.constant 0 : i32
      %dma_start3A_526 = tpu.memref_slice %arg7[%dma_start3A_524, %dma_start3A_525] : memref<5000x64xf32, #tpu.memory_space<hbm>> -> memref<5000x64xf32, #tpu.memory_space<hbm>>
      %dma_start3A_527 = tpu.memref_slice %arg14[%dma_start3A_518] : memref<10x!tpu.dma_semaphore, #tpu.memory_space<semaphore_mem>> -> memref<1x!tpu.dma_semaphore, #tpu.memory_space<semaphore_mem>>
      %dma_start3A_528 = tpu.memref_squeeze %dma_start3A_527 : memref<1x!tpu.dma_semaphore, #tpu.memory_space<semaphore_mem>> -> memref<!tpu.dma_semaphore, #tpu.memory_space<semaphore_mem>>
      tpu.enqueue_indirect_dma source(%dma_start3A_526 : memref<5000x64xf32, #tpu.memory_space<hbm>>) target(%dma_start3A_522 : memref<128x64xf32, #tpu.memory_space<vmem>>) offsets(%dma_start3A_523 : memref<128xi32, #tpu.memory_space<vmem>>) semaphore(%dma_start3A_528 : memref<!tpu.dma_semaphore, #tpu.memory_space<semaphore_mem>>) {add = true}
      %add3A_529 = arith.constant 0 : i32
      %add3A_530 = arith.addi %mul3A_10, %add3A_529 : i32
      %dma_wait3A_531 = arith.constant 0 : i32
      %dma_wait3A_532 = arith.constant 0 : i32
      %dma_wait3A_533 = arith.constant 0 : i32
      %dma_wait3A_534 = arith.constant 0 : i32
      %dma_wait3A_535 = tpu.memref_slice %arg12[%dma_wait3A_531, %dma_wait3A_533, %dma_wait3A_534] : memref<10x128x64xf32, #tpu.memory_space<vmem>> -> memref<1x128x64xf32, #tpu.memory_space<vmem>>
      %dma_wait3A_536 = tpu.memref_squeeze %dma_wait3A_535 : memref<1x128x64xf32, #tpu.memory_space<vmem>> -> memref<128x64xf32, #tpu.memory_space<vmem>>
      %dma_wait3A_537 = tpu.memref_slice %arg10[%add3A_151] : memref<6400xi32, #tpu.memory_space<vmem>> -> memref<128xi32, #tpu.memory_space<vmem>>
      %dma_wait3A_538 = arith.constant 0 : i32
      %dma_wait3A_539 = arith.constant 0 : i32
      %dma_wait3A_540 = tpu.memref_slice %arg6[%dma_wait3A_538, %dma_wait3A_539] : memref<5000x64xf32, #tpu.memory_space<hbm>> -> memref<5000x64xf32, #tpu.memory_space<hbm>>
      %dma_wait3A_541 = tpu.memref_slice %arg14[%dma_wait3A_532] : memref<10x!tpu.dma_semaphore, #tpu.memory_space<semaphore_mem>> -> memref<1x!tpu.dma_semaphore, #tpu.memory_space<semaphore_mem>>
      %dma_wait3A_542 = tpu.memref_squeeze %dma_wait3A_541 : memref<1x!tpu.dma_semaphore, #tpu.memory_space<semaphore_mem>> -> memref<!tpu.dma_semaphore, #tpu.memory_space<semaphore_mem>>
      tpu.wait_indirect_dma semaphore(%dma_wait3A_542 : memref<!tpu.dma_semaphore, #tpu.memory_space<semaphore_mem>>) src(%dma_wait3A_540 : memref<5000x64xf32, #tpu.memory_space<hbm>>) dst(%dma_wait3A_536 : memref<128x64xf32, #tpu.memory_space<vmem>>)
      %dma_wait3A_543 = arith.constant 0 : i32
      %dma_wait3A_544 = arith.constant 0 : i32
      %dma_wait3A_545 = arith.constant 0 : i32
      %dma_wait3A_546 = arith.constant 0 : i32
      %dma_wait3A_547 = tpu.memref_slice %arg12[%dma_wait3A_543, %dma_wait3A_545, %dma_wait3A_546] : memref<10x128x64xf32, #tpu.memory_space<vmem>> -> memref<1x128x64xf32, #tpu.memory_space<vmem>>
      %dma_wait3A_548 = tpu.memref_squeeze %dma_wait3A_547 : memref<1x128x64xf32, #tpu.memory_space<vmem>> -> memref<128x64xf32, #tpu.memory_space<vmem>>
      %dma_wait3A_549 = tpu.memref_slice %arg11[%add3A_151] : memref<6400xi32, #tpu.memory_space<vmem>> -> memref<128xi32, #tpu.memory_space<vmem>>
      %dma_wait3A_550 = arith.constant 0 : i32
      %dma_wait3A_551 = arith.constant 0 : i32
      %dma_wait3A_552 = tpu.memref_slice %arg7[%dma_wait3A_550, %dma_wait3A_551] : memref<5000x64xf32, #tpu.memory_space<hbm>> -> memref<5000x64xf32, #tpu.memory_space<hbm>>
      %dma_wait3A_553 = tpu.memref_slice %arg14[%dma_wait3A_544] : memref<10x!tpu.dma_semaphore, #tpu.memory_space<semaphore_mem>> -> memref<1x!tpu.dma_semaphore, #tpu.memory_space<semaphore_mem>>
      %dma_wait3A_554 = tpu.memref_squeeze %dma_wait3A_553 : memref<1x!tpu.dma_semaphore, #tpu.memory_space<semaphore_mem>> -> memref<!tpu.dma_semaphore, #tpu.memory_space<semaphore_mem>>
      tpu.wait_indirect_dma semaphore(%dma_wait3A_554 : memref<!tpu.dma_semaphore, #tpu.memory_space<semaphore_mem>>) src(%dma_wait3A_552 : memref<5000x64xf32, #tpu.memory_space<hbm>>) dst(%dma_wait3A_548 : memref<128x64xf32, #tpu.memory_space<vmem>>)
      %add3A_555 = arith.addi %mul3A_2, %add3A_530 : i32
      %dma_start3A_556 = arith.constant 0 : i32
      %dma_start3A_557 = arith.constant 0 : i32
      %dma_start3A_558 = arith.constant 0 : i32
      %dma_start3A_559 = arith.constant 0 : i32
      %dma_start3A_560 = tpu.memref_slice %arg12[%dma_start3A_556, %dma_start3A_558, %dma_start3A_559] : memref<10x128x64xf32, #tpu.memory_space<vmem>> -> memref<1x128x64xf32, #tpu.memory_space<vmem>>
      %dma_start3A_561 = tpu.memref_squeeze %dma_start3A_560 : memref<1x128x64xf32, #tpu.memory_space<vmem>> -> memref<128x64xf32, #tpu.memory_space<vmem>>
      %dma_start3A_562 = arith.constant 0 : i32
      %dma_start3A_563 = tpu.memref_slice %arg8[%add3A_555, %dma_start3A_562] : memref<204800x64xf32, #tpu.memory_space<hbm>> -> memref<128x64xf32, #tpu.memory_space<hbm>>
      %dma_start3A_564 = tpu.memref_slice %arg15[%dma_start3A_557] : memref<10x!tpu.dma_semaphore, #tpu.memory_space<semaphore_mem>> -> memref<1x!tpu.dma_semaphore, #tpu.memory_space<semaphore_mem>>
      %dma_start3A_565 = tpu.memref_squeeze %dma_start3A_564 : memref<1x!tpu.dma_semaphore, #tpu.memory_space<semaphore_mem>> -> memref<!tpu.dma_semaphore, #tpu.memory_space<semaphore_mem>>
      %dma_start3A_566 = arith.constant 0 : i32
      %dma_start3A_567 = tpu.memref_slice %arg8[%add3A_555, %dma_start3A_566] : memref<204800x64xf32, #tpu.memory_space<hbm>> -> memref<128x64xf32, #tpu.memory_space<hbm>>
      %dma_start3A_568 = arith.constant 0 : i32
      %dma_start3A_569 = arith.constant 0 : i32
      %dma_start3A_570 = tpu.memref_slice %arg12[%dma_start3A_556, %dma_start3A_568, %dma_start3A_569] : memref<10x128x64xf32, #tpu.memory_space<vmem>> -> memref<1x128x64xf32, #tpu.memory_space<vmem>>
      %dma_start3A_571 = tpu.memref_squeeze %dma_start3A_570 : memref<1x128x64xf32, #tpu.memory_space<vmem>> -> memref<128x64xf32, #tpu.memory_space<vmem>>
      tpu.enqueue_dma source(%dma_start3A_571 : memref<128x64xf32, #tpu.memory_space<vmem>>) target(%dma_start3A_567 : memref<128x64xf32, #tpu.memory_space<hbm>>) target_semaphore(%dma_start3A_565 : memref<!tpu.dma_semaphore, #tpu.memory_space<semaphore_mem>>)
      %add3A_572 = arith.constant 128 : i32
      %add3A_573 = arith.addi %mul3A_10, %add3A_572 : i32
      %dma_wait3A_574 = arith.constant 1 : i32
      %dma_wait3A_575 = arith.constant 1 : i32
      %dma_wait3A_576 = arith.constant 0 : i32
      %dma_wait3A_577 = arith.constant 0 : i32
      %dma_wait3A_578 = tpu.memref_slice %arg12[%dma_wait3A_574, %dma_wait3A_576, %dma_wait3A_577] : memref<10x128x64xf32, #tpu.memory_space<vmem>> -> memref<1x128x64xf32, #tpu.memory_space<vmem>>
      %dma_wait3A_579 = tpu.memref_squeeze %dma_wait3A_578 : memref<1x128x64xf32, #tpu.memory_space<vmem>> -> memref<128x64xf32, #tpu.memory_space<vmem>>
      %dma_wait3A_580 = tpu.memref_slice %arg10[%add3A_188] : memref<6400xi32, #tpu.memory_space<vmem>> -> memref<128xi32, #tpu.memory_space<vmem>>
      %dma_wait3A_581 = arith.constant 0 : i32
      %dma_wait3A_582 = arith.constant 0 : i32
      %dma_wait3A_583 = tpu.memref_slice %arg6[%dma_wait3A_581, %dma_wait3A_582] : memref<5000x64xf32, #tpu.memory_space<hbm>> -> memref<5000x64xf32, #tpu.memory_space<hbm>>
      %dma_wait3A_584 = tpu.memref_slice %arg14[%dma_wait3A_575] : memref<10x!tpu.dma_semaphore, #tpu.memory_space<semaphore_mem>> -> memref<1x!tpu.dma_semaphore, #tpu.memory_space<semaphore_mem>>
      %dma_wait3A_585 = tpu.memref_squeeze %dma_wait3A_584 : memref<1x!tpu.dma_semaphore, #tpu.memory_space<semaphore_mem>> -> memref<!tpu.dma_semaphore, #tpu.memory_space<semaphore_mem>>
      tpu.wait_indirect_dma semaphore(%dma_wait3A_585 : memref<!tpu.dma_semaphore, #tpu.memory_space<semaphore_mem>>) src(%dma_wait3A_583 : memref<5000x64xf32, #tpu.memory_space<hbm>>) dst(%dma_wait3A_579 : memref<128x64xf32, #tpu.memory_space<vmem>>)
      %dma_wait3A_586 = arith.constant 1 : i32
      %dma_wait3A_587 = arith.constant 1 : i32
      %dma_wait3A_588 = arith.constant 0 : i32
      %dma_wait3A_589 = arith.constant 0 : i32
      %dma_wait3A_590 = tpu.memref_slice %arg12[%dma_wait3A_586, %dma_wait3A_588, %dma_wait3A_589] : memref<10x128x64xf32, #tpu.memory_space<vmem>> -> memref<1x128x64xf32, #tpu.memory_space<vmem>>
      %dma_wait3A_591 = tpu.memref_squeeze %dma_wait3A_590 : memref<1x128x64xf32, #tpu.memory_space<vmem>> -> memref<128x64xf32, #tpu.memory_space<vmem>>
      %dma_wait3A_592 = tpu.memref_slice %arg11[%add3A_188] : memref<6400xi32, #tpu.memory_space<vmem>> -> memref<128xi32, #tpu.memory_space<vmem>>
      %dma_wait3A_593 = arith.constant 0 : i32
      %dma_wait3A_594 = arith.constant 0 : i32
      %dma_wait3A_595 = tpu.memref_slice %arg7[%dma_wait3A_593, %dma_wait3A_594] : memref<5000x64xf32, #tpu.memory_space<hbm>> -> memref<5000x64xf32, #tpu.memory_space<hbm>>
      %dma_wait3A_596 = tpu.memref_slice %arg14[%dma_wait3A_587] : memref<10x!tpu.dma_semaphore, #tpu.memory_space<semaphore_mem>> -> memref<1x!tpu.dma_semaphore, #tpu.memory_space<semaphore_mem>>
      %dma_wait3A_597 = tpu.memref_squeeze %dma_wait3A_596 : memref<1x!tpu.dma_semaphore, #tpu.memory_space<semaphore_mem>> -> memref<!tpu.dma_semaphore, #tpu.memory_space<semaphore_mem>>
      tpu.wait_indirect_dma semaphore(%dma_wait3A_597 : memref<!tpu.dma_semaphore, #tpu.memory_space<semaphore_mem>>) src(%dma_wait3A_595 : memref<5000x64xf32, #tpu.memory_space<hbm>>) dst(%dma_wait3A_591 : memref<128x64xf32, #tpu.memory_space<vmem>>)
      %add3A_598 = arith.addi %mul3A_2, %add3A_573 : i32
      %dma_start3A_599 = arith.constant 1 : i32
      %dma_start3A_600 = arith.constant 1 : i32
      %dma_start3A_601 = arith.constant 0 : i32
      %dma_start3A_602 = arith.constant 0 : i32
      %dma_start3A_603 = tpu.memref_slice %arg12[%dma_start3A_599, %dma_start3A_601, %dma_start3A_602] : memref<10x128x64xf32, #tpu.memory_space<vmem>> -> memref<1x128x64xf32, #tpu.memory_space<vmem>>
      %dma_start3A_604 = tpu.memref_squeeze %dma_start3A_603 : memref<1x128x64xf32, #tpu.memory_space<vmem>> -> memref<128x64xf32, #tpu.memory_space<vmem>>
      %dma_start3A_605 = arith.constant 0 : i32
      %dma_start3A_606 = tpu.memref_slice %arg8[%add3A_598, %dma_start3A_605] : memref<204800x64xf32, #tpu.memory_space<hbm>> -> memref<128x64xf32, #tpu.memory_space<hbm>>
      %dma_start3A_607 = tpu.memref_slice %arg15[%dma_start3A_600] : memref<10x!tpu.dma_semaphore, #tpu.memory_space<semaphore_mem>> -> memref<1x!tpu.dma_semaphore, #tpu.memory_space<semaphore_mem>>
      %dma_start3A_608 = tpu.memref_squeeze %dma_start3A_607 : memref<1x!tpu.dma_semaphore, #tpu.memory_space<semaphore_mem>> -> memref<!tpu.dma_semaphore, #tpu.memory_space<semaphore_mem>>
      %dma_start3A_609 = arith.constant 0 : i32
      %dma_start3A_610 = tpu.memref_slice %arg8[%add3A_598, %dma_start3A_609] : memref<204800x64xf32, #tpu.memory_space<hbm>> -> memref<128x64xf32, #tpu.memory_space<hbm>>
      %dma_start3A_611 = arith.constant 0 : i32
      %dma_start3A_612 = arith.constant 0 : i32
      %dma_start3A_613 = tpu.memref_slice %arg12[%dma_start3A_599, %dma_start3A_611, %dma_start3A_612] : memref<10x128x64xf32, #tpu.memory_space<vmem>> -> memref<1x128x64xf32, #tpu.memory_space<vmem>>
      %dma_start3A_614 = tpu.memref_squeeze %dma_start3A_613 : memref<1x128x64xf32, #tpu.memory_space<vmem>> -> memref<128x64xf32, #tpu.memory_space<vmem>>
      tpu.enqueue_dma source(%dma_start3A_614 : memref<128x64xf32, #tpu.memory_space<vmem>>) target(%dma_start3A_610 : memref<128x64xf32, #tpu.memory_space<hbm>>) target_semaphore(%dma_start3A_608 : memref<!tpu.dma_semaphore, #tpu.memory_space<semaphore_mem>>)
      %add3A_615 = arith.constant 256 : i32
      %add3A_616 = arith.addi %mul3A_10, %add3A_615 : i32
      %dma_wait3A_617 = arith.constant 2 : i32
      %dma_wait3A_618 = arith.constant 2 : i32
      %dma_wait3A_619 = arith.constant 0 : i32
      %dma_wait3A_620 = arith.constant 0 : i32
      %dma_wait3A_621 = tpu.memref_slice %arg12[%dma_wait3A_617, %dma_wait3A_619, %dma_wait3A_620] : memref<10x128x64xf32, #tpu.memory_space<vmem>> -> memref<1x128x64xf32, #tpu.memory_space<vmem>>
      %dma_wait3A_622 = tpu.memref_squeeze %dma_wait3A_621 : memref<1x128x64xf32, #tpu.memory_space<vmem>> -> memref<128x64xf32, #tpu.memory_space<vmem>>
      %dma_wait3A_623 = tpu.memref_slice %arg10[%add3A_226] : memref<6400xi32, #tpu.memory_space<vmem>> -> memref<128xi32, #tpu.memory_space<vmem>>
      %dma_wait3A_624 = arith.constant 0 : i32
      %dma_wait3A_625 = arith.constant 0 : i32
      %dma_wait3A_626 = tpu.memref_slice %arg6[%dma_wait3A_624, %dma_wait3A_625] : memref<5000x64xf32, #tpu.memory_space<hbm>> -> memref<5000x64xf32, #tpu.memory_space<hbm>>
      %dma_wait3A_627 = tpu.memref_slice %arg14[%dma_wait3A_618] : memref<10x!tpu.dma_semaphore, #tpu.memory_space<semaphore_mem>> -> memref<1x!tpu.dma_semaphore, #tpu.memory_space<semaphore_mem>>
      %dma_wait3A_628 = tpu.memref_squeeze %dma_wait3A_627 : memref<1x!tpu.dma_semaphore, #tpu.memory_space<semaphore_mem>> -> memref<!tpu.dma_semaphore, #tpu.memory_space<semaphore_mem>>
      tpu.wait_indirect_dma semaphore(%dma_wait3A_628 : memref<!tpu.dma_semaphore, #tpu.memory_space<semaphore_mem>>) src(%dma_wait3A_626 : memref<5000x64xf32, #tpu.memory_space<hbm>>) dst(%dma_wait3A_622 : memref<128x64xf32, #tpu.memory_space<vmem>>)
      %dma_wait3A_629 = arith.constant 2 : i32
      %dma_wait3A_630 = arith.constant 2 : i32
      %dma_wait3A_631 = arith.constant 0 : i32
      %dma_wait3A_632 = arith.constant 0 : i32
      %dma_wait3A_633 = tpu.memref_slice %arg12[%dma_wait3A_629, %dma_wait3A_631, %dma_wait3A_632] : memref<10x128x64xf32, #tpu.memory_space<vmem>> -> memref<1x128x64xf32, #tpu.memory_space<vmem>>
      %dma_wait3A_634 = tpu.memref_squeeze %dma_wait3A_633 : memref<1x128x64xf32, #tpu.memory_space<vmem>> -> memref<128x64xf32, #tpu.memory_space<vmem>>
      %dma_wait3A_635 = tpu.memref_slice %arg11[%add3A_226] : memref<6400xi32, #tpu.memory_space<vmem>> -> memref<128xi32, #tpu.memory_space<vmem>>
      %dma_wait3A_636 = arith.constant 0 : i32
      %dma_wait3A_637 = arith.constant 0 : i32
      %dma_wait3A_638 = tpu.memref_slice %arg7[%dma_wait3A_636, %dma_wait3A_637] : memref<5000x64xf32, #tpu.memory_space<hbm>> -> memref<5000x64xf32, #tpu.memory_space<hbm>>
      %dma_wait3A_639 = tpu.memref_slice %arg14[%dma_wait3A_630] : memref<10x!tpu.dma_semaphore, #tpu.memory_space<semaphore_mem>> -> memref<1x!tpu.dma_semaphore, #tpu.memory_space<semaphore_mem>>
      %dma_wait3A_640 = tpu.memref_squeeze %dma_wait3A_639 : memref<1x!tpu.dma_semaphore, #tpu.memory_space<semaphore_mem>> -> memref<!tpu.dma_semaphore, #tpu.memory_space<semaphore_mem>>
      tpu.wait_indirect_dma semaphore(%dma_wait3A_640 : memref<!tpu.dma_semaphore, #tpu.memory_space<semaphore_mem>>) src(%dma_wait3A_638 : memref<5000x64xf32, #tpu.memory_space<hbm>>) dst(%dma_wait3A_634 : memref<128x64xf32, #tpu.memory_space<vmem>>)
      %add3A_641 = arith.addi %mul3A_2, %add3A_616 : i32
      %dma_start3A_642 = arith.constant 2 : i32
      %dma_start3A_643 = arith.constant 2 : i32
      %dma_start3A_644 = arith.constant 0 : i32
      %dma_start3A_645 = arith.constant 0 : i32
      %dma_start3A_646 = tpu.memref_slice %arg12[%dma_start3A_642, %dma_start3A_644, %dma_start3A_645] : memref<10x128x64xf32, #tpu.memory_space<vmem>> -> memref<1x128x64xf32, #tpu.memory_space<vmem>>
      %dma_start3A_647 = tpu.memref_squeeze %dma_start3A_646 : memref<1x128x64xf32, #tpu.memory_space<vmem>> -> memref<128x64xf32, #tpu.memory_space<vmem>>
      %dma_start3A_648 = arith.constant 0 : i32
      %dma_start3A_649 = tpu.memref_slice %arg8[%add3A_641, %dma_start3A_648] : memref<204800x64xf32, #tpu.memory_space<hbm>> -> memref<128x64xf32, #tpu.memory_space<hbm>>
      %dma_start3A_650 = tpu.memref_slice %arg15[%dma_start3A_643] : memref<10x!tpu.dma_semaphore, #tpu.memory_space<semaphore_mem>> -> memref<1x!tpu.dma_semaphore, #tpu.memory_space<semaphore_mem>>
      %dma_start3A_651 = tpu.memref_squeeze %dma_start3A_650 : memref<1x!tpu.dma_semaphore, #tpu.memory_space<semaphore_mem>> -> memref<!tpu.dma_semaphore, #tpu.memory_space<semaphore_mem>>
      %dma_start3A_652 = arith.constant 0 : i32
      %dma_start3A_653 = tpu.memref_slice %arg8[%add3A_641, %dma_start3A_652] : memref<204800x64xf32, #tpu.memory_space<hbm>> -> memref<128x64xf32, #tpu.memory_space<hbm>>
      %dma_start3A_654 = arith.constant 0 : i32
      %dma_start3A_655 = arith.constant 0 : i32
      %dma_start3A_656 = tpu.memref_slice %arg12[%dma_start3A_642, %dma_start3A_654, %dma_start3A_655] : memref<10x128x64xf32, #tpu.memory_space<vmem>> -> memref<1x128x64xf32, #tpu.memory_space<vmem>>
      %dma_start3A_657 = tpu.memref_squeeze %dma_start3A_656 : memref<1x128x64xf32, #tpu.memory_space<vmem>> -> memref<128x64xf32, #tpu.memory_space<vmem>>
      tpu.enqueue_dma source(%dma_start3A_657 : memref<128x64xf32, #tpu.memory_space<vmem>>) target(%dma_start3A_653 : memref<128x64xf32, #tpu.memory_space<hbm>>) target_semaphore(%dma_start3A_651 : memref<!tpu.dma_semaphore, #tpu.memory_space<semaphore_mem>>)
      %add3A_658 = arith.constant 384 : i32
      %add3A_659 = arith.addi %mul3A_10, %add3A_658 : i32
      %dma_wait3A_660 = arith.constant 3 : i32
      %dma_wait3A_661 = arith.constant 3 : i32
      %dma_wait3A_662 = arith.constant 0 : i32
      %dma_wait3A_663 = arith.constant 0 : i32
      %dma_wait3A_664 = tpu.memref_slice %arg12[%dma_wait3A_660, %dma_wait3A_662, %dma_wait3A_663] : memref<10x128x64xf32, #tpu.memory_space<vmem>> -> memref<1x128x64xf32, #tpu.memory_space<vmem>>
      %dma_wait3A_665 = tpu.memref_squeeze %dma_wait3A_664 : memref<1x128x64xf32, #tpu.memory_space<vmem>> -> memref<128x64xf32, #tpu.memory_space<vmem>>
      %dma_wait3A_666 = tpu.memref_slice %arg10[%add3A_264] : memref<6400xi32, #tpu.memory_space<vmem>> -> memref<128xi32, #tpu.memory_space<vmem>>
      %dma_wait3A_667 = arith.constant 0 : i32
      %dma_wait3A_668 = arith.constant 0 : i32
      %dma_wait3A_669 = tpu.memref_slice %arg6[%dma_wait3A_667, %dma_wait3A_668] : memref<5000x64xf32, #tpu.memory_space<hbm>> -> memref<5000x64xf32, #tpu.memory_space<hbm>>
      %dma_wait3A_670 = tpu.memref_slice %arg14[%dma_wait3A_661] : memref<10x!tpu.dma_semaphore, #tpu.memory_space<semaphore_mem>> -> memref<1x!tpu.dma_semaphore, #tpu.memory_space<semaphore_mem>>
      %dma_wait3A_671 = tpu.memref_squeeze %dma_wait3A_670 : memref<1x!tpu.dma_semaphore, #tpu.memory_space<semaphore_mem>> -> memref<!tpu.dma_semaphore, #tpu.memory_space<semaphore_mem>>
      tpu.wait_indirect_dma semaphore(%dma_wait3A_671 : memref<!tpu.dma_semaphore, #tpu.memory_space<semaphore_mem>>) src(%dma_wait3A_669 : memref<5000x64xf32, #tpu.memory_space<hbm>>) dst(%dma_wait3A_665 : memref<128x64xf32, #tpu.memory_space<vmem>>)
      %dma_wait3A_672 = arith.constant 3 : i32
      %dma_wait3A_673 = arith.constant 3 : i32
      %dma_wait3A_674 = arith.constant 0 : i32
      %dma_wait3A_675 = arith.constant 0 : i32
      %dma_wait3A_676 = tpu.memref_slice %arg12[%dma_wait3A_672, %dma_wait3A_674, %dma_wait3A_675] : memref<10x128x64xf32, #tpu.memory_space<vmem>> -> memref<1x128x64xf32, #tpu.memory_space<vmem>>
      %dma_wait3A_677 = tpu.memref_squeeze %dma_wait3A_676 : memref<1x128x64xf32, #tpu.memory_space<vmem>> -> memref<128x64xf32, #tpu.memory_space<vmem>>
      %dma_wait3A_678 = tpu.memref_slice %arg11[%add3A_264] : memref<6400xi32, #tpu.memory_space<vmem>> -> memref<128xi32, #tpu.memory_space<vmem>>
      %dma_wait3A_679 = arith.constant 0 : i32
      %dma_wait3A_680 = arith.constant 0 : i32
      %dma_wait3A_681 = tpu.memref_slice %arg7[%dma_wait3A_679, %dma_wait3A_680] : memref<5000x64xf32, #tpu.memory_space<hbm>> -> memref<5000x64xf32, #tpu.memory_space<hbm>>
      %dma_wait3A_682 = tpu.memref_slice %arg14[%dma_wait3A_673] : memref<10x!tpu.dma_semaphore, #tpu.memory_space<semaphore_mem>> -> memref<1x!tpu.dma_semaphore, #tpu.memory_space<semaphore_mem>>
      %dma_wait3A_683 = tpu.memref_squeeze %dma_wait3A_682 : memref<1x!tpu.dma_semaphore, #tpu.memory_space<semaphore_mem>> -> memref<!tpu.dma_semaphore, #tpu.memory_space<semaphore_mem>>
      tpu.wait_indirect_dma semaphore(%dma_wait3A_683 : memref<!tpu.dma_semaphore, #tpu.memory_space<semaphore_mem>>) src(%dma_wait3A_681 : memref<5000x64xf32, #tpu.memory_space<hbm>>) dst(%dma_wait3A_677 : memref<128x64xf32, #tpu.memory_space<vmem>>)
      %add3A_684 = arith.addi %mul3A_2, %add3A_659 : i32
      %dma_start3A_685 = arith.constant 3 : i32
      %dma_start3A_686 = arith.constant 3 : i32
      %dma_start3A_687 = arith.constant 0 : i32
      %dma_start3A_688 = arith.constant 0 : i32
      %dma_start3A_689 = tpu.memref_slice %arg12[%dma_start3A_685, %dma_start3A_687, %dma_start3A_688] : memref<10x128x64xf32, #tpu.memory_space<vmem>> -> memref<1x128x64xf32, #tpu.memory_space<vmem>>
      %dma_start3A_690 = tpu.memref_squeeze %dma_start3A_689 : memref<1x128x64xf32, #tpu.memory_space<vmem>> -> memref<128x64xf32, #tpu.memory_space<vmem>>
      %dma_start3A_691 = arith.constant 0 : i32
      %dma_start3A_692 = tpu.memref_slice %arg8[%add3A_684, %dma_start3A_691] : memref<204800x64xf32, #tpu.memory_space<hbm>> -> memref<128x64xf32, #tpu.memory_space<hbm>>
      %dma_start3A_693 = tpu.memref_slice %arg15[%dma_start3A_686] : memref<10x!tpu.dma_semaphore, #tpu.memory_space<semaphore_mem>> -> memref<1x!tpu.dma_semaphore, #tpu.memory_space<semaphore_mem>>
      %dma_start3A_694 = tpu.memref_squeeze %dma_start3A_693 : memref<1x!tpu.dma_semaphore, #tpu.memory_space<semaphore_mem>> -> memref<!tpu.dma_semaphore, #tpu.memory_space<semaphore_mem>>
      %dma_start3A_695 = arith.constant 0 : i32
      %dma_start3A_696 = tpu.memref_slice %arg8[%add3A_684, %dma_start3A_695] : memref<204800x64xf32, #tpu.memory_space<hbm>> -> memref<128x64xf32, #tpu.memory_space<hbm>>
      %dma_start3A_697 = arith.constant 0 : i32
      %dma_start3A_698 = arith.constant 0 : i32
      %dma_start3A_699 = tpu.memref_slice %arg12[%dma_start3A_685, %dma_start3A_697, %dma_start3A_698] : memref<10x128x64xf32, #tpu.memory_space<vmem>> -> memref<1x128x64xf32, #tpu.memory_space<vmem>>
      %dma_start3A_700 = tpu.memref_squeeze %dma_start3A_699 : memref<1x128x64xf32, #tpu.memory_space<vmem>> -> memref<128x64xf32, #tpu.memory_space<vmem>>
      tpu.enqueue_dma source(%dma_start3A_700 : memref<128x64xf32, #tpu.memory_space<vmem>>) target(%dma_start3A_696 : memref<128x64xf32, #tpu.memory_space<hbm>>) target_semaphore(%dma_start3A_694 : memref<!tpu.dma_semaphore, #tpu.memory_space<semaphore_mem>>)
      %add3A_701 = arith.constant 512 : i32
      %add3A_702 = arith.addi %mul3A_10, %add3A_701 : i32
      %dma_wait3A_703 = arith.constant 4 : i32
      %dma_wait3A_704 = arith.constant 4 : i32
      %dma_wait3A_705 = arith.constant 0 : i32
      %dma_wait3A_706 = arith.constant 0 : i32
      %dma_wait3A_707 = tpu.memref_slice %arg12[%dma_wait3A_703, %dma_wait3A_705, %dma_wait3A_706] : memref<10x128x64xf32, #tpu.memory_space<vmem>> -> memref<1x128x64xf32, #tpu.memory_space<vmem>>
      %dma_wait3A_708 = tpu.memref_squeeze %dma_wait3A_707 : memref<1x128x64xf32, #tpu.memory_space<vmem>> -> memref<128x64xf32, #tpu.memory_space<vmem>>
      %dma_wait3A_709 = tpu.memref_slice %arg10[%add3A_302] : memref<6400xi32, #tpu.memory_space<vmem>> -> memref<128xi32, #tpu.memory_space<vmem>>
      %dma_wait3A_710 = arith.constant 0 : i32
      %dma_wait3A_711 = arith.constant 0 : i32
      %dma_wait3A_712 = tpu.memref_slice %arg6[%dma_wait3A_710, %dma_wait3A_711] : memref<5000x64xf32, #tpu.memory_space<hbm>> -> memref<5000x64xf32, #tpu.memory_space<hbm>>
      %dma_wait3A_713 = tpu.memref_slice %arg14[%dma_wait3A_704] : memref<10x!tpu.dma_semaphore, #tpu.memory_space<semaphore_mem>> -> memref<1x!tpu.dma_semaphore, #tpu.memory_space<semaphore_mem>>
      %dma_wait3A_714 = tpu.memref_squeeze %dma_wait3A_713 : memref<1x!tpu.dma_semaphore, #tpu.memory_space<semaphore_mem>> -> memref<!tpu.dma_semaphore, #tpu.memory_space<semaphore_mem>>
      tpu.wait_indirect_dma semaphore(%dma_wait3A_714 : memref<!tpu.dma_semaphore, #tpu.memory_space<semaphore_mem>>) src(%dma_wait3A_712 : memref<5000x64xf32, #tpu.memory_space<hbm>>) dst(%dma_wait3A_708 : memref<128x64xf32, #tpu.memory_space<vmem>>)
      %dma_wait3A_715 = arith.constant 4 : i32
      %dma_wait3A_716 = arith.constant 4 : i32
      %dma_wait3A_717 = arith.constant 0 : i32
      %dma_wait3A_718 = arith.constant 0 : i32
      %dma_wait3A_719 = tpu.memref_slice %arg12[%dma_wait3A_715, %dma_wait3A_717, %dma_wait3A_718] : memref<10x128x64xf32, #tpu.memory_space<vmem>> -> memref<1x128x64xf32, #tpu.memory_space<vmem>>
      %dma_wait3A_720 = tpu.memref_squeeze %dma_wait3A_719 : memref<1x128x64xf32, #tpu.memory_space<vmem>> -> memref<128x64xf32, #tpu.memory_space<vmem>>
      %dma_wait3A_721 = tpu.memref_slice %arg11[%add3A_302] : memref<6400xi32, #tpu.memory_space<vmem>> -> memref<128xi32, #tpu.memory_space<vmem>>
      %dma_wait3A_722 = arith.constant 0 : i32
      %dma_wait3A_723 = arith.constant 0 : i32
      %dma_wait3A_724 = tpu.memref_slice %arg7[%dma_wait3A_722, %dma_wait3A_723] : memref<5000x64xf32, #tpu.memory_space<hbm>> -> memref<5000x64xf32, #tpu.memory_space<hbm>>
      %dma_wait3A_725 = tpu.memref_slice %arg14[%dma_wait3A_716] : memref<10x!tpu.dma_semaphore, #tpu.memory_space<semaphore_mem>> -> memref<1x!tpu.dma_semaphore, #tpu.memory_space<semaphore_mem>>
      %dma_wait3A_726 = tpu.memref_squeeze %dma_wait3A_725 : memref<1x!tpu.dma_semaphore, #tpu.memory_space<semaphore_mem>> -> memref<!tpu.dma_semaphore, #tpu.memory_space<semaphore_mem>>
      tpu.wait_indirect_dma semaphore(%dma_wait3A_726 : memref<!tpu.dma_semaphore, #tpu.memory_space<semaphore_mem>>) src(%dma_wait3A_724 : memref<5000x64xf32, #tpu.memory_space<hbm>>) dst(%dma_wait3A_720 : memref<128x64xf32, #tpu.memory_space<vmem>>)
      %add3A_727 = arith.addi %mul3A_2, %add3A_702 : i32
      %dma_start3A_728 = arith.constant 4 : i32
      %dma_start3A_729 = arith.constant 4 : i32
      %dma_start3A_730 = arith.constant 0 : i32
      %dma_start3A_731 = arith.constant 0 : i32
      %dma_start3A_732 = tpu.memref_slice %arg12[%dma_start3A_728, %dma_start3A_730, %dma_start3A_731] : memref<10x128x64xf32, #tpu.memory_space<vmem>> -> memref<1x128x64xf32, #tpu.memory_space<vmem>>
      %dma_start3A_733 = tpu.memref_squeeze %dma_start3A_732 : memref<1x128x64xf32, #tpu.memory_space<vmem>> -> memref<128x64xf32, #tpu.memory_space<vmem>>
      %dma_start3A_734 = arith.constant 0 : i32
      %dma_start3A_735 = tpu.memref_slice %arg8[%add3A_727, %dma_start3A_734] : memref<204800x64xf32, #tpu.memory_space<hbm>> -> memref<128x64xf32, #tpu.memory_space<hbm>>
      %dma_start3A_736 = tpu.memref_slice %arg15[%dma_start3A_729] : memref<10x!tpu.dma_semaphore, #tpu.memory_space<semaphore_mem>> -> memref<1x!tpu.dma_semaphore, #tpu.memory_space<semaphore_mem>>
      %dma_start3A_737 = tpu.memref_squeeze %dma_start3A_736 : memref<1x!tpu.dma_semaphore, #tpu.memory_space<semaphore_mem>> -> memref<!tpu.dma_semaphore, #tpu.memory_space<semaphore_mem>>
      %dma_start3A_738 = arith.constant 0 : i32
      %dma_start3A_739 = tpu.memref_slice %arg8[%add3A_727, %dma_start3A_738] : memref<204800x64xf32, #tpu.memory_space<hbm>> -> memref<128x64xf32, #tpu.memory_space<hbm>>
      %dma_start3A_740 = arith.constant 0 : i32
      %dma_start3A_741 = arith.constant 0 : i32
      %dma_start3A_742 = tpu.memref_slice %arg12[%dma_start3A_728, %dma_start3A_740, %dma_start3A_741] : memref<10x128x64xf32, #tpu.memory_space<vmem>> -> memref<1x128x64xf32, #tpu.memory_space<vmem>>
      %dma_start3A_743 = tpu.memref_squeeze %dma_start3A_742 : memref<1x128x64xf32, #tpu.memory_space<vmem>> -> memref<128x64xf32, #tpu.memory_space<vmem>>
      tpu.enqueue_dma source(%dma_start3A_743 : memref<128x64xf32, #tpu.memory_space<vmem>>) target(%dma_start3A_739 : memref<128x64xf32, #tpu.memory_space<hbm>>) target_semaphore(%dma_start3A_737 : memref<!tpu.dma_semaphore, #tpu.memory_space<semaphore_mem>>)
      %add3A_744 = arith.constant 640 : i32
      %add3A_745 = arith.addi %mul3A_10, %add3A_744 : i32
      %dma_wait3A_746 = arith.constant 5 : i32
      %dma_wait3A_747 = arith.constant 5 : i32
      %dma_wait3A_748 = arith.constant 0 : i32
      %dma_wait3A_749 = arith.constant 0 : i32
      %dma_wait3A_750 = tpu.memref_slice %arg12[%dma_wait3A_746, %dma_wait3A_748, %dma_wait3A_749] : memref<10x128x64xf32, #tpu.memory_space<vmem>> -> memref<1x128x64xf32, #tpu.memory_space<vmem>>
      %dma_wait3A_751 = tpu.memref_squeeze %dma_wait3A_750 : memref<1x128x64xf32, #tpu.memory_space<vmem>> -> memref<128x64xf32, #tpu.memory_space<vmem>>
      %dma_wait3A_752 = tpu.memref_slice %arg10[%add3A_340] : memref<6400xi32, #tpu.memory_space<vmem>> -> memref<128xi32, #tpu.memory_space<vmem>>
      %dma_wait3A_753 = arith.constant 0 : i32
      %dma_wait3A_754 = arith.constant 0 : i32
      %dma_wait3A_755 = tpu.memref_slice %arg6[%dma_wait3A_753, %dma_wait3A_754] : memref<5000x64xf32, #tpu.memory_space<hbm>> -> memref<5000x64xf32, #tpu.memory_space<hbm>>
      %dma_wait3A_756 = tpu.memref_slice %arg14[%dma_wait3A_747] : memref<10x!tpu.dma_semaphore, #tpu.memory_space<semaphore_mem>> -> memref<1x!tpu.dma_semaphore, #tpu.memory_space<semaphore_mem>>
      %dma_wait3A_757 = tpu.memref_squeeze %dma_wait3A_756 : memref<1x!tpu.dma_semaphore, #tpu.memory_space<semaphore_mem>> -> memref<!tpu.dma_semaphore, #tpu.memory_space<semaphore_mem>>
      tpu.wait_indirect_dma semaphore(%dma_wait3A_757 : memref<!tpu.dma_semaphore, #tpu.memory_space<semaphore_mem>>) src(%dma_wait3A_755 : memref<5000x64xf32, #tpu.memory_space<hbm>>) dst(%dma_wait3A_751 : memref<128x64xf32, #tpu.memory_space<vmem>>)
      %dma_wait3A_758 = arith.constant 5 : i32
      %dma_wait3A_759 = arith.constant 5 : i32
      %dma_wait3A_760 = arith.constant 0 : i32
      %dma_wait3A_761 = arith.constant 0 : i32
      %dma_wait3A_762 = tpu.memref_slice %arg12[%dma_wait3A_758, %dma_wait3A_760, %dma_wait3A_761] : memref<10x128x64xf32, #tpu.memory_space<vmem>> -> memref<1x128x64xf32, #tpu.memory_space<vmem>>
      %dma_wait3A_763 = tpu.memref_squeeze %dma_wait3A_762 : memref<1x128x64xf32, #tpu.memory_space<vmem>> -> memref<128x64xf32, #tpu.memory_space<vmem>>
      %dma_wait3A_764 = tpu.memref_slice %arg11[%add3A_340] : memref<6400xi32, #tpu.memory_space<vmem>> -> memref<128xi32, #tpu.memory_space<vmem>>
      %dma_wait3A_765 = arith.constant 0 : i32
      %dma_wait3A_766 = arith.constant 0 : i32
      %dma_wait3A_767 = tpu.memref_slice %arg7[%dma_wait3A_765, %dma_wait3A_766] : memref<5000x64xf32, #tpu.memory_space<hbm>> -> memref<5000x64xf32, #tpu.memory_space<hbm>>
      %dma_wait3A_768 = tpu.memref_slice %arg14[%dma_wait3A_759] : memref<10x!tpu.dma_semaphore, #tpu.memory_space<semaphore_mem>> -> memref<1x!tpu.dma_semaphore, #tpu.memory_space<semaphore_mem>>
      %dma_wait3A_769 = tpu.memref_squeeze %dma_wait3A_768 : memref<1x!tpu.dma_semaphore, #tpu.memory_space<semaphore_mem>> -> memref<!tpu.dma_semaphore, #tpu.memory_space<semaphore_mem>>
      tpu.wait_indirect_dma semaphore(%dma_wait3A_769 : memref<!tpu.dma_semaphore, #tpu.memory_space<semaphore_mem>>) src(%dma_wait3A_767 : memref<5000x64xf32, #tpu.memory_space<hbm>>) dst(%dma_wait3A_763 : memref<128x64xf32, #tpu.memory_space<vmem>>)
      %add3A_770 = arith.addi %mul3A_2, %add3A_745 : i32
      %dma_start3A_771 = arith.constant 5 : i32
      %dma_start3A_772 = arith.constant 5 : i32
      %dma_start3A_773 = arith.constant 0 : i32
      %dma_start3A_774 = arith.constant 0 : i32
      %dma_start3A_775 = tpu.memref_slice %arg12[%dma_start3A_771, %dma_start3A_773, %dma_start3A_774] : memref<10x128x64xf32, #tpu.memory_space<vmem>> -> memref<1x128x64xf32, #tpu.memory_space<vmem>>
      %dma_start3A_776 = tpu.memref_squeeze %dma_start3A_775 : memref<1x128x64xf32, #tpu.memory_space<vmem>> -> memref<128x64xf32, #tpu.memory_space<vmem>>
      %dma_start3A_777 = arith.constant 0 : i32
      %dma_start3A_778 = tpu.memref_slice %arg8[%add3A_770, %dma_start3A_777] : memref<204800x64xf32, #tpu.memory_space<hbm>> -> memref<128x64xf32, #tpu.memory_space<hbm>>
      %dma_start3A_779 = tpu.memref_slice %arg15[%dma_start3A_772] : memref<10x!tpu.dma_semaphore, #tpu.memory_space<semaphore_mem>> -> memref<1x!tpu.dma_semaphore, #tpu.memory_space<semaphore_mem>>
      %dma_start3A_780 = tpu.memref_squeeze %dma_start3A_779 : memref<1x!tpu.dma_semaphore, #tpu.memory_space<semaphore_mem>> -> memref<!tpu.dma_semaphore, #tpu.memory_space<semaphore_mem>>
      %dma_start3A_781 = arith.constant 0 : i32
      %dma_start3A_782 = tpu.memref_slice %arg8[%add3A_770, %dma_start3A_781] : memref<204800x64xf32, #tpu.memory_space<hbm>> -> memref<128x64xf32, #tpu.memory_space<hbm>>
      %dma_start3A_783 = arith.constant 0 : i32
      %dma_start3A_784 = arith.constant 0 : i32
      %dma_start3A_785 = tpu.memref_slice %arg12[%dma_start3A_771, %dma_start3A_783, %dma_start3A_784] : memref<10x128x64xf32, #tpu.memory_space<vmem>> -> memref<1x128x64xf32, #tpu.memory_space<vmem>>
      %dma_start3A_786 = tpu.memref_squeeze %dma_start3A_785 : memref<1x128x64xf32, #tpu.memory_space<vmem>> -> memref<128x64xf32, #tpu.memory_space<vmem>>
      tpu.enqueue_dma source(%dma_start3A_786 : memref<128x64xf32, #tpu.memory_space<vmem>>) target(%dma_start3A_782 : memref<128x64xf32, #tpu.memory_space<hbm>>) target_semaphore(%dma_start3A_780 : memref<!tpu.dma_semaphore, #tpu.memory_space<semaphore_mem>>)
      %add3A_787 = arith.constant 768 : i32
      %add3A_788 = arith.addi %mul3A_10, %add3A_787 : i32
      %dma_wait3A_789 = arith.constant 6 : i32
      %dma_wait3A_790 = arith.constant 6 : i32
      %dma_wait3A_791 = arith.constant 0 : i32
      %dma_wait3A_792 = arith.constant 0 : i32
      %dma_wait3A_793 = tpu.memref_slice %arg12[%dma_wait3A_789, %dma_wait3A_791, %dma_wait3A_792] : memref<10x128x64xf32, #tpu.memory_space<vmem>> -> memref<1x128x64xf32, #tpu.memory_space<vmem>>
      %dma_wait3A_794 = tpu.memref_squeeze %dma_wait3A_793 : memref<1x128x64xf32, #tpu.memory_space<vmem>> -> memref<128x64xf32, #tpu.memory_space<vmem>>
      %dma_wait3A_795 = tpu.memref_slice %arg10[%add3A_378] : memref<6400xi32, #tpu.memory_space<vmem>> -> memref<128xi32, #tpu.memory_space<vmem>>
      %dma_wait3A_796 = arith.constant 0 : i32
      %dma_wait3A_797 = arith.constant 0 : i32
      %dma_wait3A_798 = tpu.memref_slice %arg6[%dma_wait3A_796, %dma_wait3A_797] : memref<5000x64xf32, #tpu.memory_space<hbm>> -> memref<5000x64xf32, #tpu.memory_space<hbm>>
      %dma_wait3A_799 = tpu.memref_slice %arg14[%dma_wait3A_790] : memref<10x!tpu.dma_semaphore, #tpu.memory_space<semaphore_mem>> -> memref<1x!tpu.dma_semaphore, #tpu.memory_space<semaphore_mem>>
      %dma_wait3A_800 = tpu.memref_squeeze %dma_wait3A_799 : memref<1x!tpu.dma_semaphore, #tpu.memory_space<semaphore_mem>> -> memref<!tpu.dma_semaphore, #tpu.memory_space<semaphore_mem>>
      tpu.wait_indirect_dma semaphore(%dma_wait3A_800 : memref<!tpu.dma_semaphore, #tpu.memory_space<semaphore_mem>>) src(%dma_wait3A_798 : memref<5000x64xf32, #tpu.memory_space<hbm>>) dst(%dma_wait3A_794 : memref<128x64xf32, #tpu.memory_space<vmem>>)
      %dma_wait3A_801 = arith.constant 6 : i32
      %dma_wait3A_802 = arith.constant 6 : i32
      %dma_wait3A_803 = arith.constant 0 : i32
      %dma_wait3A_804 = arith.constant 0 : i32
      %dma_wait3A_805 = tpu.memref_slice %arg12[%dma_wait3A_801, %dma_wait3A_803, %dma_wait3A_804] : memref<10x128x64xf32, #tpu.memory_space<vmem>> -> memref<1x128x64xf32, #tpu.memory_space<vmem>>
      %dma_wait3A_806 = tpu.memref_squeeze %dma_wait3A_805 : memref<1x128x64xf32, #tpu.memory_space<vmem>> -> memref<128x64xf32, #tpu.memory_space<vmem>>
      %dma_wait3A_807 = tpu.memref_slice %arg11[%add3A_378] : memref<6400xi32, #tpu.memory_space<vmem>> -> memref<128xi32, #tpu.memory_space<vmem>>
      %dma_wait3A_808 = arith.constant 0 : i32
      %dma_wait3A_809 = arith.constant 0 : i32
      %dma_wait3A_810 = tpu.memref_slice %arg7[%dma_wait3A_808, %dma_wait3A_809] : memref<5000x64xf32, #tpu.memory_space<hbm>> -> memref<5000x64xf32, #tpu.memory_space<hbm>>
      %dma_wait3A_811 = tpu.memref_slice %arg14[%dma_wait3A_802] : memref<10x!tpu.dma_semaphore, #tpu.memory_space<semaphore_mem>> -> memref<1x!tpu.dma_semaphore, #tpu.memory_space<semaphore_mem>>
      %dma_wait3A_812 = tpu.memref_squeeze %dma_wait3A_811 : memref<1x!tpu.dma_semaphore, #tpu.memory_space<semaphore_mem>> -> memref<!tpu.dma_semaphore, #tpu.memory_space<semaphore_mem>>
      tpu.wait_indirect_dma semaphore(%dma_wait3A_812 : memref<!tpu.dma_semaphore, #tpu.memory_space<semaphore_mem>>) src(%dma_wait3A_810 : memref<5000x64xf32, #tpu.memory_space<hbm>>) dst(%dma_wait3A_806 : memref<128x64xf32, #tpu.memory_space<vmem>>)
      %add3A_813 = arith.addi %mul3A_2, %add3A_788 : i32
      %dma_start3A_814 = arith.constant 6 : i32
      %dma_start3A_815 = arith.constant 6 : i32
      %dma_start3A_816 = arith.constant 0 : i32
      %dma_start3A_817 = arith.constant 0 : i32
      %dma_start3A_818 = tpu.memref_slice %arg12[%dma_start3A_814, %dma_start3A_816, %dma_start3A_817] : memref<10x128x64xf32, #tpu.memory_space<vmem>> -> memref<1x128x64xf32, #tpu.memory_space<vmem>>
      %dma_start3A_819 = tpu.memref_squeeze %dma_start3A_818 : memref<1x128x64xf32, #tpu.memory_space<vmem>> -> memref<128x64xf32, #tpu.memory_space<vmem>>
      %dma_start3A_820 = arith.constant 0 : i32
      %dma_start3A_821 = tpu.memref_slice %arg8[%add3A_813, %dma_start3A_820] : memref<204800x64xf32, #tpu.memory_space<hbm>> -> memref<128x64xf32, #tpu.memory_space<hbm>>
      %dma_start3A_822 = tpu.memref_slice %arg15[%dma_start3A_815] : memref<10x!tpu.dma_semaphore, #tpu.memory_space<semaphore_mem>> -> memref<1x!tpu.dma_semaphore, #tpu.memory_space<semaphore_mem>>
      %dma_start3A_823 = tpu.memref_squeeze %dma_start3A_822 : memref<1x!tpu.dma_semaphore, #tpu.memory_space<semaphore_mem>> -> memref<!tpu.dma_semaphore, #tpu.memory_space<semaphore_mem>>
      %dma_start3A_824 = arith.constant 0 : i32
      %dma_start3A_825 = tpu.memref_slice %arg8[%add3A_813, %dma_start3A_824] : memref<204800x64xf32, #tpu.memory_space<hbm>> -> memref<128x64xf32, #tpu.memory_space<hbm>>
      %dma_start3A_826 = arith.constant 0 : i32
      %dma_start3A_827 = arith.constant 0 : i32
      %dma_start3A_828 = tpu.memref_slice %arg12[%dma_start3A_814, %dma_start3A_826, %dma_start3A_827] : memref<10x128x64xf32, #tpu.memory_space<vmem>> -> memref<1x128x64xf32, #tpu.memory_space<vmem>>
      %dma_start3A_829 = tpu.memref_squeeze %dma_start3A_828 : memref<1x128x64xf32, #tpu.memory_space<vmem>> -> memref<128x64xf32, #tpu.memory_space<vmem>>
      tpu.enqueue_dma source(%dma_start3A_829 : memref<128x64xf32, #tpu.memory_space<vmem>>) target(%dma_start3A_825 : memref<128x64xf32, #tpu.memory_space<hbm>>) target_semaphore(%dma_start3A_823 : memref<!tpu.dma_semaphore, #tpu.memory_space<semaphore_mem>>)
      %add3A_830 = arith.constant 896 : i32
      %add3A_831 = arith.addi %mul3A_10, %add3A_830 : i32
      %dma_wait3A_832 = arith.constant 7 : i32
      %dma_wait3A_833 = arith.constant 7 : i32
      %dma_wait3A_834 = arith.constant 0 : i32
      %dma_wait3A_835 = arith.constant 0 : i32
      %dma_wait3A_836 = tpu.memref_slice %arg12[%dma_wait3A_832, %dma_wait3A_834, %dma_wait3A_835] : memref<10x128x64xf32, #tpu.memory_space<vmem>> -> memref<1x128x64xf32, #tpu.memory_space<vmem>>
      %dma_wait3A_837 = tpu.memref_squeeze %dma_wait3A_836 : memref<1x128x64xf32, #tpu.memory_space<vmem>> -> memref<128x64xf32, #tpu.memory_space<vmem>>
      %dma_wait3A_838 = tpu.memref_slice %arg10[%add3A_416] : memref<6400xi32, #tpu.memory_space<vmem>> -> memref<128xi32, #tpu.memory_space<vmem>>
      %dma_wait3A_839 = arith.constant 0 : i32
      %dma_wait3A_840 = arith.constant 0 : i32
      %dma_wait3A_841 = tpu.memref_slice %arg6[%dma_wait3A_839, %dma_wait3A_840] : memref<5000x64xf32, #tpu.memory_space<hbm>> -> memref<5000x64xf32, #tpu.memory_space<hbm>>
      %dma_wait3A_842 = tpu.memref_slice %arg14[%dma_wait3A_833] : memref<10x!tpu.dma_semaphore, #tpu.memory_space<semaphore_mem>> -> memref<1x!tpu.dma_semaphore, #tpu.memory_space<semaphore_mem>>
      %dma_wait3A_843 = tpu.memref_squeeze %dma_wait3A_842 : memref<1x!tpu.dma_semaphore, #tpu.memory_space<semaphore_mem>> -> memref<!tpu.dma_semaphore, #tpu.memory_space<semaphore_mem>>
      tpu.wait_indirect_dma semaphore(%dma_wait3A_843 : memref<!tpu.dma_semaphore, #tpu.memory_space<semaphore_mem>>) src(%dma_wait3A_841 : memref<5000x64xf32, #tpu.memory_space<hbm>>) dst(%dma_wait3A_837 : memref<128x64xf32, #tpu.memory_space<vmem>>)
      %dma_wait3A_844 = arith.constant 7 : i32
      %dma_wait3A_845 = arith.constant 7 : i32
      %dma_wait3A_846 = arith.constant 0 : i32
      %dma_wait3A_847 = arith.constant 0 : i32
      %dma_wait3A_848 = tpu.memref_slice %arg12[%dma_wait3A_844, %dma_wait3A_846, %dma_wait3A_847] : memref<10x128x64xf32, #tpu.memory_space<vmem>> -> memref<1x128x64xf32, #tpu.memory_space<vmem>>
      %dma_wait3A_849 = tpu.memref_squeeze %dma_wait3A_848 : memref<1x128x64xf32, #tpu.memory_space<vmem>> -> memref<128x64xf32, #tpu.memory_space<vmem>>
      %dma_wait3A_850 = tpu.memref_slice %arg11[%add3A_416] : memref<6400xi32, #tpu.memory_space<vmem>> -> memref<128xi32, #tpu.memory_space<vmem>>
      %dma_wait3A_851 = arith.constant 0 : i32
      %dma_wait3A_852 = arith.constant 0 : i32
      %dma_wait3A_853 = tpu.memref_slice %arg7[%dma_wait3A_851, %dma_wait3A_852] : memref<5000x64xf32, #tpu.memory_space<hbm>> -> memref<5000x64xf32, #tpu.memory_space<hbm>>
      %dma_wait3A_854 = tpu.memref_slice %arg14[%dma_wait3A_845] : memref<10x!tpu.dma_semaphore, #tpu.memory_space<semaphore_mem>> -> memref<1x!tpu.dma_semaphore, #tpu.memory_space<semaphore_mem>>
      %dma_wait3A_855 = tpu.memref_squeeze %dma_wait3A_854 : memref<1x!tpu.dma_semaphore, #tpu.memory_space<semaphore_mem>> -> memref<!tpu.dma_semaphore, #tpu.memory_space<semaphore_mem>>
      tpu.wait_indirect_dma semaphore(%dma_wait3A_855 : memref<!tpu.dma_semaphore, #tpu.memory_space<semaphore_mem>>) src(%dma_wait3A_853 : memref<5000x64xf32, #tpu.memory_space<hbm>>) dst(%dma_wait3A_849 : memref<128x64xf32, #tpu.memory_space<vmem>>)
      %add3A_856 = arith.addi %mul3A_2, %add3A_831 : i32
      %dma_start3A_857 = arith.constant 7 : i32
      %dma_start3A_858 = arith.constant 7 : i32
      %dma_start3A_859 = arith.constant 0 : i32
      %dma_start3A_860 = arith.constant 0 : i32
      %dma_start3A_861 = tpu.memref_slice %arg12[%dma_start3A_857, %dma_start3A_859, %dma_start3A_860] : memref<10x128x64xf32, #tpu.memory_space<vmem>> -> memref<1x128x64xf32, #tpu.memory_space<vmem>>
      %dma_start3A_862 = tpu.memref_squeeze %dma_start3A_861 : memref<1x128x64xf32, #tpu.memory_space<vmem>> -> memref<128x64xf32, #tpu.memory_space<vmem>>
      %dma_start3A_863 = arith.constant 0 : i32
      %dma_start3A_864 = tpu.memref_slice %arg8[%add3A_856, %dma_start3A_863] : memref<204800x64xf32, #tpu.memory_space<hbm>> -> memref<128x64xf32, #tpu.memory_space<hbm>>
      %dma_start3A_865 = tpu.memref_slice %arg15[%dma_start3A_858] : memref<10x!tpu.dma_semaphore, #tpu.memory_space<semaphore_mem>> -> memref<1x!tpu.dma_semaphore, #tpu.memory_space<semaphore_mem>>
      %dma_start3A_866 = tpu.memref_squeeze %dma_start3A_865 : memref<1x!tpu.dma_semaphore, #tpu.memory_space<semaphore_mem>> -> memref<!tpu.dma_semaphore, #tpu.memory_space<semaphore_mem>>
      %dma_start3A_867 = arith.constant 0 : i32
      %dma_start3A_868 = tpu.memref_slice %arg8[%add3A_856, %dma_start3A_867] : memref<204800x64xf32, #tpu.memory_space<hbm>> -> memref<128x64xf32, #tpu.memory_space<hbm>>
      %dma_start3A_869 = arith.constant 0 : i32
      %dma_start3A_870 = arith.constant 0 : i32
      %dma_start3A_871 = tpu.memref_slice %arg12[%dma_start3A_857, %dma_start3A_869, %dma_start3A_870] : memref<10x128x64xf32, #tpu.memory_space<vmem>> -> memref<1x128x64xf32, #tpu.memory_space<vmem>>
      %dma_start3A_872 = tpu.memref_squeeze %dma_start3A_871 : memref<1x128x64xf32, #tpu.memory_space<vmem>> -> memref<128x64xf32, #tpu.memory_space<vmem>>
      tpu.enqueue_dma source(%dma_start3A_872 : memref<128x64xf32, #tpu.memory_space<vmem>>) target(%dma_start3A_868 : memref<128x64xf32, #tpu.memory_space<hbm>>) target_semaphore(%dma_start3A_866 : memref<!tpu.dma_semaphore, #tpu.memory_space<semaphore_mem>>)
      %add3A_873 = arith.constant 1024 : i32
      %add3A_874 = arith.addi %mul3A_10, %add3A_873 : i32
      %dma_wait3A_875 = arith.constant 8 : i32
      %dma_wait3A_876 = arith.constant 8 : i32
      %dma_wait3A_877 = arith.constant 0 : i32
      %dma_wait3A_878 = arith.constant 0 : i32
      %dma_wait3A_879 = tpu.memref_slice %arg12[%dma_wait3A_875, %dma_wait3A_877, %dma_wait3A_878] : memref<10x128x64xf32, #tpu.memory_space<vmem>> -> memref<1x128x64xf32, #tpu.memory_space<vmem>>
      %dma_wait3A_880 = tpu.memref_squeeze %dma_wait3A_879 : memref<1x128x64xf32, #tpu.memory_space<vmem>> -> memref<128x64xf32, #tpu.memory_space<vmem>>
      %dma_wait3A_881 = tpu.memref_slice %arg10[%add3A_454] : memref<6400xi32, #tpu.memory_space<vmem>> -> memref<128xi32, #tpu.memory_space<vmem>>
      %dma_wait3A_882 = arith.constant 0 : i32
      %dma_wait3A_883 = arith.constant 0 : i32
      %dma_wait3A_884 = tpu.memref_slice %arg6[%dma_wait3A_882, %dma_wait3A_883] : memref<5000x64xf32, #tpu.memory_space<hbm>> -> memref<5000x64xf32, #tpu.memory_space<hbm>>
      %dma_wait3A_885 = tpu.memref_slice %arg14[%dma_wait3A_876] : memref<10x!tpu.dma_semaphore, #tpu.memory_space<semaphore_mem>> -> memref<1x!tpu.dma_semaphore, #tpu.memory_space<semaphore_mem>>
      %dma_wait3A_886 = tpu.memref_squeeze %dma_wait3A_885 : memref<1x!tpu.dma_semaphore, #tpu.memory_space<semaphore_mem>> -> memref<!tpu.dma_semaphore, #tpu.memory_space<semaphore_mem>>
      tpu.wait_indirect_dma semaphore(%dma_wait3A_886 : memref<!tpu.dma_semaphore, #tpu.memory_space<semaphore_mem>>) src(%dma_wait3A_884 : memref<5000x64xf32, #tpu.memory_space<hbm>>) dst(%dma_wait3A_880 : memref<128x64xf32, #tpu.memory_space<vmem>>)
      %dma_wait3A_887 = arith.constant 8 : i32
      %dma_wait3A_888 = arith.constant 8 : i32
      %dma_wait3A_889 = arith.constant 0 : i32
      %dma_wait3A_890 = arith.constant 0 : i32
      %dma_wait3A_891 = tpu.memref_slice %arg12[%dma_wait3A_887, %dma_wait3A_889, %dma_wait3A_890] : memref<10x128x64xf32, #tpu.memory_space<vmem>> -> memref<1x128x64xf32, #tpu.memory_space<vmem>>
      %dma_wait3A_892 = tpu.memref_squeeze %dma_wait3A_891 : memref<1x128x64xf32, #tpu.memory_space<vmem>> -> memref<128x64xf32, #tpu.memory_space<vmem>>
      %dma_wait3A_893 = tpu.memref_slice %arg11[%add3A_454] : memref<6400xi32, #tpu.memory_space<vmem>> -> memref<128xi32, #tpu.memory_space<vmem>>
      %dma_wait3A_894 = arith.constant 0 : i32
      %dma_wait3A_895 = arith.constant 0 : i32
      %dma_wait3A_896 = tpu.memref_slice %arg7[%dma_wait3A_894, %dma_wait3A_895] : memref<5000x64xf32, #tpu.memory_space<hbm>> -> memref<5000x64xf32, #tpu.memory_space<hbm>>
      %dma_wait3A_897 = tpu.memref_slice %arg14[%dma_wait3A_888] : memref<10x!tpu.dma_semaphore, #tpu.memory_space<semaphore_mem>> -> memref<1x!tpu.dma_semaphore, #tpu.memory_space<semaphore_mem>>
      %dma_wait3A_898 = tpu.memref_squeeze %dma_wait3A_897 : memref<1x!tpu.dma_semaphore, #tpu.memory_space<semaphore_mem>> -> memref<!tpu.dma_semaphore, #tpu.memory_space<semaphore_mem>>
      tpu.wait_indirect_dma semaphore(%dma_wait3A_898 : memref<!tpu.dma_semaphore, #tpu.memory_space<semaphore_mem>>) src(%dma_wait3A_896 : memref<5000x64xf32, #tpu.memory_space<hbm>>) dst(%dma_wait3A_892 : memref<128x64xf32, #tpu.memory_space<vmem>>)
      %add3A_899 = arith.addi %mul3A_2, %add3A_874 : i32
      %dma_start3A_900 = arith.constant 8 : i32
      %dma_start3A_901 = arith.constant 8 : i32
      %dma_start3A_902 = arith.constant 0 : i32
      %dma_start3A_903 = arith.constant 0 : i32
      %dma_start3A_904 = tpu.memref_slice %arg12[%dma_start3A_900, %dma_start3A_902, %dma_start3A_903] : memref<10x128x64xf32, #tpu.memory_space<vmem>> -> memref<1x128x64xf32, #tpu.memory_space<vmem>>
      %dma_start3A_905 = tpu.memref_squeeze %dma_start3A_904 : memref<1x128x64xf32, #tpu.memory_space<vmem>> -> memref<128x64xf32, #tpu.memory_space<vmem>>
      %dma_start3A_906 = arith.constant 0 : i32
      %dma_start3A_907 = tpu.memref_slice %arg8[%add3A_899, %dma_start3A_906] : memref<204800x64xf32, #tpu.memory_space<hbm>> -> memref<128x64xf32, #tpu.memory_space<hbm>>
      %dma_start3A_908 = tpu.memref_slice %arg15[%dma_start3A_901] : memref<10x!tpu.dma_semaphore, #tpu.memory_space<semaphore_mem>> -> memref<1x!tpu.dma_semaphore, #tpu.memory_space<semaphore_mem>>
      %dma_start3A_909 = tpu.memref_squeeze %dma_start3A_908 : memref<1x!tpu.dma_semaphore, #tpu.memory_space<semaphore_mem>> -> memref<!tpu.dma_semaphore, #tpu.memory_space<semaphore_mem>>
      %dma_start3A_910 = arith.constant 0 : i32
      %dma_start3A_911 = tpu.memref_slice %arg8[%add3A_899, %dma_start3A_910] : memref<204800x64xf32, #tpu.memory_space<hbm>> -> memref<128x64xf32, #tpu.memory_space<hbm>>
      %dma_start3A_912 = arith.constant 0 : i32
      %dma_start3A_913 = arith.constant 0 : i32
      %dma_start3A_914 = tpu.memref_slice %arg12[%dma_start3A_900, %dma_start3A_912, %dma_start3A_913] : memref<10x128x64xf32, #tpu.memory_space<vmem>> -> memref<1x128x64xf32, #tpu.memory_space<vmem>>
      %dma_start3A_915 = tpu.memref_squeeze %dma_start3A_914 : memref<1x128x64xf32, #tpu.memory_space<vmem>> -> memref<128x64xf32, #tpu.memory_space<vmem>>
      tpu.enqueue_dma source(%dma_start3A_915 : memref<128x64xf32, #tpu.memory_space<vmem>>) target(%dma_start3A_911 : memref<128x64xf32, #tpu.memory_space<hbm>>) target_semaphore(%dma_start3A_909 : memref<!tpu.dma_semaphore, #tpu.memory_space<semaphore_mem>>)
      %add3A_916 = arith.constant 1152 : i32
      %add3A_917 = arith.addi %mul3A_10, %add3A_916 : i32
      %dma_wait3A_918 = arith.constant 9 : i32
      %dma_wait3A_919 = arith.constant 9 : i32
      %dma_wait3A_920 = arith.constant 0 : i32
      %dma_wait3A_921 = arith.constant 0 : i32
      %dma_wait3A_922 = tpu.memref_slice %arg12[%dma_wait3A_918, %dma_wait3A_920, %dma_wait3A_921] : memref<10x128x64xf32, #tpu.memory_space<vmem>> -> memref<1x128x64xf32, #tpu.memory_space<vmem>>
      %dma_wait3A_923 = tpu.memref_squeeze %dma_wait3A_922 : memref<1x128x64xf32, #tpu.memory_space<vmem>> -> memref<128x64xf32, #tpu.memory_space<vmem>>
      %dma_wait3A_924 = tpu.memref_slice %arg10[%add3A_492] : memref<6400xi32, #tpu.memory_space<vmem>> -> memref<128xi32, #tpu.memory_space<vmem>>
      %dma_wait3A_925 = arith.constant 0 : i32
      %dma_wait3A_926 = arith.constant 0 : i32
      %dma_wait3A_927 = tpu.memref_slice %arg6[%dma_wait3A_925, %dma_wait3A_926] : memref<5000x64xf32, #tpu.memory_space<hbm>> -> memref<5000x64xf32, #tpu.memory_space<hbm>>
      %dma_wait3A_928 = tpu.memref_slice %arg14[%dma_wait3A_919] : memref<10x!tpu.dma_semaphore, #tpu.memory_space<semaphore_mem>> -> memref<1x!tpu.dma_semaphore, #tpu.memory_space<semaphore_mem>>
      %dma_wait3A_929 = tpu.memref_squeeze %dma_wait3A_928 : memref<1x!tpu.dma_semaphore, #tpu.memory_space<semaphore_mem>> -> memref<!tpu.dma_semaphore, #tpu.memory_space<semaphore_mem>>
      tpu.wait_indirect_dma semaphore(%dma_wait3A_929 : memref<!tpu.dma_semaphore, #tpu.memory_space<semaphore_mem>>) src(%dma_wait3A_927 : memref<5000x64xf32, #tpu.memory_space<hbm>>) dst(%dma_wait3A_923 : memref<128x64xf32, #tpu.memory_space<vmem>>)
      %dma_wait3A_930 = arith.constant 9 : i32
      %dma_wait3A_931 = arith.constant 9 : i32
      %dma_wait3A_932 = arith.constant 0 : i32
      %dma_wait3A_933 = arith.constant 0 : i32
      %dma_wait3A_934 = tpu.memref_slice %arg12[%dma_wait3A_930, %dma_wait3A_932, %dma_wait3A_933] : memref<10x128x64xf32, #tpu.memory_space<vmem>> -> memref<1x128x64xf32, #tpu.memory_space<vmem>>
      %dma_wait3A_935 = tpu.memref_squeeze %dma_wait3A_934 : memref<1x128x64xf32, #tpu.memory_space<vmem>> -> memref<128x64xf32, #tpu.memory_space<vmem>>
      %dma_wait3A_936 = tpu.memref_slice %arg11[%add3A_492] : memref<6400xi32, #tpu.memory_space<vmem>> -> memref<128xi32, #tpu.memory_space<vmem>>
      %dma_wait3A_937 = arith.constant 0 : i32
      %dma_wait3A_938 = arith.constant 0 : i32
      %dma_wait3A_939 = tpu.memref_slice %arg7[%dma_wait3A_937, %dma_wait3A_938] : memref<5000x64xf32, #tpu.memory_space<hbm>> -> memref<5000x64xf32, #tpu.memory_space<hbm>>
      %dma_wait3A_940 = tpu.memref_slice %arg14[%dma_wait3A_931] : memref<10x!tpu.dma_semaphore, #tpu.memory_space<semaphore_mem>> -> memref<1x!tpu.dma_semaphore, #tpu.memory_space<semaphore_mem>>
      %dma_wait3A_941 = tpu.memref_squeeze %dma_wait3A_940 : memref<1x!tpu.dma_semaphore, #tpu.memory_space<semaphore_mem>> -> memref<!tpu.dma_semaphore, #tpu.memory_space<semaphore_mem>>
      tpu.wait_indirect_dma semaphore(%dma_wait3A_941 : memref<!tpu.dma_semaphore, #tpu.memory_space<semaphore_mem>>) src(%dma_wait3A_939 : memref<5000x64xf32, #tpu.memory_space<hbm>>) dst(%dma_wait3A_935 : memref<128x64xf32, #tpu.memory_space<vmem>>)
      %add3A_942 = arith.addi %mul3A_2, %add3A_917 : i32
      %dma_start3A_943 = arith.constant 9 : i32
      %dma_start3A_944 = arith.constant 9 : i32
      %dma_start3A_945 = arith.constant 0 : i32
      %dma_start3A_946 = arith.constant 0 : i32
      %dma_start3A_947 = tpu.memref_slice %arg12[%dma_start3A_943, %dma_start3A_945, %dma_start3A_946] : memref<10x128x64xf32, #tpu.memory_space<vmem>> -> memref<1x128x64xf32, #tpu.memory_space<vmem>>
      %dma_start3A_948 = tpu.memref_squeeze %dma_start3A_947 : memref<1x128x64xf32, #tpu.memory_space<vmem>> -> memref<128x64xf32, #tpu.memory_space<vmem>>
      %dma_start3A_949 = arith.constant 0 : i32
      %dma_start3A_950 = tpu.memref_slice %arg8[%add3A_942, %dma_start3A_949] : memref<204800x64xf32, #tpu.memory_space<hbm>> -> memref<128x64xf32, #tpu.memory_space<hbm>>
      %dma_start3A_951 = tpu.memref_slice %arg15[%dma_start3A_944] : memref<10x!tpu.dma_semaphore, #tpu.memory_space<semaphore_mem>> -> memref<1x!tpu.dma_semaphore, #tpu.memory_space<semaphore_mem>>
      %dma_start3A_952 = tpu.memref_squeeze %dma_start3A_951 : memref<1x!tpu.dma_semaphore, #tpu.memory_space<semaphore_mem>> -> memref<!tpu.dma_semaphore, #tpu.memory_space<semaphore_mem>>
      %dma_start3A_953 = arith.constant 0 : i32
      %dma_start3A_954 = tpu.memref_slice %arg8[%add3A_942, %dma_start3A_953] : memref<204800x64xf32, #tpu.memory_space<hbm>> -> memref<128x64xf32, #tpu.memory_space<hbm>>
      %dma_start3A_955 = arith.constant 0 : i32
      %dma_start3A_956 = arith.constant 0 : i32
      %dma_start3A_957 = tpu.memref_slice %arg12[%dma_start3A_943, %dma_start3A_955, %dma_start3A_956] : memref<10x128x64xf32, #tpu.memory_space<vmem>> -> memref<1x128x64xf32, #tpu.memory_space<vmem>>
      %dma_start3A_958 = tpu.memref_squeeze %dma_start3A_957 : memref<1x128x64xf32, #tpu.memory_space<vmem>> -> memref<128x64xf32, #tpu.memory_space<vmem>>
      tpu.enqueue_dma source(%dma_start3A_958 : memref<128x64xf32, #tpu.memory_space<vmem>>) target(%dma_start3A_954 : memref<128x64xf32, #tpu.memory_space<hbm>>) target_semaphore(%dma_start3A_952 : memref<!tpu.dma_semaphore, #tpu.memory_space<semaphore_mem>>)
      %dma_wait3A_959 = arith.constant 0 : i32
      %dma_wait3A_960 = arith.constant 0 : i32
      %dma_wait3A_961 = arith.constant 0 : i32
      %dma_wait3A_962 = arith.constant 0 : i32
      %dma_wait3A_963 = tpu.memref_slice %arg12[%dma_wait3A_959, %dma_wait3A_961, %dma_wait3A_962] : memref<10x128x64xf32, #tpu.memory_space<vmem>> -> memref<1x128x64xf32, #tpu.memory_space<vmem>>
      %dma_wait3A_964 = tpu.memref_squeeze %dma_wait3A_963 : memref<1x128x64xf32, #tpu.memory_space<vmem>> -> memref<128x64xf32, #tpu.memory_space<vmem>>
      %dma_wait3A_965 = arith.constant 0 : i32
      %dma_wait3A_966 = tpu.memref_slice %arg8[%add3A_555, %dma_wait3A_965] : memref<204800x64xf32, #tpu.memory_space<hbm>> -> memref<128x64xf32, #tpu.memory_space<hbm>>
      %dma_wait3A_967 = tpu.memref_slice %arg15[%dma_wait3A_960] : memref<10x!tpu.dma_semaphore, #tpu.memory_space<semaphore_mem>> -> memref<1x!tpu.dma_semaphore, #tpu.memory_space<semaphore_mem>>
      %dma_wait3A_968 = tpu.memref_squeeze %dma_wait3A_967 : memref<1x!tpu.dma_semaphore, #tpu.memory_space<semaphore_mem>> -> memref<!tpu.dma_semaphore, #tpu.memory_space<semaphore_mem>>
      %dma_wait3A_969 = arith.constant 0 : i32
      %dma_wait3A_970 = tpu.memref_slice %arg8[%add3A_555, %dma_wait3A_969] : memref<204800x64xf32, #tpu.memory_space<hbm>> -> memref<128x64xf32, #tpu.memory_space<hbm>>
      %dma_wait3A_971 = arith.constant 0 : i32
      %dma_wait3A_972 = arith.constant 0 : i32
      %dma_wait3A_973 = tpu.memref_slice %arg12[%dma_wait3A_959, %dma_wait3A_971, %dma_wait3A_972] : memref<10x128x64xf32, #tpu.memory_space<vmem>> -> memref<1x128x64xf32, #tpu.memory_space<vmem>>
      %dma_wait3A_974 = tpu.memref_squeeze %dma_wait3A_973 : memref<1x128x64xf32, #tpu.memory_space<vmem>> -> memref<128x64xf32, #tpu.memory_space<vmem>>
      tpu.wait_dma2 semaphore(%dma_wait3A_968 : memref<!tpu.dma_semaphore, #tpu.memory_space<semaphore_mem>>) src(%dma_wait3A_974 : memref<128x64xf32, #tpu.memory_space<vmem>>) dst(%dma_wait3A_970 : memref<128x64xf32, #tpu.memory_space<hbm>>)
      %dma_wait3A_975 = arith.constant 1 : i32
      %dma_wait3A_976 = arith.constant 1 : i32
      %dma_wait3A_977 = arith.constant 0 : i32
      %dma_wait3A_978 = arith.constant 0 : i32
      %dma_wait3A_979 = tpu.memref_slice %arg12[%dma_wait3A_975, %dma_wait3A_977, %dma_wait3A_978] : memref<10x128x64xf32, #tpu.memory_space<vmem>> -> memref<1x128x64xf32, #tpu.memory_space<vmem>>
      %dma_wait3A_980 = tpu.memref_squeeze %dma_wait3A_979 : memref<1x128x64xf32, #tpu.memory_space<vmem>> -> memref<128x64xf32, #tpu.memory_space<vmem>>
      %dma_wait3A_981 = arith.constant 0 : i32
      %dma_wait3A_982 = tpu.memref_slice %arg8[%add3A_598, %dma_wait3A_981] : memref<204800x64xf32, #tpu.memory_space<hbm>> -> memref<128x64xf32, #tpu.memory_space<hbm>>
      %dma_wait3A_983 = tpu.memref_slice %arg15[%dma_wait3A_976] : memref<10x!tpu.dma_semaphore, #tpu.memory_space<semaphore_mem>> -> memref<1x!tpu.dma_semaphore, #tpu.memory_space<semaphore_mem>>
      %dma_wait3A_984 = tpu.memref_squeeze %dma_wait3A_983 : memref<1x!tpu.dma_semaphore, #tpu.memory_space<semaphore_mem>> -> memref<!tpu.dma_semaphore, #tpu.memory_space<semaphore_mem>>
      %dma_wait3A_985 = arith.constant 0 : i32
      %dma_wait3A_986 = tpu.memref_slice %arg8[%add3A_598, %dma_wait3A_985] : memref<204800x64xf32, #tpu.memory_space<hbm>> -> memref<128x64xf32, #tpu.memory_space<hbm>>
      %dma_wait3A_987 = arith.constant 0 : i32
      %dma_wait3A_988 = arith.constant 0 : i32
      %dma_wait3A_989 = tpu.memref_slice %arg12[%dma_wait3A_975, %dma_wait3A_987, %dma_wait3A_988] : memref<10x128x64xf32, #tpu.memory_space<vmem>> -> memref<1x128x64xf32, #tpu.memory_space<vmem>>
      %dma_wait3A_990 = tpu.memref_squeeze %dma_wait3A_989 : memref<1x128x64xf32, #tpu.memory_space<vmem>> -> memref<128x64xf32, #tpu.memory_space<vmem>>
      tpu.wait_dma2 semaphore(%dma_wait3A_984 : memref<!tpu.dma_semaphore, #tpu.memory_space<semaphore_mem>>) src(%dma_wait3A_990 : memref<128x64xf32, #tpu.memory_space<vmem>>) dst(%dma_wait3A_986 : memref<128x64xf32, #tpu.memory_space<hbm>>)
      %dma_wait3A_991 = arith.constant 2 : i32
      %dma_wait3A_992 = arith.constant 2 : i32
      %dma_wait3A_993 = arith.constant 0 : i32
      %dma_wait3A_994 = arith.constant 0 : i32
      %dma_wait3A_995 = tpu.memref_slice %arg12[%dma_wait3A_991, %dma_wait3A_993, %dma_wait3A_994] : memref<10x128x64xf32, #tpu.memory_space<vmem>> -> memref<1x128x64xf32, #tpu.memory_space<vmem>>
      %dma_wait3A_996 = tpu.memref_squeeze %dma_wait3A_995 : memref<1x128x64xf32, #tpu.memory_space<vmem>> -> memref<128x64xf32, #tpu.memory_space<vmem>>
      %dma_wait3A_997 = arith.constant 0 : i32
      %dma_wait3A_998 = tpu.memref_slice %arg8[%add3A_641, %dma_wait3A_997] : memref<204800x64xf32, #tpu.memory_space<hbm>> -> memref<128x64xf32, #tpu.memory_space<hbm>>
      %dma_wait3A_999 = tpu.memref_slice %arg15[%dma_wait3A_992] : memref<10x!tpu.dma_semaphore, #tpu.memory_space<semaphore_mem>> -> memref<1x!tpu.dma_semaphore, #tpu.memory_space<semaphore_mem>>
      %dma_wait3A_1000 = tpu.memref_squeeze %dma_wait3A_999 : memref<1x!tpu.dma_semaphore, #tpu.memory_space<semaphore_mem>> -> memref<!tpu.dma_semaphore, #tpu.memory_space<semaphore_mem>>
      %dma_wait3A_1001 = arith.constant 0 : i32
      %dma_wait3A_1002 = tpu.memref_slice %arg8[%add3A_641, %dma_wait3A_1001] : memref<204800x64xf32, #tpu.memory_space<hbm>> -> memref<128x64xf32, #tpu.memory_space<hbm>>
      %dma_wait3A_1003 = arith.constant 0 : i32
      %dma_wait3A_1004 = arith.constant 0 : i32
      %dma_wait3A_1005 = tpu.memref_slice %arg12[%dma_wait3A_991, %dma_wait3A_1003, %dma_wait3A_1004] : memref<10x128x64xf32, #tpu.memory_space<vmem>> -> memref<1x128x64xf32, #tpu.memory_space<vmem>>
      %dma_wait3A_1006 = tpu.memref_squeeze %dma_wait3A_1005 : memref<1x128x64xf32, #tpu.memory_space<vmem>> -> memref<128x64xf32, #tpu.memory_space<vmem>>
      tpu.wait_dma2 semaphore(%dma_wait3A_1000 : memref<!tpu.dma_semaphore, #tpu.memory_space<semaphore_mem>>) src(%dma_wait3A_1006 : memref<128x64xf32, #tpu.memory_space<vmem>>) dst(%dma_wait3A_1002 : memref<128x64xf32, #tpu.memory_space<hbm>>)
      %dma_wait3A_1007 = arith.constant 3 : i32
      %dma_wait3A_1008 = arith.constant 3 : i32
      %dma_wait3A_1009 = arith.constant 0 : i32
      %dma_wait3A_1010 = arith.constant 0 : i32
      %dma_wait3A_1011 = tpu.memref_slice %arg12[%dma_wait3A_1007, %dma_wait3A_1009, %dma_wait3A_1010] : memref<10x128x64xf32, #tpu.memory_space<vmem>> -> memref<1x128x64xf32, #tpu.memory_space<vmem>>
      %dma_wait3A_1012 = tpu.memref_squeeze %dma_wait3A_1011 : memref<1x128x64xf32, #tpu.memory_space<vmem>> -> memref<128x64xf32, #tpu.memory_space<vmem>>
      %dma_wait3A_1013 = arith.constant 0 : i32
      %dma_wait3A_1014 = tpu.memref_slice %arg8[%add3A_684, %dma_wait3A_1013] : memref<204800x64xf32, #tpu.memory_space<hbm>> -> memref<128x64xf32, #tpu.memory_space<hbm>>
      %dma_wait3A_1015 = tpu.memref_slice %arg15[%dma_wait3A_1008] : memref<10x!tpu.dma_semaphore, #tpu.memory_space<semaphore_mem>> -> memref<1x!tpu.dma_semaphore, #tpu.memory_space<semaphore_mem>>
      %dma_wait3A_1016 = tpu.memref_squeeze %dma_wait3A_1015 : memref<1x!tpu.dma_semaphore, #tpu.memory_space<semaphore_mem>> -> memref<!tpu.dma_semaphore, #tpu.memory_space<semaphore_mem>>
      %dma_wait3A_1017 = arith.constant 0 : i32
      %dma_wait3A_1018 = tpu.memref_slice %arg8[%add3A_684, %dma_wait3A_1017] : memref<204800x64xf32, #tpu.memory_space<hbm>> -> memref<128x64xf32, #tpu.memory_space<hbm>>
      %dma_wait3A_1019 = arith.constant 0 : i32
      %dma_wait3A_1020 = arith.constant 0 : i32
      %dma_wait3A_1021 = tpu.memref_slice %arg12[%dma_wait3A_1007, %dma_wait3A_1019, %dma_wait3A_1020] : memref<10x128x64xf32, #tpu.memory_space<vmem>> -> memref<1x128x64xf32, #tpu.memory_space<vmem>>
      %dma_wait3A_1022 = tpu.memref_squeeze %dma_wait3A_1021 : memref<1x128x64xf32, #tpu.memory_space<vmem>> -> memref<128x64xf32, #tpu.memory_space<vmem>>
      tpu.wait_dma2 semaphore(%dma_wait3A_1016 : memref<!tpu.dma_semaphore, #tpu.memory_space<semaphore_mem>>) src(%dma_wait3A_1022 : memref<128x64xf32, #tpu.memory_space<vmem>>) dst(%dma_wait3A_1018 : memref<128x64xf32, #tpu.memory_space<hbm>>)
      %dma_wait3A_1023 = arith.constant 4 : i32
      %dma_wait3A_1024 = arith.constant 4 : i32
      %dma_wait3A_1025 = arith.constant 0 : i32
      %dma_wait3A_1026 = arith.constant 0 : i32
      %dma_wait3A_1027 = tpu.memref_slice %arg12[%dma_wait3A_1023, %dma_wait3A_1025, %dma_wait3A_1026] : memref<10x128x64xf32, #tpu.memory_space<vmem>> -> memref<1x128x64xf32, #tpu.memory_space<vmem>>
      %dma_wait3A_1028 = tpu.memref_squeeze %dma_wait3A_1027 : memref<1x128x64xf32, #tpu.memory_space<vmem>> -> memref<128x64xf32, #tpu.memory_space<vmem>>
      %dma_wait3A_1029 = arith.constant 0 : i32
      %dma_wait3A_1030 = tpu.memref_slice %arg8[%add3A_727, %dma_wait3A_1029] : memref<204800x64xf32, #tpu.memory_space<hbm>> -> memref<128x64xf32, #tpu.memory_space<hbm>>
      %dma_wait3A_1031 = tpu.memref_slice %arg15[%dma_wait3A_1024] : memref<10x!tpu.dma_semaphore, #tpu.memory_space<semaphore_mem>> -> memref<1x!tpu.dma_semaphore, #tpu.memory_space<semaphore_mem>>
      %dma_wait3A_1032 = tpu.memref_squeeze %dma_wait3A_1031 : memref<1x!tpu.dma_semaphore, #tpu.memory_space<semaphore_mem>> -> memref<!tpu.dma_semaphore, #tpu.memory_space<semaphore_mem>>
      %dma_wait3A_1033 = arith.constant 0 : i32
      %dma_wait3A_1034 = tpu.memref_slice %arg8[%add3A_727, %dma_wait3A_1033] : memref<204800x64xf32, #tpu.memory_space<hbm>> -> memref<128x64xf32, #tpu.memory_space<hbm>>
      %dma_wait3A_1035 = arith.constant 0 : i32
      %dma_wait3A_1036 = arith.constant 0 : i32
      %dma_wait3A_1037 = tpu.memref_slice %arg12[%dma_wait3A_1023, %dma_wait3A_1035, %dma_wait3A_1036] : memref<10x128x64xf32, #tpu.memory_space<vmem>> -> memref<1x128x64xf32, #tpu.memory_space<vmem>>
      %dma_wait3A_1038 = tpu.memref_squeeze %dma_wait3A_1037 : memref<1x128x64xf32, #tpu.memory_space<vmem>> -> memref<128x64xf32, #tpu.memory_space<vmem>>
      tpu.wait_dma2 semaphore(%dma_wait3A_1032 : memref<!tpu.dma_semaphore, #tpu.memory_space<semaphore_mem>>) src(%dma_wait3A_1038 : memref<128x64xf32, #tpu.memory_space<vmem>>) dst(%dma_wait3A_1034 : memref<128x64xf32, #tpu.memory_space<hbm>>)
      %dma_wait3A_1039 = arith.constant 5 : i32
      %dma_wait3A_1040 = arith.constant 5 : i32
      %dma_wait3A_1041 = arith.constant 0 : i32
      %dma_wait3A_1042 = arith.constant 0 : i32
      %dma_wait3A_1043 = tpu.memref_slice %arg12[%dma_wait3A_1039, %dma_wait3A_1041, %dma_wait3A_1042] : memref<10x128x64xf32, #tpu.memory_space<vmem>> -> memref<1x128x64xf32, #tpu.memory_space<vmem>>
      %dma_wait3A_1044 = tpu.memref_squeeze %dma_wait3A_1043 : memref<1x128x64xf32, #tpu.memory_space<vmem>> -> memref<128x64xf32, #tpu.memory_space<vmem>>
      %dma_wait3A_1045 = arith.constant 0 : i32
      %dma_wait3A_1046 = tpu.memref_slice %arg8[%add3A_770, %dma_wait3A_1045] : memref<204800x64xf32, #tpu.memory_space<hbm>> -> memref<128x64xf32, #tpu.memory_space<hbm>>
      %dma_wait3A_1047 = tpu.memref_slice %arg15[%dma_wait3A_1040] : memref<10x!tpu.dma_semaphore, #tpu.memory_space<semaphore_mem>> -> memref<1x!tpu.dma_semaphore, #tpu.memory_space<semaphore_mem>>
      %dma_wait3A_1048 = tpu.memref_squeeze %dma_wait3A_1047 : memref<1x!tpu.dma_semaphore, #tpu.memory_space<semaphore_mem>> -> memref<!tpu.dma_semaphore, #tpu.memory_space<semaphore_mem>>
      %dma_wait3A_1049 = arith.constant 0 : i32
      %dma_wait3A_1050 = tpu.memref_slice %arg8[%add3A_770, %dma_wait3A_1049] : memref<204800x64xf32, #tpu.memory_space<hbm>> -> memref<128x64xf32, #tpu.memory_space<hbm>>
      %dma_wait3A_1051 = arith.constant 0 : i32
      %dma_wait3A_1052 = arith.constant 0 : i32
      %dma_wait3A_1053 = tpu.memref_slice %arg12[%dma_wait3A_1039, %dma_wait3A_1051, %dma_wait3A_1052] : memref<10x128x64xf32, #tpu.memory_space<vmem>> -> memref<1x128x64xf32, #tpu.memory_space<vmem>>
      %dma_wait3A_1054 = tpu.memref_squeeze %dma_wait3A_1053 : memref<1x128x64xf32, #tpu.memory_space<vmem>> -> memref<128x64xf32, #tpu.memory_space<vmem>>
      tpu.wait_dma2 semaphore(%dma_wait3A_1048 : memref<!tpu.dma_semaphore, #tpu.memory_space<semaphore_mem>>) src(%dma_wait3A_1054 : memref<128x64xf32, #tpu.memory_space<vmem>>) dst(%dma_wait3A_1050 : memref<128x64xf32, #tpu.memory_space<hbm>>)
      %dma_wait3A_1055 = arith.constant 6 : i32
      %dma_wait3A_1056 = arith.constant 6 : i32
      %dma_wait3A_1057 = arith.constant 0 : i32
      %dma_wait3A_1058 = arith.constant 0 : i32
      %dma_wait3A_1059 = tpu.memref_slice %arg12[%dma_wait3A_1055, %dma_wait3A_1057, %dma_wait3A_1058] : memref<10x128x64xf32, #tpu.memory_space<vmem>> -> memref<1x128x64xf32, #tpu.memory_space<vmem>>
      %dma_wait3A_1060 = tpu.memref_squeeze %dma_wait3A_1059 : memref<1x128x64xf32, #tpu.memory_space<vmem>> -> memref<128x64xf32, #tpu.memory_space<vmem>>
      %dma_wait3A_1061 = arith.constant 0 : i32
      %dma_wait3A_1062 = tpu.memref_slice %arg8[%add3A_813, %dma_wait3A_1061] : memref<204800x64xf32, #tpu.memory_space<hbm>> -> memref<128x64xf32, #tpu.memory_space<hbm>>
      %dma_wait3A_1063 = tpu.memref_slice %arg15[%dma_wait3A_1056] : memref<10x!tpu.dma_semaphore, #tpu.memory_space<semaphore_mem>> -> memref<1x!tpu.dma_semaphore, #tpu.memory_space<semaphore_mem>>
      %dma_wait3A_1064 = tpu.memref_squeeze %dma_wait3A_1063 : memref<1x!tpu.dma_semaphore, #tpu.memory_space<semaphore_mem>> -> memref<!tpu.dma_semaphore, #tpu.memory_space<semaphore_mem>>
      %dma_wait3A_1065 = arith.constant 0 : i32
      %dma_wait3A_1066 = tpu.memref_slice %arg8[%add3A_813, %dma_wait3A_1065] : memref<204800x64xf32, #tpu.memory_space<hbm>> -> memref<128x64xf32, #tpu.memory_space<hbm>>
      %dma_wait3A_1067 = arith.constant 0 : i32
      %dma_wait3A_1068 = arith.constant 0 : i32
      %dma_wait3A_1069 = tpu.memref_slice %arg12[%dma_wait3A_1055, %dma_wait3A_1067, %dma_wait3A_1068] : memref<10x128x64xf32, #tpu.memory_space<vmem>> -> memref<1x128x64xf32, #tpu.memory_space<vmem>>
      %dma_wait3A_1070 = tpu.memref_squeeze %dma_wait3A_1069 : memref<1x128x64xf32, #tpu.memory_space<vmem>> -> memref<128x64xf32, #tpu.memory_space<vmem>>
      tpu.wait_dma2 semaphore(%dma_wait3A_1064 : memref<!tpu.dma_semaphore, #tpu.memory_space<semaphore_mem>>) src(%dma_wait3A_1070 : memref<128x64xf32, #tpu.memory_space<vmem>>) dst(%dma_wait3A_1066 : memref<128x64xf32, #tpu.memory_space<hbm>>)
      %dma_wait3A_1071 = arith.constant 7 : i32
      %dma_wait3A_1072 = arith.constant 7 : i32
      %dma_wait3A_1073 = arith.constant 0 : i32
      %dma_wait3A_1074 = arith.constant 0 : i32
      %dma_wait3A_1075 = tpu.memref_slice %arg12[%dma_wait3A_1071, %dma_wait3A_1073, %dma_wait3A_1074] : memref<10x128x64xf32, #tpu.memory_space<vmem>> -> memref<1x128x64xf32, #tpu.memory_space<vmem>>
      %dma_wait3A_1076 = tpu.memref_squeeze %dma_wait3A_1075 : memref<1x128x64xf32, #tpu.memory_space<vmem>> -> memref<128x64xf32, #tpu.memory_space<vmem>>
      %dma_wait3A_1077 = arith.constant 0 : i32
      %dma_wait3A_1078 = tpu.memref_slice %arg8[%add3A_856, %dma_wait3A_1077] : memref<204800x64xf32, #tpu.memory_space<hbm>> -> memref<128x64xf32, #tpu.memory_space<hbm>>
      %dma_wait3A_1079 = tpu.memref_slice %arg15[%dma_wait3A_1072] : memref<10x!tpu.dma_semaphore, #tpu.memory_space<semaphore_mem>> -> memref<1x!tpu.dma_semaphore, #tpu.memory_space<semaphore_mem>>
      %dma_wait3A_1080 = tpu.memref_squeeze %dma_wait3A_1079 : memref<1x!tpu.dma_semaphore, #tpu.memory_space<semaphore_mem>> -> memref<!tpu.dma_semaphore, #tpu.memory_space<semaphore_mem>>
      %dma_wait3A_1081 = arith.constant 0 : i32
      %dma_wait3A_1082 = tpu.memref_slice %arg8[%add3A_856, %dma_wait3A_1081] : memref<204800x64xf32, #tpu.memory_space<hbm>> -> memref<128x64xf32, #tpu.memory_space<hbm>>
      %dma_wait3A_1083 = arith.constant 0 : i32
      %dma_wait3A_1084 = arith.constant 0 : i32
      %dma_wait3A_1085 = tpu.memref_slice %arg12[%dma_wait3A_1071, %dma_wait3A_1083, %dma_wait3A_1084] : memref<10x128x64xf32, #tpu.memory_space<vmem>> -> memref<1x128x64xf32, #tpu.memory_space<vmem>>
      %dma_wait3A_1086 = tpu.memref_squeeze %dma_wait3A_1085 : memref<1x128x64xf32, #tpu.memory_space<vmem>> -> memref<128x64xf32, #tpu.memory_space<vmem>>
      tpu.wait_dma2 semaphore(%dma_wait3A_1080 : memref<!tpu.dma_semaphore, #tpu.memory_space<semaphore_mem>>) src(%dma_wait3A_1086 : memref<128x64xf32, #tpu.memory_space<vmem>>) dst(%dma_wait3A_1082 : memref<128x64xf32, #tpu.memory_space<hbm>>)
      %dma_wait3A_1087 = arith.constant 8 : i32
      %dma_wait3A_1088 = arith.constant 8 : i32
      %dma_wait3A_1089 = arith.constant 0 : i32
      %dma_wait3A_1090 = arith.constant 0 : i32
      %dma_wait3A_1091 = tpu.memref_slice %arg12[%dma_wait3A_1087, %dma_wait3A_1089, %dma_wait3A_1090] : memref<10x128x64xf32, #tpu.memory_space<vmem>> -> memref<1x128x64xf32, #tpu.memory_space<vmem>>
      %dma_wait3A_1092 = tpu.memref_squeeze %dma_wait3A_1091 : memref<1x128x64xf32, #tpu.memory_space<vmem>> -> memref<128x64xf32, #tpu.memory_space<vmem>>
      %dma_wait3A_1093 = arith.constant 0 : i32
      %dma_wait3A_1094 = tpu.memref_slice %arg8[%add3A_899, %dma_wait3A_1093] : memref<204800x64xf32, #tpu.memory_space<hbm>> -> memref<128x64xf32, #tpu.memory_space<hbm>>
      %dma_wait3A_1095 = tpu.memref_slice %arg15[%dma_wait3A_1088] : memref<10x!tpu.dma_semaphore, #tpu.memory_space<semaphore_mem>> -> memref<1x!tpu.dma_semaphore, #tpu.memory_space<semaphore_mem>>
      %dma_wait3A_1096 = tpu.memref_squeeze %dma_wait3A_1095 : memref<1x!tpu.dma_semaphore, #tpu.memory_space<semaphore_mem>> -> memref<!tpu.dma_semaphore, #tpu.memory_space<semaphore_mem>>
      %dma_wait3A_1097 = arith.constant 0 : i32
      %dma_wait3A_1098 = tpu.memref_slice %arg8[%add3A_899, %dma_wait3A_1097] : memref<204800x64xf32, #tpu.memory_space<hbm>> -> memref<128x64xf32, #tpu.memory_space<hbm>>
      %dma_wait3A_1099 = arith.constant 0 : i32
      %dma_wait3A_1100 = arith.constant 0 : i32
      %dma_wait3A_1101 = tpu.memref_slice %arg12[%dma_wait3A_1087, %dma_wait3A_1099, %dma_wait3A_1100] : memref<10x128x64xf32, #tpu.memory_space<vmem>> -> memref<1x128x64xf32, #tpu.memory_space<vmem>>
      %dma_wait3A_1102 = tpu.memref_squeeze %dma_wait3A_1101 : memref<1x128x64xf32, #tpu.memory_space<vmem>> -> memref<128x64xf32, #tpu.memory_space<vmem>>
      tpu.wait_dma2 semaphore(%dma_wait3A_1096 : memref<!tpu.dma_semaphore, #tpu.memory_space<semaphore_mem>>) src(%dma_wait3A_1102 : memref<128x64xf32, #tpu.memory_space<vmem>>) dst(%dma_wait3A_1098 : memref<128x64xf32, #tpu.memory_space<hbm>>)
      %dma_wait3A_1103 = arith.constant 9 : i32
      %dma_wait3A_1104 = arith.constant 9 : i32
      %dma_wait3A_1105 = arith.constant 0 : i32
      %dma_wait3A_1106 = arith.constant 0 : i32
      %dma_wait3A_1107 = tpu.memref_slice %arg12[%dma_wait3A_1103, %dma_wait3A_1105, %dma_wait3A_1106] : memref<10x128x64xf32, #tpu.memory_space<vmem>> -> memref<1x128x64xf32, #tpu.memory_space<vmem>>
      %dma_wait3A_1108 = tpu.memref_squeeze %dma_wait3A_1107 : memref<1x128x64xf32, #tpu.memory_space<vmem>> -> memref<128x64xf32, #tpu.memory_space<vmem>>
      %dma_wait3A_1109 = arith.constant 0 : i32
      %dma_wait3A_1110 = tpu.memref_slice %arg8[%add3A_942, %dma_wait3A_1109] : memref<204800x64xf32, #tpu.memory_space<hbm>> -> memref<128x64xf32, #tpu.memory_space<hbm>>
      %dma_wait3A_1111 = tpu.memref_slice %arg15[%dma_wait3A_1104] : memref<10x!tpu.dma_semaphore, #tpu.memory_space<semaphore_mem>> -> memref<1x!tpu.dma_semaphore, #tpu.memory_space<semaphore_mem>>
      %dma_wait3A_1112 = tpu.memref_squeeze %dma_wait3A_1111 : memref<1x!tpu.dma_semaphore, #tpu.memory_space<semaphore_mem>> -> memref<!tpu.dma_semaphore, #tpu.memory_space<semaphore_mem>>
      %dma_wait3A_1113 = arith.constant 0 : i32
      %dma_wait3A_1114 = tpu.memref_slice %arg8[%add3A_942, %dma_wait3A_1113] : memref<204800x64xf32, #tpu.memory_space<hbm>> -> memref<128x64xf32, #tpu.memory_space<hbm>>
      %dma_wait3A_1115 = arith.constant 0 : i32
      %dma_wait3A_1116 = arith.constant 0 : i32
      %dma_wait3A_1117 = tpu.memref_slice %arg12[%dma_wait3A_1103, %dma_wait3A_1115, %dma_wait3A_1116] : memref<10x128x64xf32, #tpu.memory_space<vmem>> -> memref<1x128x64xf32, #tpu.memory_space<vmem>>
      %dma_wait3A_1118 = tpu.memref_squeeze %dma_wait3A_1117 : memref<1x128x64xf32, #tpu.memory_space<vmem>> -> memref<128x64xf32, #tpu.memory_space<vmem>>
      tpu.wait_dma2 semaphore(%dma_wait3A_1112 : memref<!tpu.dma_semaphore, #tpu.memory_space<semaphore_mem>>) src(%dma_wait3A_1118 : memref<128x64xf32, #tpu.memory_space<vmem>>) dst(%dma_wait3A_1114 : memref<128x64xf32, #tpu.memory_space<hbm>>)
    }
    %scan3A_7 = arith.constant 5 : i32
    return
  }
}

</mosaic_0001>

<sc_bundles>
// kernel: kernel.3.cloned.1.call-start
scs
__scs_entry_jumppad:
0x0: {  	(pc) =	sbr.rel $0x88, $3  }
0x1: {  	(tag) =	ssettag $0x0;
	lr =	simm.s32 $0x1  }
0x2: {  	[smem:$0x3F9B] =	sst lr;
	_ =	strace $0xD0000000  }
0x3: {  	_ = 	snop  }
0x4: {  	_ = 	snop  }
0x5: {  	_ = 	snop  }
0x6: {  	_ = 	snop  }
0x7: {  	_ = 	snop  }
__scs_overlays_trampoline_lowered:
0x8: {  	[smem:$0x3FAA] =	sst s0  }
0x9: {  	[smem:$0x3FAB] =	sst s1  }
0xa: {  	[smem:$0x3FAC] =	sst s2  }
0xb: {  	[smem:$0x3FAD] =	sst s3  }
0xc: {  	[smem:$0x3FAE] =	sst s4  }
0xd: {  	[smem:$0x3FAF] =	sst s5  }
0xe: {  	[smem:$0x3FB0] =	sst s6  }
0xf: {  	[smem:$0x3FB1] =	sst s7  }
0x10: {  	[smem:$0x3FB2] =	sst s8  }
0x11: {  	[smem:$0x3FB3] =	sst s9;
	s0 =	simm.s32 @!p0 $0x0  }
0x12: {  	s1 =	sld [smem:$0x3F99];
	s0 =	simm.s32 @p0 $0x1  }
0x13: {  	[smem:$0x3FB4] =	sst s0;
	s0 =	simm.s32 @!p1 $0x0  }
0x14: {  	s2 =	sld [smem:$0x3F98];
	s0 =	simm.s32 @p1 $0x1  }
0x15: {  	[smem:$0x3FB5] =	sst s0;
	s0 =	simm.s32 @!p2 $0x0  }
0x16: {  	s3 =	sld [smem:$0x3FDB];
	s0 =	simm.s32 @p2 $0x1  }
0x17: {  	s4 =	simm.s32 $0x1BF5;
	[smem:$0x3FB7] =	sst s0  }
0x18: {  	s0 =	sld [smem:$0x3F9A];
	_ =	swait.ge [sflag:s4], $0x0  }
0x19: {  	s7 =	sld [smem:$0x3F9B]  }
0x1a: {  	s8 =	sadd.s32 $0xFFFFE003, lr  }
0x1b: {  	s9 =	sadd.s32 $0xFFFFFEF7, lr;
	s5 =	simm.s32 $0xFFFFFFFF;
	p2 =	slt.u32 s8, $0xFFFFF086  }
0x1c: {  	p1 =	slt.u32 s9, $0xF7A;
	s5 =	simm.s32 @!p2 $0x0  }
0x1d: {  	s5 =	simm.s32 @p1 $0x1;
	p0 =	seq.s32 s7, s2  }
0x1e: {  	s7 =	smul.u32 @!p0 $0xF7A, s2;
	p2 =	seq.s32 @!p0 s5, $0x0  }
0x1f: {  	s9 =	smul.u32 $0xF7A, s1;
	s8 =	simm.s32 @!p0 $0x1BF5;
	p2 =	por !p2, p0  }
0x20: {  	[sflag:s8] =	ssyncset.s32 @!p0 $0xFFFFF086;
	s6 =	sadd.s32 @!p0 s3, s7;
	s7 =	simm.s32 @!p0 $0x108  }
0x21: {  	s3 =	sadd.s32 s3, s9;
	s6 =	sadd.s32 @!p0 $0x88, s6;
	s7 =	simm.s32 @p2 $0x1082  }
0x22: {  	[simem:s7], [sflag:s8] =	dma.local @!p0 [hbm:s6], $0xF7A  }
0x23: {  	s9 =	sor.u32 $0xD0000000, s2;
	s6 =	simm.s32 $0x108;
	_ =	swait.ge @!p0 [sflag:s8], $0x0  }
0x24: {  	s3 =	sadd.s32 $0x88, s3;
	s6 =	simm.s32 @!p1 $0x1082;
	[sflag:s4] =	ssyncset.s32 $0xFFFFF086  }
0x25: {  	[simem:s6], [sflag:s4] =	dma.local [hbm:s3], $0xF7A  }
0x26: {  	[smem:$0x3F9B] =	sst s1;
	(tag) =	ssettag s2;
	_ =	strace s9  }
0x27: {  	s1 =	sld [smem:$0x3FAB]  }
0x28: {  	s2 =	sld [smem:$0x3FAC]  }
0x29: {  	s4 =	sld [smem:$0x3FAE]  }
0x2a: {  	p0 =	seq.s32 s5, $0x0;
	s5 =	sld [smem:$0x3FAF]  }
0x2b: {  	s6 =	sld [smem:$0x3FB0]  }
0x2c: {  	s7 =	sld [smem:$0x3FB1]  }
0x2d: {  	s3 =	simm.s32 $0x108;
	s8 =	sld [smem:$0x3FB2]  }
0x2e: {  	s3 =	simm.s32 @!p0 $0x1082;
	s9 =	sld [smem:$0x3FB3]  }
0x2f: {  	lr =	sadd.s32 s0, s3;
	s0 =	sld [smem:$0x3FAA]  }
0x30: {  	s3 =	sld [smem:$0x3FAD]  }
0x31: {  	[smem:$0x3FB6] =	sst s10  }
0x32: {  	s10 =	sld [smem:$0x3FB4];
	_ =	sdelay $0x3  }
0x33: {  	p0 =	seq.s32 s10, $0x1;
	s10 =	sld [smem:$0x3FB6];
	_ =	sdelay $0x3  }
0x34: {  	[smem:$0x3FB6] =	sst s10  }
0x35: {  	s10 =	sld [smem:$0x3FB5];
	_ =	sdelay $0x3  }
0x36: {  	p1 =	seq.s32 s10, $0x1;
	s10 =	sld [smem:$0x3FB6];
	_ =	sdelay $0x3  }
0x37: {  	[smem:$0x3FB6] =	sst s10  }
0x38: {  	s10 =	sld [smem:$0x3FB7]  }
0x39: {  	_ = 	snop;
	(pc) =	sbr.ind lr, $3  }
0x3a: {  	_ = 	snop  }
0x3b: {  	_ = 	snop  }
0x3c: {  	p2 =	seq.s32 s10, $0x1;
	s10 =	sld [smem:$0x3FB6]  }
0x3d: {  	_ =	shalt  }
0x3e: {  	_ =	shalt  }
0x3f: {  	_ =	shalt  }
0x40: {  	_ =	shalt  }
0x41: {  	_ =	shalt  }
0x42: {  	_ =	shalt  }
0x43: {  	_ =	shalt  }
0x44: {  	_ =	shalt  }
0x45: {  	_ =	shalt  }
0x46: {  	_ =	shalt  }
0x47: {  	_ =	shalt  }
0x48: {  	_ =	shalt  }
0x49: {  	_ =	shalt  }
0x4a: {  	_ =	shalt  }
0x4b: {  	_ =	shalt  }
0x4c: {  	_ =	shalt  }
0x4d: {  	_ =	shalt  }
0x4e: {  	_ =	shalt  }
0x4f: {  	_ =	shalt  }
0x50: {  	_ =	shalt  }
0x51: {  	_ =	shalt  }
0x52: {  	_ =	shalt  }
0x53: {  	_ =	shalt  }
0x54: {  	_ =	shalt  }
0x55: {  	_ =	shalt  }
0x56: {  	_ =	shalt  }
0x57: {  	_ =	shalt  }
0x58: {  	_ =	shalt  }
0x59: {  	_ =	shalt  }
0x5a: {  	_ =	shalt  }
0x5b: {  	_ =	shalt  }
0x5c: {  	_ =	shalt  }
0x5d: {  	_ =	shalt  }
0x5e: {  	_ =	shalt  }
0x5f: {  	_ =	shalt  }
0x60: {  	_ =	shalt  }
0x61: {  	_ =	shalt  }
0x62: {  	_ =	shalt  }
0x63: {  	_ =	shalt  }
0x64: {  	_ =	shalt  }
0x65: {  	_ =	shalt  }
0x66: {  	_ =	shalt  }
0x67: {  	_ =	shalt  }
0x68: {  	_ =	shalt  }
0x69: {  	_ =	shalt  }
0x6a: {  	_ =	shalt  }
0x6b: {  	_ =	shalt  }
0x6c: {  	_ =	shalt  }
0x6d: {  	_ =	shalt  }
0x6e: {  	_ =	shalt  }
0x6f: {  	_ =	shalt  }
0x70: {  	_ =	shalt  }
0x71: {  	_ =	shalt  }
0x72: {  	_ =	shalt  }
0x73: {  	_ =	shalt  }
0x74: {  	_ =	shalt  }
0x75: {  	_ =	shalt  }
0x76: {  	_ =	shalt  }
0x77: {  	_ =	shalt  }
0x78: {  	_ =	shalt  }
0x79: {  	_ =	shalt  }
0x7a: {  	_ =	shalt  }
0x7b: {  	_ =	shalt  }
0x7c: {  	_ =	shalt  }
0x7d: {  	_ =	shalt  }
0x7e: {  	_ =	shalt  }
0x7f: {  	_ =	shalt  }
0x80: {  	_ =	shalt  }
0x81: {  	_ =	shalt  }
0x82: {  	_ =	shalt  }
0x83: {  	_ =	shalt  }
0x84: {  	_ =	shalt  }
0x85: {  	_ =	shalt  }
0x86: {  	_ =	shalt  }
0x87: {  	_ =	shalt  }
.Lfunc_end0:
.L_simem_size_0:
called_computation.1_lowered:
.L_overlay_start_0:
0x88: {  	s2 =	sld [smem:$0x3FD9]  }
0x89: {  	s3 =	sld [smem:$0x3FFE];
	_ =	sdelay $0x1  }
0x8a: {  	s1 =	srdreg.scid  }
0x8b: {  	s0 =	sand.u32 $0x1, s1  }
0x8c: {  	s17 =	sshll.u32 s0, $0xA;
	s2 =	sadd.s32 s3, s2  }
0x8d: {  	s2 =	sadd.s32 s2, s17  }
0x8e: {  	[smem:$0x3FC2] =	sst s2  }
0x8f: {  	_ = 	snop  }
0x90: {  	s2 =	sld [smem:$0x3FD0];
	(tm) =	ssettm $0x1  }
0x91: {  	s18 =	sld [smem:$0x3FFB];
	_ =	sdelay $0x3  }
0x92: {  	_ =	strace s18  }
0x93: {  	s3 =	sld [smem:$0x3FFC];
	_ =	sdelay $0x3  }
0x94: {  	_ =	strace s3  }
0x95: {  	s3 =	sld [smem:$0x3FFD];
	_ =	sdelay $0x3  }
0x96: {  	_ =	strace s3  }
0x97: {  	_ =	strace $0x8FFFFFFF  }
0x98: {  	s19 =	sld [smem:$0x3FDB];
	_ =	sdelay $0x1  }
0x99: {  	s4 =	simm.s32 $_scs_section_size  }
0x9a: {  	s5 =	simm.s32 $_size__tile_overlayer_lowered;
	s6 =	simm.s32 $_tile_overlayer_lowered  }
0x9b: {  	s22 =	simm.s32 $0x1BFF;
	s21 =	sshll.u32 s6, $0x1;
	s3 =	sadd.s32 s4, s19  }
0x9c: {  	s7 =	simm.s32 $0x0;
	s20 =	sshll.u32 s5, $0x1;
	s5 =	sadd.s32 s21, s3  }
0x9d: {  	[timem:s7], [sflag:s22] =	dma.local [hbm:s5], s20  }
0x9e: {  	_ =	swait.ge [sflag:s22], s20  }
0x9f: {  	s4 =	ssub.s32 $0x0, s20;
	[sflag:s22] =	ssyncset.done $0x0  }
0xa0: {  	[sflag:s22] =	ssyncadd.s32 s4;
	_ =	sdelay $0x1  }
0xa1: {  	s23 =	simm.s32 $0x1B8B  }
0xa2: {  	_ =	swait.ge [sflag:s23], $0x1  }
0xa3: {  	[sflag:s23] =	ssyncset.done $0x0  }
0xa4: {  	s25 =	simm.s32 $0x1B8E;
	s24 =	sld [smem:$0x3FFE];
	[sflag:s23] =	ssyncadd.s32 $0xFFFFFFFF  }
0xa5: {  	s26 =	simm.s32 $execute0_lowered;
	[smem:$0x3FD2] =	sst s25  }
0xa6: {  	s5 =	sshll.u32 s26, $0x1;
	_ =	strace $0x80000046;
	[dreg:$0x1] =	wrdreg $0xFFFFFFFF  }
0xa7: {  	s28 =	simm.s32 $_size_execute0_lowered;
	s3 =	sadd.s32 s3, s5;
	[dreg:$0x0] =	wrdreg $0x0  }
0xa8: {  	s5 =	sshll.u32 s28, $0x1;
	[dreg:$0x2] =	wrdreg s3  }
0xa9: {  	[dreg:$0x3] =	wrdreg s5  }
0xaa: {  	[dreg:$0x4] =	wrdreg $0xC0  }
0xab: {  	_ =	task [dreg:s7], $0x5FFFF  }
0xac: {  	[dreg:$0x1] =	wrdreg $0xFFFFFFFF  }
0xad: {  	[dreg:$0x0] =	wrdreg $0x60  }
0xae: {  	[dreg:$0x2] =	wrdreg s24  }
0xaf: {  	[dreg:$0x3] =	wrdreg s2  }
0xb0: {  	[dreg:$0x4] =	wrdreg $0x9  }
0xb1: {  	_ =	task.clear_ibuf [dreg:s7], $0x5FFFF;
	_ =	strace $0x90000046  }
0xb2: {  	s29 =	simm.s32 $0x9;
	_ =	strace $0x80000048  }
0xb3: {  	_ =	swait.ge [sflag:s29], $0x1  }
0xb4: {  	[sflag:s29] =	ssyncadd.s32 $0xFFFFFFFF  }
0xb5: {  	_ =	strace $0x90000048  }
0xb6: {  	_ =	sfence  }
0xb7: {  	s30 =	sld [smem:$0x0];
	_ =	sdelay $0x2  }
0xb8: {  	s31 =	sshll.u32 s1, $0xD;
	s1 =	sshrl.u32 s1, $0x2  }
0xb9: {  	s3 =	sand.u32 $0x4000, s31;
	s1 =	sadd.s32 s1, s30  }
0xba: {  	s0 =	sor.u32 s3, s0;
	s1 =	sshll.u32 s1, $0x11  }
0xbb: {  	s0 =	sor.u32 s1, s0  }
0xbc: {  	s0 =	sadd.s32 $0x8F2B, s0  }
0xbd: {  	[sflag:s0] =	ssyncadd.remote.s32 $0x1  }
0xbe: {  	_ =	sfence.sel $0xFFFF  }
0xbf: {  	[dreg:$0x0] =	wrdreg $0xFFFFFFFF;
	(pc) =	sbr.abs _section_cstart, $3  }
0xc0: {  	[dreg:$0x1] =	wrdreg $0xFFFFFFFF  }
0xc1: {  	_ =	task.clear_ibuf [dreg:s7], $0x2FFFF;
	_ =	strace $0x9FFFFFFF  }
0xc2: {  	(tm) =	ssettm $0x7FFFFFFF  }
0xc3: {  	_ =	shalt  }
tec
execute0_lowered:
.L_overlay_start_1:
0x0: {  	(tag) =	ssettag $0x1  }
0x1: {  	s0 =	rddreg [dreg:$0x0]  }
0x2: {  	s1 =	srdreg.scid;
	s6 =	stileid.u32  }
0x3: {  	s3 =	simm.s32 $0x0;
	s14 =	simm.s32 $0x80;
	s15 =	simm.s32 $0x4B00  }
0x4: {  	s9 =	simm.s32 $0xD;
	s10 =	simm.s32 $0xE;
	s11 =	simm.s32 $0xF  }
0x5: {  	s28 =	simm.s32 $0x13;
	s29 =	simm.s32 $0x14;
	s4 =	smul.u32 $0x3200, s6  }
0x6: {  	s12 =	simm.s32 $0x0;
	s1 =	sand.u32 $0x1, s1;
	s16 =	smul.u32 $0x19000, s6  }
0x7: {  	s2 =	sshll.u32 s6, $0x1;
	[smem:$0x7FF] =	sst s3;
	s5 =	smul.u32 $0x1900, s1  }
0x8: {  	s6 =	sadd.s32 $0x1DC00, s0;
	s2 =	sor.u32 s1, s2;
	s17 =	smul.u32 $0xC800, s1  }
0x9: {  	_ =	strace $0x80000047;
	s1 =	ssub.s32 $0x2, s1;
	s2 =	smul.u32 $0x1900, s2  }
0xa: {  	s22 =	sshrl.u32 s1, $0x1;
	s4 =	sadd.s32 s5, s4;
	s5 =	sadd.s32 s17, s16  }
0xb: {  	s1 =	ssub.s32 s1, s22;
	s16 =	simm.s32 $0x6B00;
	s17 =	simm.s32 $0x8B00  }
0xc: {  	s7 =	sshll.u32 s4, $0x3;
	[dreg:$0x4] =	wrdreg s5;
	s1 =	smax.u32 s1, $0x1  }
0xd: {  	s22 =	simm.s32 $0x12B00;
	s18 =	sor.u32 $0x400, s7;
	[dreg:$0x10] =	wrdreg s1  }
0xe: {  	s2 =	sshrl.u32 s2, $0x3;
	s19 =	sadd.s32 $0x2400, s7;
	[dreg:$0x3] =	wrdreg s18  }
0xf: {  	s4 =	sadd.s32 $0x27A00, s0;
	s8 =	sadd.s32 $0x2000, s7;
	[dreg:$0x5] =	wrdreg s19  }
0x10: {  	s5 =	sadd.s32 $0x13E00, s0;
	s20 =	sadd.s32 $0x1C00, s7;
	[dreg:$0x6] =	wrdreg s8  }
0x11: {  	s2 =	sadd.s32 s2, s0;
	s21 =	sadd.s32 $0x1800, s7;
	[dreg:$0x7] =	wrdreg s20  }
0x12: {  	s23 =	sadd.s32 $0x1400, s7;
	s24 =	sadd.s32 $0x1000, s7;
	[dreg:$0x8] =	wrdreg s21  }
0x13: {  	s26 =	sadd.s32 $0xC00, s7;
	s31 =	sadd.s32 $0x800, s7;
	[dreg:$0x9] =	wrdreg s23  }
0x14: {  	s7 =	simm.s32 $0xB;
	s0 =	simm.s32 $0x1E;
	[dreg:$0xa] =	wrdreg s24  }
0x15: {  	s25 =	sadd.s32 $0x1200, s2;
	s30 =	sadd.s32 $0x7600, s2;
	[dreg:$0xb] =	wrdreg s26  }
0x16: {  	s2 =	sadd.s32 $0xDA00, s2;
	[dreg:$0xc] =	wrdreg s31;
	s18 =	simm.s32 $0xAB00  }
0x17: {  	s19 =	simm.s32 $0xCB00;
	s20 =	simm.s32 $0xEB00;
	s21 =	simm.s32 $0x10B00  }
0x18: {  	s23 =	simm.s32 $0x14B00;
	s24 =	simm.s32 $0x16B00;
	[dreg:$0xd] =	wrdreg s25  }
0x19: {  	s8 =	simm.s32 $0xC;
	s26 =	simm.s32 $0x12;
	[dreg:$0xe] =	wrdreg s30  }
0x1a: {  	[dreg:$0xf] =	wrdreg s2;
	s2 =	simm.s32 $0x10;
	s25 =	simm.s32 $0x11  }
.LBB2_1:
0x1b: {  	[dreg:$0x11] =	wrdreg s12  }
0x1c: {  	s1 =	rddreg [dreg:$0xd];
	s12 =	simm.s32 $0x1F  }
0x1d: {  	[tilespmem:s3], [sflag:$0x1F] =	stream.linear.gather [hbm4b:s1+s3], $0x1900, $0x38;
	[tilespmem:$0x18B00] =	vst v63  }
0x1e: {  	_ =	swait.ge [sflag:s12], $0x1900  }
0x1f: {  	[sflag:s12] =	ssyncset.done $0x0  }
0x20: {  	s13 =	simm.s32 $0x1900;
	s31 =	rddreg [dreg:$0xe];
	[sflag:s12] =	ssyncadd.s32 $0xFFFFE700  }
0x21: {  	[tilespmem:s13], [sflag:$0x1F] =	stream.linear.gather [hbm4b:s31+s3], $0x1900, $0x38;
	[tilespmem:$0x18B00] =	vst v63  }
0x22: {  	_ =	swait.ge [sflag:s12], $0x1900  }
0x23: {  	[sflag:s12] =	ssyncset.done $0x0  }
0x24: {  	s31 =	simm.s32 $0x3200;
	s13 =	rddreg [dreg:$0xf];
	[sflag:s12] =	ssyncadd.s32 $0xFFFFE700  }
0x25: {  	[tilespmem:s31], [sflag:$0x1F] =	stream.linear.gather [hbm4b:s13+s3], $0x1900, $0x38;
	[tilespmem:$0x18B00] =	vst v63  }
0x26: {  	_ =	swait.ge [sflag:s12], $0x1900  }
0x27: {  	[sflag:s12] =	ssyncset.done $0x0  }
0x28: {  	s13 =	simm.s32 $0x0;
	[sflag:s12] =	ssyncadd.s32 $0xFFFFE700  }
0x29: {  	[tilespmem:s15], [sflag:$0x1] =	stream.indirect.gather [hbm4b:s4+s14], $0x40, s13, s14, $0xb8;
	[tilespmem:$0x18B00] =	vst v63  }
0x2a: {  	s31 =	simm.s32 $0x80  }
0x2b: {  	[tilespmem:s16], [sflag:$0x2] =	stream.indirect.gather [hbm4b:s4+s14], $0x40, s31, s14, $0xb8;
	[tilespmem:$0x18B00] =	vst v63  }
0x2c: {  	s12 =	simm.s32 $0x100  }
0x2d: {  	[tilespmem:s17], [sflag:$0x3] =	stream.indirect.gather [hbm4b:s4+s14], $0x40, s12, s14, $0xb8;
	[tilespmem:$0x18B00] =	vst v63  }
0x2e: {  	s13 =	simm.s32 $0x180  }
0x2f: {  	[tilespmem:s18], [sflag:$0x4] =	stream.indirect.gather [hbm4b:s4+s14], $0x40, s13, s14, $0xb8;
	[tilespmem:$0x18B00] =	vst v63  }
0x30: {  	s31 =	simm.s32 $0x200  }
0x31: {  	[tilespmem:s19], [sflag:$0x5] =	stream.indirect.gather [hbm4b:s4+s14], $0x40, s31, s14, $0xb8;
	[tilespmem:$0x18B00] =	vst v63  }
0x32: {  	s12 =	simm.s32 $0x280  }
0x33: {  	[tilespmem:s20], [sflag:$0x6] =	stream.indirect.gather [hbm4b:s4+s14], $0x40, s12, s14, $0xb8;
	[tilespmem:$0x18B00] =	vst v63  }
0x34: {  	s13 =	simm.s32 $0x300  }
0x35: {  	[tilespmem:s21], [sflag:$0x7] =	stream.indirect.gather [hbm4b:s4+s14], $0x40, s13, s14, $0xb8;
	[tilespmem:$0x18B00] =	vst v63  }
0x36: {  	s31 =	simm.s32 $0x380  }
0x37: {  	[tilespmem:s22], [sflag:$0x8] =	stream.indirect.gather [hbm4b:s4+s14], $0x40, s31, s14, $0xb8;
	[tilespmem:$0x18B00] =	vst v63  }
0x38: {  	s12 =	simm.s32 $0x400  }
0x39: {  	[tilespmem:s23], [sflag:$0x9] =	stream.indirect.gather [hbm4b:s4+s14], $0x40, s12, s14, $0xb8;
	[tilespmem:$0x18B00] =	vst v63  }
0x3a: {  	s13 =	simm.s32 $0x480;
	s31 =	simm.s32 $0x1  }
0x3b: {  	[tilespmem:s24], [sflag:$0xA] =	stream.indirect.gather [hbm4b:s4+s14], $0x40, s13, s14, $0xb8;
	[tilespmem:$0x18B00] =	vst v63  }
0x3c: {  	_ =	swait.ge [sflag:s31], $0x2000  }
0x3d: {  	[sflag:s31] =	ssyncset.done $0x0  }
0x3e: {  	s12 =	simm.s32 $0x1900;
	[sflag:s31] =	ssyncadd.s32 $0xFFFFE000  }
0x3f: {  	[tilespmem:s15], [sflag:$0xB] =	stream.indirect.gather.add.f32 [hbm:s5], $0x40, s12, s14, $0xb8;
	[tilespmem:$0x18B00] =	vst v63  }
0x40: {  	s13 =	simm.s32 $0x3200;
	s31 =	simm.s32 $0x2  }
0x41: {  	[tilespmem:s15], [sflag:$0xB] =	stream.indirect.gather.add.f32 [hbm:s6], $0x40, s13, s14, $0xb8;
	[tilespmem:$0x18B00] =	vst v63  }
0x42: {  	_ =	swait.ge [sflag:s31], $0x2000  }
0x43: {  	[sflag:s31] =	ssyncset.done $0x0  }
0x44: {  	s12 =	simm.s32 $0x1980;
	[sflag:s31] =	ssyncadd.s32 $0xFFFFE000  }
0x45: {  	[tilespmem:s16], [sflag:$0xC] =	stream.indirect.gather.add.f32 [hbm:s5], $0x40, s12, s14, $0xb8;
	[tilespmem:$0x18B00] =	vst v63  }
0x46: {  	s13 =	simm.s32 $0x3280;
	s31 =	simm.s32 $0x3  }
0x47: {  	[tilespmem:s16], [sflag:$0xC] =	stream.indirect.gather.add.f32 [hbm:s6], $0x40, s13, s14, $0xb8;
	[tilespmem:$0x18B00] =	vst v63  }
0x48: {  	_ =	swait.ge [sflag:s31], $0x2000  }
0x49: {  	[sflag:s31] =	ssyncset.done $0x0  }
0x4a: {  	s12 =	simm.s32 $0x1A00;
	[sflag:s31] =	ssyncadd.s32 $0xFFFFE000  }
0x4b: {  	[tilespmem:s17], [sflag:$0xD] =	stream.indirect.gather.add.f32 [hbm:s5], $0x40, s12, s14, $0xb8;
	[tilespmem:$0x18B00] =	vst v63  }
0x4c: {  	s13 =	simm.s32 $0x3300;
	s31 =	simm.s32 $0x4  }
0x4d: {  	[tilespmem:s17], [sflag:$0xD] =	stream.indirect.gather.add.f32 [hbm:s6], $0x40, s13, s14, $0xb8;
	[tilespmem:$0x18B00] =	vst v63  }
0x4e: {  	_ =	swait.ge [sflag:s31], $0x2000  }
0x4f: {  	[sflag:s31] =	ssyncset.done $0x0  }
0x50: {  	s12 =	simm.s32 $0x1A80;
	[sflag:s31] =	ssyncadd.s32 $0xFFFFE000  }
0x51: {  	[tilespmem:s18], [sflag:$0xE] =	stream.indirect.gather.add.f32 [hbm:s5], $0x40, s12, s14, $0xb8;
	[tilespmem:$0x18B00] =	vst v63  }
0x52: {  	s13 =	simm.s32 $0x3380;
	s31 =	simm.s32 $0x5  }
0x53: {  	[tilespmem:s18], [sflag:$0xE] =	stream.indirect.gather.add.f32 [hbm:s6], $0x40, s13, s14, $0xb8;
	[tilespmem:$0x18B00] =	vst v63  }
0x54: {  	_ =	swait.ge [sflag:s31], $0x2000  }
0x55: {  	[sflag:s31] =	ssyncset.done $0x0  }
0x56: {  	s12 =	simm.s32 $0x1B00;
	[sflag:s31] =	ssyncadd.s32 $0xFFFFE000  }
0x57: {  	[tilespmem:s19], [sflag:$0xF] =	stream.indirect.gather.add.f32 [hbm:s5], $0x40, s12, s14, $0xb8;
	[tilespmem:$0x18B00] =	vst v63  }
0x58: {  	s13 =	simm.s32 $0x3400;
	s31 =	simm.s32 $0x6  }
0x59: {  	[tilespmem:s19], [sflag:$0xF] =	stream.indirect.gather.add.f32 [hbm:s6], $0x40, s13, s14, $0xb8;
	[tilespmem:$0x18B00] =	vst v63  }
0x5a: {  	_ =	swait.ge [sflag:s31], $0x2000  }
0x5b: {  	[sflag:s31] =	ssyncset.done $0x0  }
0x5c: {  	s12 =	simm.s32 $0x1B80;
	[sflag:s31] =	ssyncadd.s32 $0xFFFFE000  }
0x5d: {  	[tilespmem:s20], [sflag:$0x10] =	stream.indirect.gather.add.f32 [hbm:s5], $0x40, s12, s14, $0xb8;
	[tilespmem:$0x18B00] =	vst v63  }
0x5e: {  	s13 =	simm.s32 $0x3480;
	s31 =	simm.s32 $0x7  }
0x5f: {  	[tilespmem:s20], [sflag:$0x10] =	stream.indirect.gather.add.f32 [hbm:s6], $0x40, s13, s14, $0xb8;
	[tilespmem:$0x18B00] =	vst v63  }
0x60: {  	_ =	swait.ge [sflag:s31], $0x2000  }
0x61: {  	[sflag:s31] =	ssyncset.done $0x0  }
0x62: {  	s12 =	simm.s32 $0x1C00;
	[sflag:s31] =	ssyncadd.s32 $0xFFFFE000  }
0x63: {  	[tilespmem:s21], [sflag:$0x11] =	stream.indirect.gather.add.f32 [hbm:s5], $0x40, s12, s14, $0xb8;
	[tilespmem:$0x18B00] =	vst v63  }
0x64: {  	s13 =	simm.s32 $0x3500;
	s31 =	simm.s32 $0x8  }
0x65: {  	[tilespmem:s21], [sflag:$0x11] =	stream.indirect.gather.add.f32 [hbm:s6], $0x40, s13, s14, $0xb8;
	[tilespmem:$0x18B00] =	vst v63  }
0x66: {  	_ =	swait.ge [sflag:s31], $0x2000  }
0x67: {  	[sflag:s31] =	ssyncset.done $0x0  }
0x68: {  	s12 =	simm.s32 $0x1C80;
	[sflag:s31] =	ssyncadd.s32 $0xFFFFE000  }
0x69: {  	[tilespmem:s22], [sflag:$0x12] =	stream.indirect.gather.add.f32 [hbm:s5], $0x40, s12, s14, $0xb8;
	[tilespmem:$0x18B00] =	vst v63  }
0x6a: {  	s13 =	simm.s32 $0x3580;
	s31 =	simm.s32 $0x9  }
0x6b: {  	[tilespmem:s22], [sflag:$0x12] =	stream.indirect.gather.add.f32 [hbm:s6], $0x40, s13, s14, $0xb8;
	[tilespmem:$0x18B00] =	vst v63  }
0x6c: {  	_ =	swait.ge [sflag:s31], $0x2000  }
0x6d: {  	[sflag:s31] =	ssyncset.done $0x0  }
0x6e: {  	s12 =	simm.s32 $0x1D00;
	[sflag:s31] =	ssyncadd.s32 $0xFFFFE000  }
0x6f: {  	[tilespmem:s23], [sflag:$0x13] =	stream.indirect.gather.add.f32 [hbm:s5], $0x40, s12, s14, $0xb8;
	[tilespmem:$0x18B00] =	vst v63  }
0x70: {  	s13 =	simm.s32 $0x3600;
	s31 =	simm.s32 $0xA  }
0x71: {  	[tilespmem:s23], [sflag:$0x13] =	stream.indirect.gather.add.f32 [hbm:s6], $0x40, s13, s14, $0xb8;
	[tilespmem:$0x18B00] =	vst v63  }
0x72: {  	_ =	swait.ge [sflag:s31], $0x2000  }
0x73: {  	[sflag:s31] =	ssyncset.done $0x0  }
0x74: {  	s12 =	simm.s32 $0x1D80;
	[sflag:s31] =	ssyncadd.s32 $0xFFFFE000  }
0x75: {  	[tilespmem:s24], [sflag:$0x14] =	stream.indirect.gather.add.f32 [hbm:s5], $0x40, s12, s14, $0xb8;
	[tilespmem:$0x18B00] =	vst v63  }
0x76: {  	s13 =	simm.s32 $0x3680  }
0x77: {  	[tilespmem:s24], [sflag:$0x14] =	stream.indirect.gather.add.f32 [hbm:s6], $0x40, s13, s14, $0xb8;
	[tilespmem:$0x18B00] =	vst v63  }
0x78: {  	_ =	swait.ge [sflag:s7], $0x2000  }
0x79: {  	[sflag:s7] =	ssyncset.done $0x0  }
0x7a: {  	[sflag:s7] =	ssyncadd.s32 $0xFFFFE000  }
0x7b: {  	_ =	swait.ge [sflag:s7], $0x2000  }
0x7c: {  	[sflag:s7] =	ssyncset.done $0x0  }
0x7d: {  	s31 =	rddreg [dreg:$0x4];
	[sflag:s7] =	ssyncadd.s32 $0xFFFFE000  }
0x7e: {  	s12 =	rddreg [dreg:$0x1]  }
0x7f: {  	s1 =	sadd.s32 s12, s31  }
0x80: {  	[hbm4b:s1+s3] =	stream.linear.scatter [tilespmem:s15], [sflag:$0x15], $0x2000, $0x38;
	[tilespmem:$0x18B00] =	vst v63  }
0x81: {  	_ =	swait.ge [sflag:s8], $0x2000  }
0x82: {  	[sflag:s8] =	ssyncset.done $0x0  }
0x83: {  	[sflag:s8] =	ssyncadd.s32 $0xFFFFE000  }
0x84: {  	_ =	swait.ge [sflag:s8], $0x2000  }
0x85: {  	s13 =	rddreg [dreg:$0x3];
	[sflag:s8] =	ssyncset.done $0x0  }
0x86: {  	[sflag:s8] =	ssyncadd.s32 $0xFFFFE000;
	s1 =	sadd.s32 s12, s13  }
0x87: {  	[hbm4b:s1+s3] =	stream.linear.scatter [tilespmem:s16], [sflag:$0x16], $0x2000, $0x38;
	[tilespmem:$0x18B00] =	vst v63  }
0x88: {  	_ =	swait.ge [sflag:s9], $0x2000  }
0x89: {  	[sflag:s9] =	ssyncset.done $0x0  }
0x8a: {  	[sflag:s9] =	ssyncadd.s32 $0xFFFFE000  }
0x8b: {  	_ =	swait.ge [sflag:s9], $0x2000  }
0x8c: {  	s31 =	rddreg [dreg:$0xc];
	[sflag:s9] =	ssyncset.done $0x0  }
0x8d: {  	[sflag:s9] =	ssyncadd.s32 $0xFFFFE000;
	s1 =	sadd.s32 s12, s31  }
0x8e: {  	[hbm4b:s1+s3] =	stream.linear.scatter [tilespmem:s17], [sflag:$0x17], $0x2000, $0x38;
	[tilespmem:$0x18B00] =	vst v63  }
0x8f: {  	_ =	swait.ge [sflag:s10], $0x2000  }
0x90: {  	[sflag:s10] =	ssyncset.done $0x0  }
0x91: {  	[sflag:s10] =	ssyncadd.s32 $0xFFFFE000  }
0x92: {  	_ =	swait.ge [sflag:s10], $0x2000  }
0x93: {  	s13 =	rddreg [dreg:$0xb];
	[sflag:s10] =	ssyncset.done $0x0  }
0x94: {  	[sflag:s10] =	ssyncadd.s32 $0xFFFFE000;
	s1 =	sadd.s32 s12, s13  }
0x95: {  	[hbm4b:s1+s3] =	stream.linear.scatter [tilespmem:s18], [sflag:$0x18], $0x2000, $0x38;
	[tilespmem:$0x18B00] =	vst v63  }
0x96: {  	_ =	swait.ge [sflag:s11], $0x2000  }
0x97: {  	[sflag:s11] =	ssyncset.done $0x0  }
0x98: {  	[sflag:s11] =	ssyncadd.s32 $0xFFFFE000  }
0x99: {  	_ =	swait.ge [sflag:s11], $0x2000  }
0x9a: {  	s31 =	rddreg [dreg:$0xa];
	[sflag:s11] =	ssyncset.done $0x0  }
0x9b: {  	[sflag:s11] =	ssyncadd.s32 $0xFFFFE000;
	s1 =	sadd.s32 s12, s31  }
0x9c: {  	[hbm4b:s1+s3] =	stream.linear.scatter [tilespmem:s19], [sflag:$0x19], $0x2000, $0x38;
	[tilespmem:$0x18B00] =	vst v63  }
0x9d: {  	_ =	swait.ge [sflag:s2], $0x2000  }
0x9e: {  	[sflag:s2] =	ssyncset.done $0x0  }
0x9f: {  	[sflag:s2] =	ssyncadd.s32 $0xFFFFE000  }
0xa0: {  	_ =	swait.ge [sflag:s2], $0x2000  }
0xa1: {  	s13 =	rddreg [dreg:$0x9];
	[sflag:s2] =	ssyncset.done $0x0  }
0xa2: {  	[sflag:s2] =	ssyncadd.s32 $0xFFFFE000;
	s1 =	sadd.s32 s12, s13  }
0xa3: {  	[hbm4b:s1+s3] =	stream.linear.scatter [tilespmem:s20], [sflag:$0x1A], $0x2000, $0x38;
	[tilespmem:$0x18B00] =	vst v63  }
0xa4: {  	_ =	swait.ge [sflag:s25], $0x2000  }
0xa5: {  	[sflag:s25] =	ssyncset.done $0x0  }
0xa6: {  	[sflag:s25] =	ssyncadd.s32 $0xFFFFE000  }
0xa7: {  	_ =	swait.ge [sflag:s25], $0x2000  }
0xa8: {  	s31 =	rddreg [dreg:$0x8];
	[sflag:s25] =	ssyncset.done $0x0  }
0xa9: {  	[sflag:s25] =	ssyncadd.s32 $0xFFFFE000;
	s1 =	sadd.s32 s12, s31  }
0xaa: {  	[hbm4b:s1+s3] =	stream.linear.scatter [tilespmem:s21], [sflag:$0x1B], $0x2000, $0x38;
	[tilespmem:$0x18B00] =	vst v63  }
0xab: {  	_ =	swait.ge [sflag:s26], $0x2000  }
0xac: {  	[sflag:s26] =	ssyncset.done $0x0  }
0xad: {  	[sflag:s26] =	ssyncadd.s32 $0xFFFFE000  }
0xae: {  	_ =	swait.ge [sflag:s26], $0x2000  }
0xaf: {  	s13 =	rddreg [dreg:$0x7];
	[sflag:s26] =	ssyncset.done $0x0  }
0xb0: {  	[sflag:s26] =	ssyncadd.s32 $0xFFFFE000;
	s1 =	sadd.s32 s12, s13  }
0xb1: {  	[hbm4b:s1+s3] =	stream.linear.scatter [tilespmem:s22], [sflag:$0x1C], $0x2000, $0x38;
	[tilespmem:$0x18B00] =	vst v63  }
0xb2: {  	_ =	swait.ge [sflag:s28], $0x2000  }
0xb3: {  	[sflag:s28] =	ssyncset.done $0x0  }
0xb4: {  	[sflag:s28] =	ssyncadd.s32 $0xFFFFE000  }
0xb5: {  	_ =	swait.ge [sflag:s28], $0x2000  }
0xb6: {  	s31 =	rddreg [dreg:$0x6];
	[sflag:s28] =	ssyncset.done $0x0  }
0xb7: {  	[sflag:s28] =	ssyncadd.s32 $0xFFFFE000;
	s1 =	sadd.s32 s12, s31  }
0xb8: {  	[hbm4b:s1+s3] =	stream.linear.scatter [tilespmem:s23], [sflag:$0x1D], $0x2000, $0x38;
	[tilespmem:$0x18B00] =	vst v63  }
0xb9: {  	_ =	swait.ge [sflag:s29], $0x2000  }
0xba: {  	[sflag:s29] =	ssyncset.done $0x0  }
0xbb: {  	[sflag:s29] =	ssyncadd.s32 $0xFFFFE000  }
0xbc: {  	_ =	swait.ge [sflag:s29], $0x2000  }
0xbd: {  	s13 =	rddreg [dreg:$0x5];
	[sflag:s29] =	ssyncset.done $0x0  }
0xbe: {  	s31 =	simm.s32 $0x15;
	[sflag:s29] =	ssyncadd.s32 $0xFFFFE000;
	s1 =	sadd.s32 s12, s13  }
0xbf: {  	[hbm4b:s1+s3] =	stream.linear.scatter [tilespmem:s24], [sflag:$0x1E], $0x2000, $0x38;
	[tilespmem:$0x18B00] =	vst v63  }
0xc0: {  	_ =	swait.ge [sflag:s31], $0x2000  }
0xc1: {  	[sflag:s31] =	ssyncset.done $0x0  }
0xc2: {  	s13 =	simm.s32 $0x16;
	[sflag:s31] =	ssyncadd.s32 $0xFFFFE000  }
0xc3: {  	_ =	swait.ge [sflag:s13], $0x2000  }
0xc4: {  	[sflag:s13] =	ssyncset.done $0x0  }
0xc5: {  	s31 =	simm.s32 $0x17;
	[sflag:s13] =	ssyncadd.s32 $0xFFFFE000  }
0xc6: {  	_ =	swait.ge [sflag:s31], $0x2000  }
0xc7: {  	[sflag:s31] =	ssyncset.done $0x0  }
0xc8: {  	s13 =	simm.s32 $0x18;
	[sflag:s31] =	ssyncadd.s32 $0xFFFFE000  }
0xc9: {  	_ =	swait.ge [sflag:s13], $0x2000  }
0xca: {  	[sflag:s13] =	ssyncset.done $0x0  }
0xcb: {  	s31 =	simm.s32 $0x19;
	[sflag:s13] =	ssyncadd.s32 $0xFFFFE000  }
0xcc: {  	_ =	swait.ge [sflag:s31], $0x2000  }
0xcd: {  	[sflag:s31] =	ssyncset.done $0x0  }
0xce: {  	s13 =	simm.s32 $0x1A;
	[sflag:s31] =	ssyncadd.s32 $0xFFFFE000  }
0xcf: {  	_ =	swait.ge [sflag:s13], $0x2000  }
0xd0: {  	[sflag:s13] =	ssyncset.done $0x0  }
0xd1: {  	s31 =	simm.s32 $0x1B;
	[sflag:s13] =	ssyncadd.s32 $0xFFFFE000  }
0xd2: {  	_ =	swait.ge [sflag:s31], $0x2000  }
0xd3: {  	[sflag:s31] =	ssyncset.done $0x0  }
0xd4: {  	s13 =	simm.s32 $0x1C;
	[sflag:s31] =	ssyncadd.s32 $0xFFFFE000  }
0xd5: {  	_ =	swait.ge [sflag:s13], $0x2000  }
0xd6: {  	[sflag:s13] =	ssyncset.done $0x0  }
0xd7: {  	s31 =	simm.s32 $0x1D;
	[sflag:s13] =	ssyncadd.s32 $0xFFFFE000  }
0xd8: {  	_ =	swait.ge [sflag:s31], $0x2000  }
0xd9: {  	[sflag:s31] =	ssyncset.done $0x0  }
0xda: {  	[sflag:s31] =	ssyncadd.s32 $0xFFFFE000  }
0xdb: {  	s30 =	simm.s32 $0x2800;
	_ =	swait.ge [sflag:s0], $0x2000  }
0xdc: {  	s12 =	sadd.s32 $0x2800, s12;
	s13 =	simm.s32 $0x1400;
	[sflag:s0] =	ssyncset.done $0x0  }
.LBB2_2:
0xdd: {  	s31 =	sshra.s32 s13, $0x2;
	[sflag:s0] =	ssyncadd.s32 $0xFFFFE000;
	s13 =	smov.u32 s30  }
0xde: {  	[tilespmem:s15], [sflag:$0x1] =	stream.indirect.gather [hbm4b:s4+s14], $0x40, s31, s14, $0xb8;
	[tilespmem:$0x18B00] =	vst v63  }
0xdf: {  	s1 =	sadd.s32 $0x1400, s30;
	p0 =	sne.s32 s30, $0x5000;
	s30 =	sadd.s32 $0x80, s31  }
0xe0: {  	[tilespmem:s16], [sflag:$0x2] =	stream.indirect.gather [hbm4b:s4+s14], $0x40, s30, s14, $0xb8;
	[tilespmem:$0x18B00] =	vst v63  }
0xe1: {  	s30 =	sadd.s32 $0x100, s31  }
0xe2: {  	[tilespmem:s17], [sflag:$0x3] =	stream.indirect.gather [hbm4b:s4+s14], $0x40, s30, s14, $0xb8;
	[tilespmem:$0x18B00] =	vst v63  }
0xe3: {  	s30 =	sadd.s32 $0x180, s31  }
0xe4: {  	[tilespmem:s18], [sflag:$0x4] =	stream.indirect.gather [hbm4b:s4+s14], $0x40, s30, s14, $0xb8;
	[tilespmem:$0x18B00] =	vst v63  }
0xe5: {  	s30 =	sadd.s32 $0x200, s31  }
0xe6: {  	[tilespmem:s19], [sflag:$0x5] =	stream.indirect.gather [hbm4b:s4+s14], $0x40, s30, s14, $0xb8;
	[tilespmem:$0x18B00] =	vst v63  }
0xe7: {  	s30 =	sadd.s32 $0x280, s31  }
0xe8: {  	[tilespmem:s20], [sflag:$0x6] =	stream.indirect.gather [hbm4b:s4+s14], $0x40, s30, s14, $0xb8;
	[tilespmem:$0x18B00] =	vst v63  }
0xe9: {  	s30 =	sadd.s32 $0x300, s31  }
0xea: {  	[tilespmem:s21], [sflag:$0x7] =	stream.indirect.gather [hbm4b:s4+s14], $0x40, s30, s14, $0xb8;
	[tilespmem:$0x18B00] =	vst v63  }
0xeb: {  	s30 =	sadd.s32 $0x380, s31  }
0xec: {  	[tilespmem:s22], [sflag:$0x8] =	stream.indirect.gather [hbm4b:s4+s14], $0x40, s30, s14, $0xb8;
	[tilespmem:$0x18B00] =	vst v63  }
0xed: {  	s30 =	sadd.s32 $0x400, s31  }
0xee: {  	[tilespmem:s23], [sflag:$0x9] =	stream.indirect.gather [hbm4b:s4+s14], $0x40, s30, s14, $0xb8;
	[tilespmem:$0x18B00] =	vst v63  }
0xef: {  	s30 =	sadd.s32 $0x480, s31  }
0xf0: {  	[tilespmem:s24], [sflag:$0xA] =	stream.indirect.gather [hbm4b:s4+s14], $0x40, s30, s14, $0xb8;
	[tilespmem:$0x18B00] =	vst v63  }
0xf1: {  	s30 =	simm.s32 $0x1  }
0xf2: {  	_ =	swait.ge [sflag:s30], $0x2000  }
0xf3: {  	[sflag:s30] =	ssyncset.done $0x0  }
0xf4: {  	[sflag:s30] =	ssyncadd.s32 $0xFFFFE000;
	s30 =	sadd.s32 $0x1900, s31  }
0xf5: {  	[tilespmem:s15], [sflag:$0xB] =	stream.indirect.gather.add.f32 [hbm:s5], $0x40, s30, s14, $0xb8;
	[tilespmem:$0x18B00] =	vst v63  }
0xf6: {  	s30 =	sadd.s32 $0x3200, s31  }
0xf7: {  	[tilespmem:s15], [sflag:$0xB] =	stream.indirect.gather.add.f32 [hbm:s6], $0x40, s30, s14, $0xb8;
	[tilespmem:$0x18B00] =	vst v63  }
0xf8: {  	s30 =	simm.s32 $0x2  }
0xf9: {  	_ =	swait.ge [sflag:s30], $0x2000  }
0xfa: {  	[sflag:s30] =	ssyncset.done $0x0  }
0xfb: {  	[sflag:s30] =	ssyncadd.s32 $0xFFFFE000;
	s30 =	sadd.s32 $0x1980, s31  }
0xfc: {  	[tilespmem:s16], [sflag:$0xC] =	stream.indirect.gather.add.f32 [hbm:s5], $0x40, s30, s14, $0xb8;
	[tilespmem:$0x18B00] =	vst v63  }
0xfd: {  	s30 =	sadd.s32 $0x3280, s31  }
0xfe: {  	[tilespmem:s16], [sflag:$0xC] =	stream.indirect.gather.add.f32 [hbm:s6], $0x40, s30, s14, $0xb8;
	[tilespmem:$0x18B00] =	vst v63  }
0xff: {  	s30 =	simm.s32 $0x3  }
0x100: {  	_ =	swait.ge [sflag:s30], $0x2000  }
0x101: {  	[sflag:s30] =	ssyncset.done $0x0  }
0x102: {  	[sflag:s30] =	ssyncadd.s32 $0xFFFFE000;
	s30 =	sadd.s32 $0x1A00, s31  }
0x103: {  	[tilespmem:s17], [sflag:$0xD] =	stream.indirect.gather.add.f32 [hbm:s5], $0x40, s30, s14, $0xb8;
	[tilespmem:$0x18B00] =	vst v63  }
0x104: {  	s30 =	sadd.s32 $0x3300, s31  }
0x105: {  	[tilespmem:s17], [sflag:$0xD] =	stream.indirect.gather.add.f32 [hbm:s6], $0x40, s30, s14, $0xb8;
	[tilespmem:$0x18B00] =	vst v63  }
0x106: {  	s30 =	simm.s32 $0x4  }
0x107: {  	_ =	swait.ge [sflag:s30], $0x2000  }
0x108: {  	[sflag:s30] =	ssyncset.done $0x0  }
0x109: {  	[sflag:s30] =	ssyncadd.s32 $0xFFFFE000;
	s30 =	sadd.s32 $0x1A80, s31  }
0x10a: {  	[tilespmem:s18], [sflag:$0xE] =	stream.indirect.gather.add.f32 [hbm:s5], $0x40, s30, s14, $0xb8;
	[tilespmem:$0x18B00] =	vst v63  }
0x10b: {  	s30 =	sadd.s32 $0x3380, s31  }
0x10c: {  	[tilespmem:s18], [sflag:$0xE] =	stream.indirect.gather.add.f32 [hbm:s6], $0x40, s30, s14, $0xb8;
	[tilespmem:$0x18B00] =	vst v63  }
0x10d: {  	s30 =	simm.s32 $0x5  }
0x10e: {  	_ =	swait.ge [sflag:s30], $0x2000  }
0x10f: {  	[sflag:s30] =	ssyncset.done $0x0  }
0x110: {  	[sflag:s30] =	ssyncadd.s32 $0xFFFFE000;
	s30 =	sadd.s32 $0x1B00, s31  }
0x111: {  	[tilespmem:s19], [sflag:$0xF] =	stream.indirect.gather.add.f32 [hbm:s5], $0x40, s30, s14, $0xb8;
	[tilespmem:$0x18B00] =	vst v63  }
0x112: {  	s30 =	sadd.s32 $0x3400, s31  }
0x113: {  	[tilespmem:s19], [sflag:$0xF] =	stream.indirect.gather.add.f32 [hbm:s6], $0x40, s30, s14, $0xb8;
	[tilespmem:$0x18B00] =	vst v63  }
0x114: {  	s30 =	simm.s32 $0x6  }
0x115: {  	_ =	swait.ge [sflag:s30], $0x2000  }
0x116: {  	[sflag:s30] =	ssyncset.done $0x0  }
0x117: {  	[sflag:s30] =	ssyncadd.s32 $0xFFFFE000;
	s30 =	sadd.s32 $0x1B80, s31  }
0x118: {  	[tilespmem:s20], [sflag:$0x10] =	stream.indirect.gather.add.f32 [hbm:s5], $0x40, s30, s14, $0xb8;
	[tilespmem:$0x18B00] =	vst v63  }
0x119: {  	s30 =	sadd.s32 $0x3480, s31  }
0x11a: {  	[tilespmem:s20], [sflag:$0x10] =	stream.indirect.gather.add.f32 [hbm:s6], $0x40, s30, s14, $0xb8;
	[tilespmem:$0x18B00] =	vst v63  }
0x11b: {  	s30 =	simm.s32 $0x7  }
0x11c: {  	_ =	swait.ge [sflag:s30], $0x2000  }
0x11d: {  	[sflag:s30] =	ssyncset.done $0x0  }
0x11e: {  	[sflag:s30] =	ssyncadd.s32 $0xFFFFE000;
	s30 =	sadd.s32 $0x1C00, s31  }
0x11f: {  	[tilespmem:s21], [sflag:$0x11] =	stream.indirect.gather.add.f32 [hbm:s5], $0x40, s30, s14, $0xb8;
	[tilespmem:$0x18B00] =	vst v63  }
0x120: {  	s30 =	sadd.s32 $0x3500, s31  }
0x121: {  	[tilespmem:s21], [sflag:$0x11] =	stream.indirect.gather.add.f32 [hbm:s6], $0x40, s30, s14, $0xb8;
	[tilespmem:$0x18B00] =	vst v63  }
0x122: {  	s30 =	simm.s32 $0x8  }
0x123: {  	_ =	swait.ge [sflag:s30], $0x2000  }
0x124: {  	[sflag:s30] =	ssyncset.done $0x0  }
0x125: {  	[sflag:s30] =	ssyncadd.s32 $0xFFFFE000;
	s30 =	sadd.s32 $0x1C80, s31  }
0x126: {  	[tilespmem:s22], [sflag:$0x12] =	stream.indirect.gather.add.f32 [hbm:s5], $0x40, s30, s14, $0xb8;
	[tilespmem:$0x18B00] =	vst v63  }
0x127: {  	s30 =	sadd.s32 $0x3580, s31  }
0x128: {  	[tilespmem:s22], [sflag:$0x12] =	stream.indirect.gather.add.f32 [hbm:s6], $0x40, s30, s14, $0xb8;
	[tilespmem:$0x18B00] =	vst v63  }
0x129: {  	s30 =	simm.s32 $0x9  }
0x12a: {  	_ =	swait.ge [sflag:s30], $0x2000  }
0x12b: {  	[sflag:s30] =	ssyncset.done $0x0  }
0x12c: {  	[sflag:s30] =	ssyncadd.s32 $0xFFFFE000;
	s30 =	sadd.s32 $0x1D00, s31  }
0x12d: {  	[tilespmem:s23], [sflag:$0x13] =	stream.indirect.gather.add.f32 [hbm:s5], $0x40, s30, s14, $0xb8;
	[tilespmem:$0x18B00] =	vst v63  }
0x12e: {  	s30 =	sadd.s32 $0x3600, s31  }
0x12f: {  	[tilespmem:s23], [sflag:$0x13] =	stream.indirect.gather.add.f32 [hbm:s6], $0x40, s30, s14, $0xb8;
	[tilespmem:$0x18B00] =	vst v63  }
0x130: {  	s30 =	simm.s32 $0xA  }
0x131: {  	_ =	swait.ge [sflag:s30], $0x2000  }
0x132: {  	[sflag:s30] =	ssyncset.done $0x0  }
0x133: {  	[sflag:s30] =	ssyncadd.s32 $0xFFFFE000;
	s30 =	sadd.s32 $0x1D80, s31  }
0x134: {  	[tilespmem:s24], [sflag:$0x14] =	stream.indirect.gather.add.f32 [hbm:s5], $0x40, s30, s14, $0xb8;
	[tilespmem:$0x18B00] =	vst v63  }
0x135: {  	s30 =	sadd.s32 $0x3680, s31  }
0x136: {  	[tilespmem:s24], [sflag:$0x14] =	stream.indirect.gather.add.f32 [hbm:s6], $0x40, s30, s14, $0xb8;
	[tilespmem:$0x18B00] =	vst v63  }
0x137: {  	_ =	swait.ge [sflag:s7], $0x2000  }
0x138: {  	[sflag:s7] =	ssyncset.done $0x0  }
0x139: {  	[sflag:s7] =	ssyncadd.s32 $0xFFFFE000  }
0x13a: {  	_ =	swait.ge [sflag:s7], $0x2000  }
0x13b: {  	s30 =	rddreg [dreg:$0x4];
	[sflag:s7] =	ssyncset.done $0x0  }
0x13c: {  	[sflag:s7] =	ssyncadd.s32 $0xFFFFE000;
	s30 =	sadd.s32 s12, s30  }
0x13d: {  	[hbm4b:s30+s3] =	stream.linear.scatter [tilespmem:s15], [sflag:$0x15], $0x2000, $0x38;
	[tilespmem:$0x18B00] =	vst v63  }
0x13e: {  	_ =	swait.ge [sflag:s8], $0x2000  }
0x13f: {  	[sflag:s8] =	ssyncset.done $0x0  }
0x140: {  	[sflag:s8] =	ssyncadd.s32 $0xFFFFE000  }
0x141: {  	_ =	swait.ge [sflag:s8], $0x2000  }
0x142: {  	s30 =	rddreg [dreg:$0x3];
	[sflag:s8] =	ssyncset.done $0x0  }
0x143: {  	[sflag:s8] =	ssyncadd.s32 $0xFFFFE000;
	s30 =	sadd.s32 s12, s30  }
0x144: {  	[hbm4b:s30+s3] =	stream.linear.scatter [tilespmem:s16], [sflag:$0x16], $0x2000, $0x38;
	[tilespmem:$0x18B00] =	vst v63  }
0x145: {  	_ =	swait.ge [sflag:s9], $0x2000  }
0x146: {  	[sflag:s9] =	ssyncset.done $0x0  }
0x147: {  	[sflag:s9] =	ssyncadd.s32 $0xFFFFE000  }
0x148: {  	_ =	swait.ge [sflag:s9], $0x2000  }
0x149: {  	s30 =	rddreg [dreg:$0xc];
	[sflag:s9] =	ssyncset.done $0x0  }
0x14a: {  	[sflag:s9] =	ssyncadd.s32 $0xFFFFE000;
	s30 =	sadd.s32 s12, s30  }
0x14b: {  	[hbm4b:s30+s3] =	stream.linear.scatter [tilespmem:s17], [sflag:$0x17], $0x2000, $0x38;
	[tilespmem:$0x18B00] =	vst v63  }
0x14c: {  	_ =	swait.ge [sflag:s10], $0x2000  }
0x14d: {  	[sflag:s10] =	ssyncset.done $0x0  }
0x14e: {  	[sflag:s10] =	ssyncadd.s32 $0xFFFFE000  }
0x14f: {  	_ =	swait.ge [sflag:s10], $0x2000  }
0x150: {  	s30 =	rddreg [dreg:$0xb];
	[sflag:s10] =	ssyncset.done $0x0  }
0x151: {  	[sflag:s10] =	ssyncadd.s32 $0xFFFFE000;
	s30 =	sadd.s32 s12, s30  }
0x152: {  	[hbm4b:s30+s3] =	stream.linear.scatter [tilespmem:s18], [sflag:$0x18], $0x2000, $0x38;
	[tilespmem:$0x18B00] =	vst v63  }
0x153: {  	_ =	swait.ge [sflag:s11], $0x2000  }
0x154: {  	[sflag:s11] =	ssyncset.done $0x0  }
0x155: {  	[sflag:s11] =	ssyncadd.s32 $0xFFFFE000  }
0x156: {  	_ =	swait.ge [sflag:s11], $0x2000  }
0x157: {  	s30 =	rddreg [dreg:$0xa];
	[sflag:s11] =	ssyncset.done $0x0  }
0x158: {  	[sflag:s11] =	ssyncadd.s32 $0xFFFFE000;
	s30 =	sadd.s32 s12, s30  }
0x159: {  	[hbm4b:s30+s3] =	stream.linear.scatter [tilespmem:s19], [sflag:$0x19], $0x2000, $0x38;
	[tilespmem:$0x18B00] =	vst v63  }
0x15a: {  	_ =	swait.ge [sflag:s2], $0x2000  }
0x15b: {  	[sflag:s2] =	ssyncset.done $0x0  }
0x15c: {  	[sflag:s2] =	ssyncadd.s32 $0xFFFFE000  }
0x15d: {  	_ =	swait.ge [sflag:s2], $0x2000  }
0x15e: {  	s30 =	rddreg [dreg:$0x9];
	[sflag:s2] =	ssyncset.done $0x0  }
0x15f: {  	[sflag:s2] =	ssyncadd.s32 $0xFFFFE000;
	s30 =	sadd.s32 s12, s30  }
0x160: {  	[hbm4b:s30+s3] =	stream.linear.scatter [tilespmem:s20], [sflag:$0x1A], $0x2000, $0x38;
	[tilespmem:$0x18B00] =	vst v63  }
0x161: {  	_ =	swait.ge [sflag:s25], $0x2000  }
0x162: {  	[sflag:s25] =	ssyncset.done $0x0  }
0x163: {  	[sflag:s25] =	ssyncadd.s32 $0xFFFFE000  }
0x164: {  	_ =	swait.ge [sflag:s25], $0x2000  }
0x165: {  	s30 =	rddreg [dreg:$0x8];
	[sflag:s25] =	ssyncset.done $0x0  }
0x166: {  	[sflag:s25] =	ssyncadd.s32 $0xFFFFE000;
	s30 =	sadd.s32 s12, s30  }
0x167: {  	[hbm4b:s30+s3] =	stream.linear.scatter [tilespmem:s21], [sflag:$0x1B], $0x2000, $0x38;
	[tilespmem:$0x18B00] =	vst v63  }
0x168: {  	_ =	swait.ge [sflag:s26], $0x2000  }
0x169: {  	[sflag:s26] =	ssyncset.done $0x0  }
0x16a: {  	[sflag:s26] =	ssyncadd.s32 $0xFFFFE000  }
0x16b: {  	_ =	swait.ge [sflag:s26], $0x2000  }
0x16c: {  	s30 =	rddreg [dreg:$0x7];
	[sflag:s26] =	ssyncset.done $0x0  }
0x16d: {  	[sflag:s26] =	ssyncadd.s32 $0xFFFFE000;
	s30 =	sadd.s32 s12, s30  }
0x16e: {  	[hbm4b:s30+s3] =	stream.linear.scatter [tilespmem:s22], [sflag:$0x1C], $0x2000, $0x38;
	[tilespmem:$0x18B00] =	vst v63  }
0x16f: {  	_ =	swait.ge [sflag:s28], $0x2000  }
0x170: {  	[sflag:s28] =	ssyncset.done $0x0  }
0x171: {  	[sflag:s28] =	ssyncadd.s32 $0xFFFFE000  }
0x172: {  	_ =	swait.ge [sflag:s28], $0x2000  }
0x173: {  	s30 =	rddreg [dreg:$0x6];
	[sflag:s28] =	ssyncset.done $0x0  }
0x174: {  	[sflag:s28] =	ssyncadd.s32 $0xFFFFE000;
	s30 =	sadd.s32 s12, s30  }
0x175: {  	[hbm4b:s30+s3] =	stream.linear.scatter [tilespmem:s23], [sflag:$0x1D], $0x2000, $0x38;
	[tilespmem:$0x18B00] =	vst v63  }
0x176: {  	_ =	swait.ge [sflag:s29], $0x2000  }
0x177: {  	[sflag:s29] =	ssyncset.done $0x0  }
0x178: {  	[sflag:s29] =	ssyncadd.s32 $0xFFFFE000  }
0x179: {  	_ =	swait.ge [sflag:s29], $0x2000  }
0x17a: {  	s30 =	rddreg [dreg:$0x5];
	[sflag:s29] =	ssyncset.done $0x0  }
0x17b: {  	[sflag:s29] =	ssyncadd.s32 $0xFFFFE000;
	s30 =	sadd.s32 s12, s30  }
0x17c: {  	[hbm4b:s30+s3] =	stream.linear.scatter [tilespmem:s24], [sflag:$0x1E], $0x2000, $0x38;
	[tilespmem:$0x18B00] =	vst v63  }
0x17d: {  	s30 =	simm.s32 $0x15  }
0x17e: {  	_ =	swait.ge [sflag:s30], $0x2000  }
0x17f: {  	[sflag:s30] =	ssyncset.done $0x0  }
0x180: {  	[sflag:s30] =	ssyncadd.s32 $0xFFFFE000;
	s30 =	simm.s32 $0x16  }
0x181: {  	_ =	swait.ge [sflag:s30], $0x2000  }
0x182: {  	[sflag:s30] =	ssyncset.done $0x0  }
0x183: {  	[sflag:s30] =	ssyncadd.s32 $0xFFFFE000;
	s30 =	simm.s32 $0x17  }
0x184: {  	_ =	swait.ge [sflag:s30], $0x2000  }
0x185: {  	[sflag:s30] =	ssyncset.done $0x0  }
0x186: {  	[sflag:s30] =	ssyncadd.s32 $0xFFFFE000;
	s30 =	simm.s32 $0x18  }
0x187: {  	_ =	swait.ge [sflag:s30], $0x2000  }
0x188: {  	[sflag:s30] =	ssyncset.done $0x0  }
0x189: {  	[sflag:s30] =	ssyncadd.s32 $0xFFFFE000;
	s30 =	simm.s32 $0x19  }
0x18a: {  	_ =	swait.ge [sflag:s30], $0x2000  }
0x18b: {  	[sflag:s30] =	ssyncset.done $0x0  }
0x18c: {  	[sflag:s30] =	ssyncadd.s32 $0xFFFFE000;
	s30 =	simm.s32 $0x1A  }
0x18d: {  	_ =	swait.ge [sflag:s30], $0x2000  }
0x18e: {  	[sflag:s30] =	ssyncset.done $0x0  }
0x18f: {  	[sflag:s30] =	ssyncadd.s32 $0xFFFFE000;
	s30 =	simm.s32 $0x1B  }
0x190: {  	_ =	swait.ge [sflag:s30], $0x2000  }
0x191: {  	[sflag:s30] =	ssyncset.done $0x0  }
0x192: {  	[sflag:s30] =	ssyncadd.s32 $0xFFFFE000;
	s30 =	simm.s32 $0x1C  }
0x193: {  	_ =	swait.ge [sflag:s30], $0x2000  }
0x194: {  	[sflag:s30] =	ssyncset.done $0x0  }
0x195: {  	[sflag:s30] =	ssyncadd.s32 $0xFFFFE000;
	s30 =	simm.s32 $0x1D  }
.Ltmp0:
0x196: {  	_ =	swait.ge [sflag:s30], $0x2000;
	(pc) =	sbr.rel @p0 .LBB2_2-.Ltmp0, $4  }
0x197: {  	[sflag:s30] =	ssyncset.done $0x0  }
0x198: {  	[sflag:s30] =	ssyncadd.s32 $0xFFFFE000  }
0x199: {  	_ =	swait.ge [sflag:s0], $0x2000  }
0x19a: {  	s12 =	sadd.s32 $0x2800, s12;
	s30 =	smov.u32 s1;
	[sflag:s0] =	ssyncset.done $0x0  }
0x19b: {  	s13 =	sshra.s32 s13, $0x2;
	[sflag:s0] =	ssyncadd.s32 $0xFFFFE000  }
0x19c: {  	[tilespmem:s15], [sflag:$0x1] =	stream.indirect.gather [hbm4b:s4+s14], $0x40, s13, s14, $0xb8;
	[tilespmem:$0x18B00] =	vst v63  }
0x19d: {  	s1 =	sadd.s32 $0x80, s13  }
0x19e: {  	[tilespmem:s16], [sflag:$0x2] =	stream.indirect.gather [hbm4b:s4+s14], $0x40, s1, s14, $0xb8;
	[tilespmem:$0x18B00] =	vst v63  }
0x19f: {  	s31 =	sadd.s32 $0x100, s13  }
0x1a0: {  	[tilespmem:s17], [sflag:$0x3] =	stream.indirect.gather [hbm4b:s4+s14], $0x40, s31, s14, $0xb8;
	[tilespmem:$0x18B00] =	vst v63  }
0x1a1: {  	s30 =	sadd.s32 $0x180, s13  }
0x1a2: {  	[tilespmem:s18], [sflag:$0x4] =	stream.indirect.gather [hbm4b:s4+s14], $0x40, s30, s14, $0xb8;
	[tilespmem:$0x18B00] =	vst v63  }
0x1a3: {  	s31 =	sadd.s32 $0x200, s13  }
0x1a4: {  	[tilespmem:s19], [sflag:$0x5] =	stream.indirect.gather [hbm4b:s4+s14], $0x40, s31, s14, $0xb8;
	[tilespmem:$0x18B00] =	vst v63  }
0x1a5: {  	s30 =	sadd.s32 $0x280, s13  }
0x1a6: {  	[tilespmem:s20], [sflag:$0x6] =	stream.indirect.gather [hbm4b:s4+s14], $0x40, s30, s14, $0xb8;
	[tilespmem:$0x18B00] =	vst v63  }
0x1a7: {  	s31 =	sadd.s32 $0x300, s13  }
0x1a8: {  	[tilespmem:s21], [sflag:$0x7] =	stream.indirect.gather [hbm4b:s4+s14], $0x40, s31, s14, $0xb8;
	[tilespmem:$0x18B00] =	vst v63  }
0x1a9: {  	s30 =	sadd.s32 $0x380, s13  }
0x1aa: {  	[tilespmem:s22], [sflag:$0x8] =	stream.indirect.gather [hbm4b:s4+s14], $0x40, s30, s14, $0xb8;
	[tilespmem:$0x18B00] =	vst v63  }
0x1ab: {  	s31 =	sadd.s32 $0x400, s13  }
0x1ac: {  	[tilespmem:s23], [sflag:$0x9] =	stream.indirect.gather [hbm4b:s4+s14], $0x40, s31, s14, $0xb8;
	[tilespmem:$0x18B00] =	vst v63  }
0x1ad: {  	s30 =	sadd.s32 $0x480, s13;
	s31 =	simm.s32 $0x1  }
0x1ae: {  	[tilespmem:s24], [sflag:$0xA] =	stream.indirect.gather [hbm4b:s4+s14], $0x40, s30, s14, $0xb8;
	[tilespmem:$0x18B00] =	vst v63  }
0x1af: {  	_ =	swait.ge [sflag:s31], $0x2000  }
0x1b0: {  	[sflag:s31] =	ssyncset.done $0x0  }
0x1b1: {  	s30 =	sadd.s32 $0x1900, s13;
	[sflag:s31] =	ssyncadd.s32 $0xFFFFE000  }
0x1b2: {  	[tilespmem:s15], [sflag:$0xB] =	stream.indirect.gather.add.f32 [hbm:s5], $0x40, s30, s14, $0xb8;
	[tilespmem:$0x18B00] =	vst v63  }
0x1b3: {  	s31 =	sadd.s32 $0x3200, s13;
	s30 =	simm.s32 $0x2  }
0x1b4: {  	[tilespmem:s15], [sflag:$0xB] =	stream.indirect.gather.add.f32 [hbm:s6], $0x40, s31, s14, $0xb8;
	[tilespmem:$0x18B00] =	vst v63  }
0x1b5: {  	_ =	swait.ge [sflag:s30], $0x2000  }
0x1b6: {  	[sflag:s30] =	ssyncset.done $0x0  }
0x1b7: {  	s31 =	sadd.s32 $0x1980, s13;
	[sflag:s30] =	ssyncadd.s32 $0xFFFFE000  }
0x1b8: {  	[tilespmem:s16], [sflag:$0xC] =	stream.indirect.gather.add.f32 [hbm:s5], $0x40, s31, s14, $0xb8;
	[tilespmem:$0x18B00] =	vst v63  }
0x1b9: {  	s30 =	sadd.s32 $0x3280, s13;
	s31 =	simm.s32 $0x3  }
0x1ba: {  	[tilespmem:s16], [sflag:$0xC] =	stream.indirect.gather.add.f32 [hbm:s6], $0x40, s30, s14, $0xb8;
	[tilespmem:$0x18B00] =	vst v63  }
0x1bb: {  	_ =	swait.ge [sflag:s31], $0x2000  }
0x1bc: {  	[sflag:s31] =	ssyncset.done $0x0  }
0x1bd: {  	s30 =	sadd.s32 $0x1A00, s13;
	[sflag:s31] =	ssyncadd.s32 $0xFFFFE000  }
0x1be: {  	[tilespmem:s17], [sflag:$0xD] =	stream.indirect.gather.add.f32 [hbm:s5], $0x40, s30, s14, $0xb8;
	[tilespmem:$0x18B00] =	vst v63  }
0x1bf: {  	s31 =	sadd.s32 $0x3300, s13;
	s30 =	simm.s32 $0x4  }
0x1c0: {  	[tilespmem:s17], [sflag:$0xD] =	stream.indirect.gather.add.f32 [hbm:s6], $0x40, s31, s14, $0xb8;
	[tilespmem:$0x18B00] =	vst v63  }
0x1c1: {  	_ =	swait.ge [sflag:s30], $0x2000  }
0x1c2: {  	[sflag:s30] =	ssyncset.done $0x0  }
0x1c3: {  	s31 =	sadd.s32 $0x1A80, s13;
	[sflag:s30] =	ssyncadd.s32 $0xFFFFE000  }
0x1c4: {  	[tilespmem:s18], [sflag:$0xE] =	stream.indirect.gather.add.f32 [hbm:s5], $0x40, s31, s14, $0xb8;
	[tilespmem:$0x18B00] =	vst v63  }
0x1c5: {  	s30 =	sadd.s32 $0x3380, s13;
	s31 =	simm.s32 $0x5  }
0x1c6: {  	[tilespmem:s18], [sflag:$0xE] =	stream.indirect.gather.add.f32 [hbm:s6], $0x40, s30, s14, $0xb8;
	[tilespmem:$0x18B00] =	vst v63  }
0x1c7: {  	_ =	swait.ge [sflag:s31], $0x2000  }
0x1c8: {  	[sflag:s31] =	ssyncset.done $0x0  }
0x1c9: {  	s30 =	sadd.s32 $0x1B00, s13;
	[sflag:s31] =	ssyncadd.s32 $0xFFFFE000  }
0x1ca: {  	[tilespmem:s19], [sflag:$0xF] =	stream.indirect.gather.add.f32 [hbm:s5], $0x40, s30, s14, $0xb8;
	[tilespmem:$0x18B00] =	vst v63  }
0x1cb: {  	s31 =	sadd.s32 $0x3400, s13;
	s30 =	simm.s32 $0x6  }
0x1cc: {  	[tilespmem:s19], [sflag:$0xF] =	stream.indirect.gather.add.f32 [hbm:s6], $0x40, s31, s14, $0xb8;
	[tilespmem:$0x18B00] =	vst v63  }
0x1cd: {  	_ =	swait.ge [sflag:s30], $0x2000  }
0x1ce: {  	[sflag:s30] =	ssyncset.done $0x0  }
0x1cf: {  	s31 =	sadd.s32 $0x1B80, s13;
	[sflag:s30] =	ssyncadd.s32 $0xFFFFE000  }
0x1d0: {  	[tilespmem:s20], [sflag:$0x10] =	stream.indirect.gather.add.f32 [hbm:s5], $0x40, s31, s14, $0xb8;
	[tilespmem:$0x18B00] =	vst v63  }
0x1d1: {  	s30 =	sadd.s32 $0x3480, s13;
	s31 =	simm.s32 $0x7  }
0x1d2: {  	[tilespmem:s20], [sflag:$0x10] =	stream.indirect.gather.add.f32 [hbm:s6], $0x40, s30, s14, $0xb8;
	[tilespmem:$0x18B00] =	vst v63  }
0x1d3: {  	_ =	swait.ge [sflag:s31], $0x2000  }
0x1d4: {  	[sflag:s31] =	ssyncset.done $0x0  }
0x1d5: {  	s30 =	sadd.s32 $0x1C00, s13;
	[sflag:s31] =	ssyncadd.s32 $0xFFFFE000  }
0x1d6: {  	[tilespmem:s21], [sflag:$0x11] =	stream.indirect.gather.add.f32 [hbm:s5], $0x40, s30, s14, $0xb8;
	[tilespmem:$0x18B00] =	vst v63  }
0x1d7: {  	s31 =	sadd.s32 $0x3500, s13;
	s30 =	simm.s32 $0x8  }
0x1d8: {  	[tilespmem:s21], [sflag:$0x11] =	stream.indirect.gather.add.f32 [hbm:s6], $0x40, s31, s14, $0xb8;
	[tilespmem:$0x18B00] =	vst v63  }
0x1d9: {  	_ =	swait.ge [sflag:s30], $0x2000  }
0x1da: {  	[sflag:s30] =	ssyncset.done $0x0  }
0x1db: {  	s31 =	sadd.s32 $0x1C80, s13;
	[sflag:s30] =	ssyncadd.s32 $0xFFFFE000  }
0x1dc: {  	[tilespmem:s22], [sflag:$0x12] =	stream.indirect.gather.add.f32 [hbm:s5], $0x40, s31, s14, $0xb8;
	[tilespmem:$0x18B00] =	vst v63  }
0x1dd: {  	s30 =	sadd.s32 $0x3580, s13;
	s31 =	simm.s32 $0x9  }
0x1de: {  	[tilespmem:s22], [sflag:$0x12] =	stream.indirect.gather.add.f32 [hbm:s6], $0x40, s30, s14, $0xb8;
	[tilespmem:$0x18B00] =	vst v63  }
0x1df: {  	_ =	swait.ge [sflag:s31], $0x2000  }
0x1e0: {  	[sflag:s31] =	ssyncset.done $0x0  }
0x1e1: {  	s30 =	sadd.s32 $0x1D00, s13;
	[sflag:s31] =	ssyncadd.s32 $0xFFFFE000  }
0x1e2: {  	[tilespmem:s23], [sflag:$0x13] =	stream.indirect.gather.add.f32 [hbm:s5], $0x40, s30, s14, $0xb8;
	[tilespmem:$0x18B00] =	vst v63  }
0x1e3: {  	s31 =	sadd.s32 $0x3600, s13;
	s30 =	simm.s32 $0xA  }
0x1e4: {  	[tilespmem:s23], [sflag:$0x13] =	stream.indirect.gather.add.f32 [hbm:s6], $0x40, s31, s14, $0xb8;
	[tilespmem:$0x18B00] =	vst v63  }
0x1e5: {  	_ =	swait.ge [sflag:s30], $0x2000  }
0x1e6: {  	[sflag:s30] =	ssyncset.done $0x0  }
0x1e7: {  	s31 =	sadd.s32 $0x1D80, s13;
	[sflag:s30] =	ssyncadd.s32 $0xFFFFE000  }
0x1e8: {  	[tilespmem:s24], [sflag:$0x14] =	stream.indirect.gather.add.f32 [hbm:s5], $0x40, s31, s14, $0xb8;
	[tilespmem:$0x18B00] =	vst v63  }
0x1e9: {  	s30 =	sadd.s32 $0x3680, s13  }
0x1ea: {  	[tilespmem:s24], [sflag:$0x14] =	stream.indirect.gather.add.f32 [hbm:s6], $0x40, s30, s14, $0xb8;
	[tilespmem:$0x18B00] =	vst v63  }
0x1eb: {  	_ =	swait.ge [sflag:s7], $0x2000  }
0x1ec: {  	[sflag:s7] =	ssyncset.done $0x0  }
0x1ed: {  	[sflag:s7] =	ssyncadd.s32 $0xFFFFE000  }
0x1ee: {  	_ =	swait.ge [sflag:s7], $0x2000  }
0x1ef: {  	s31 =	rddreg [dreg:$0x4];
	[sflag:s7] =	ssyncset.done $0x0  }
0x1f0: {  	[sflag:s7] =	ssyncadd.s32 $0xFFFFE000;
	s1 =	sadd.s32 s12, s31  }
0x1f1: {  	[hbm4b:s1+s3] =	stream.linear.scatter [tilespmem:s15], [sflag:$0x15], $0x2000, $0x38;
	[tilespmem:$0x18B00] =	vst v63  }
0x1f2: {  	_ =	swait.ge [sflag:s8], $0x2000  }
0x1f3: {  	[sflag:s8] =	ssyncset.done $0x0  }
0x1f4: {  	[sflag:s8] =	ssyncadd.s32 $0xFFFFE000  }
0x1f5: {  	_ =	swait.ge [sflag:s8], $0x2000  }
0x1f6: {  	s13 =	rddreg [dreg:$0x3];
	[sflag:s8] =	ssyncset.done $0x0  }
0x1f7: {  	[sflag:s8] =	ssyncadd.s32 $0xFFFFE000;
	s1 =	sadd.s32 s12, s13  }
0x1f8: {  	[hbm4b:s1+s3] =	stream.linear.scatter [tilespmem:s16], [sflag:$0x16], $0x2000, $0x38;
	[tilespmem:$0x18B00] =	vst v63  }
0x1f9: {  	_ =	swait.ge [sflag:s9], $0x2000  }
0x1fa: {  	[sflag:s9] =	ssyncset.done $0x0  }
0x1fb: {  	[sflag:s9] =	ssyncadd.s32 $0xFFFFE000  }
0x1fc: {  	_ =	swait.ge [sflag:s9], $0x2000  }
0x1fd: {  	s30 =	rddreg [dreg:$0xc];
	[sflag:s9] =	ssyncset.done $0x0  }
0x1fe: {  	[sflag:s9] =	ssyncadd.s32 $0xFFFFE000;
	s1 =	sadd.s32 s12, s30  }
0x1ff: {  	[hbm4b:s1+s3] =	stream.linear.scatter [tilespmem:s17], [sflag:$0x17], $0x2000, $0x38;
	[tilespmem:$0x18B00] =	vst v63  }
0x200: {  	_ =	swait.ge [sflag:s10], $0x2000  }
0x201: {  	[sflag:s10] =	ssyncset.done $0x0  }
0x202: {  	[sflag:s10] =	ssyncadd.s32 $0xFFFFE000  }
0x203: {  	_ =	swait.ge [sflag:s10], $0x2000  }
0x204: {  	s31 =	rddreg [dreg:$0xb];
	[sflag:s10] =	ssyncset.done $0x0  }
0x205: {  	[sflag:s10] =	ssyncadd.s32 $0xFFFFE000;
	s1 =	sadd.s32 s12, s31  }
0x206: {  	[hbm4b:s1+s3] =	stream.linear.scatter [tilespmem:s18], [sflag:$0x18], $0x2000, $0x38;
	[tilespmem:$0x18B00] =	vst v63  }
0x207: {  	_ =	swait.ge [sflag:s11], $0x2000  }
0x208: {  	[sflag:s11] =	ssyncset.done $0x0  }
0x209: {  	[sflag:s11] =	ssyncadd.s32 $0xFFFFE000  }
0x20a: {  	_ =	swait.ge [sflag:s11], $0x2000  }
0x20b: {  	s13 =	rddreg [dreg:$0xa];
	[sflag:s11] =	ssyncset.done $0x0  }
0x20c: {  	[sflag:s11] =	ssyncadd.s32 $0xFFFFE000;
	s1 =	sadd.s32 s12, s13  }
0x20d: {  	[hbm4b:s1+s3] =	stream.linear.scatter [tilespmem:s19], [sflag:$0x19], $0x2000, $0x38;
	[tilespmem:$0x18B00] =	vst v63  }
0x20e: {  	_ =	swait.ge [sflag:s2], $0x2000  }
0x20f: {  	[sflag:s2] =	ssyncset.done $0x0  }
0x210: {  	[sflag:s2] =	ssyncadd.s32 $0xFFFFE000  }
0x211: {  	_ =	swait.ge [sflag:s2], $0x2000  }
0x212: {  	s30 =	rddreg [dreg:$0x9];
	[sflag:s2] =	ssyncset.done $0x0  }
0x213: {  	[sflag:s2] =	ssyncadd.s32 $0xFFFFE000;
	s1 =	sadd.s32 s12, s30  }
0x214: {  	[hbm4b:s1+s3] =	stream.linear.scatter [tilespmem:s20], [sflag:$0x1A], $0x2000, $0x38;
	[tilespmem:$0x18B00] =	vst v63  }
0x215: {  	_ =	swait.ge [sflag:s25], $0x2000  }
0x216: {  	[sflag:s25] =	ssyncset.done $0x0  }
0x217: {  	[sflag:s25] =	ssyncadd.s32 $0xFFFFE000  }
0x218: {  	_ =	swait.ge [sflag:s25], $0x2000  }
0x219: {  	s31 =	rddreg [dreg:$0x8];
	[sflag:s25] =	ssyncset.done $0x0  }
0x21a: {  	[sflag:s25] =	ssyncadd.s32 $0xFFFFE000;
	s1 =	sadd.s32 s12, s31  }
0x21b: {  	[hbm4b:s1+s3] =	stream.linear.scatter [tilespmem:s21], [sflag:$0x1B], $0x2000, $0x38;
	[tilespmem:$0x18B00] =	vst v63  }
0x21c: {  	_ =	swait.ge [sflag:s26], $0x2000  }
0x21d: {  	[sflag:s26] =	ssyncset.done $0x0  }
0x21e: {  	[sflag:s26] =	ssyncadd.s32 $0xFFFFE000  }
0x21f: {  	_ =	swait.ge [sflag:s26], $0x2000  }
0x220: {  	s13 =	rddreg [dreg:$0x7];
	[sflag:s26] =	ssyncset.done $0x0  }
0x221: {  	[sflag:s26] =	ssyncadd.s32 $0xFFFFE000;
	s1 =	sadd.s32 s12, s13  }
0x222: {  	[hbm4b:s1+s3] =	stream.linear.scatter [tilespmem:s22], [sflag:$0x1C], $0x2000, $0x38;
	[tilespmem:$0x18B00] =	vst v63  }
0x223: {  	_ =	swait.ge [sflag:s28], $0x2000  }
0x224: {  	[sflag:s28] =	ssyncset.done $0x0  }
0x225: {  	[sflag:s28] =	ssyncadd.s32 $0xFFFFE000  }
0x226: {  	_ =	swait.ge [sflag:s28], $0x2000  }
0x227: {  	s30 =	rddreg [dreg:$0x6];
	[sflag:s28] =	ssyncset.done $0x0  }
0x228: {  	[sflag:s28] =	ssyncadd.s32 $0xFFFFE000;
	s1 =	sadd.s32 s12, s30  }
0x229: {  	[hbm4b:s1+s3] =	stream.linear.scatter [tilespmem:s23], [sflag:$0x1D], $0x2000, $0x38;
	[tilespmem:$0x18B00] =	vst v63  }
0x22a: {  	_ =	swait.ge [sflag:s29], $0x2000  }
0x22b: {  	[sflag:s29] =	ssyncset.done $0x0  }
0x22c: {  	[sflag:s29] =	ssyncadd.s32 $0xFFFFE000  }
0x22d: {  	_ =	swait.ge [sflag:s29], $0x2000  }
0x22e: {  	s31 =	rddreg [dreg:$0x5];
	[sflag:s29] =	ssyncset.done $0x0  }
0x22f: {  	s13 =	simm.s32 $0x15;
	s1 =	sadd.s32 s12, s31;
	[sflag:s29] =	ssyncadd.s32 $0xFFFFE000  }
0x230: {  	[hbm4b:s1+s3] =	stream.linear.scatter [tilespmem:s24], [sflag:$0x1E], $0x2000, $0x38;
	[tilespmem:$0x18B00] =	vst v63  }
0x231: {  	_ =	swait.ge [sflag:s13], $0x2000  }
0x232: {  	[sflag:s13] =	ssyncset.done $0x0  }
0x233: {  	s30 =	simm.s32 $0x16;
	[sflag:s13] =	ssyncadd.s32 $0xFFFFE000  }
0x234: {  	_ =	swait.ge [sflag:s30], $0x2000  }
0x235: {  	[sflag:s30] =	ssyncset.done $0x0  }
0x236: {  	s31 =	simm.s32 $0x17;
	[sflag:s30] =	ssyncadd.s32 $0xFFFFE000  }
0x237: {  	_ =	swait.ge [sflag:s31], $0x2000  }
0x238: {  	[sflag:s31] =	ssyncset.done $0x0  }
0x239: {  	s12 =	simm.s32 $0x18;
	[sflag:s31] =	ssyncadd.s32 $0xFFFFE000  }
0x23a: {  	_ =	swait.ge [sflag:s12], $0x2000  }
0x23b: {  	[sflag:s12] =	ssyncset.done $0x0  }
0x23c: {  	s13 =	simm.s32 $0x19;
	[sflag:s12] =	ssyncadd.s32 $0xFFFFE000  }
0x23d: {  	_ =	swait.ge [sflag:s13], $0x2000  }
0x23e: {  	[sflag:s13] =	ssyncset.done $0x0  }
0x23f: {  	s30 =	simm.s32 $0x1A;
	[sflag:s13] =	ssyncadd.s32 $0xFFFFE000  }
0x240: {  	_ =	swait.ge [sflag:s30], $0x2000  }
0x241: {  	[sflag:s30] =	ssyncset.done $0x0  }
0x242: {  	s31 =	simm.s32 $0x1B;
	[sflag:s30] =	ssyncadd.s32 $0xFFFFE000  }
0x243: {  	_ =	swait.ge [sflag:s31], $0x2000  }
0x244: {  	[sflag:s31] =	ssyncset.done $0x0  }
0x245: {  	s12 =	simm.s32 $0x1C;
	[sflag:s31] =	ssyncadd.s32 $0xFFFFE000  }
0x246: {  	_ =	swait.ge [sflag:s12], $0x2000  }
0x247: {  	[sflag:s12] =	ssyncset.done $0x0  }
0x248: {  	s13 =	simm.s32 $0x1D;
	[sflag:s12] =	ssyncadd.s32 $0xFFFFE000  }
0x249: {  	_ =	swait.ge [sflag:s13], $0x2000  }
0x24a: {  	[sflag:s13] =	ssyncset.done $0x0  }
0x24b: {  	[sflag:s13] =	ssyncadd.s32 $0xFFFFE000  }
0x24c: {  	_ =	swait.ge [sflag:s0], $0x2000  }
0x24d: {  	s30 =	rddreg [dreg:$0x11]  }
0x24e: {  	s31 =	rddreg [dreg:$0x10];
	s12 =	sadd.s32 $0x1, s30  }
0x24f: {  	p0 =	sne.s32 s12, s31  }
.Ltmp1:
0x250: {  	_ = 	snop;
	(pc) =	sbr.rel @p0 .LBB2_1-.Ltmp1, $3  }
0x251: {  	_ =	sdelay $0x1  }
0x252: {  	[sflag:s0] =	ssyncset.done $0x0  }
0x253: {  	[sflag:s0] =	ssyncadd.s32 $0xFFFFE000  }
0x254: {  	_ =	sfence.sel $0x180000  }
0x255: {  	[bflag:$0x0] =	sbarrier.arrive $0xFFFF  }
0x256: {  	_ =	strace $0x90000047  }
0x257: {  	s0 =	stileid.u32;
	[bflag:$0x2] =	sbarrier.arrive $0xFFFF  }
0x258: {  	p0 =	sne.s32 s0, $0x0;
	s0 =	rddreg [dreg:$0x2]  }
0x259: {  	s0 =	sadd.s32 @!p0 $0x100000, s0  }
0x25a: {  	[sflag:s0] =	ssyncadd.tile.s32 @!p0 $0x1;
	_ =	shalt  }
.Lfunc_end2:
_tile_overlayer_lowered:
.L_overlay_start_2:
0x25b: {  	(tag) =	ssettag $0x2  }
0x25c: {  	s0 =	rddreg [dreg:$0x0];
	s2 =	stileid.u32  }
0x25d: {  	s1 =	rddreg [dreg:$0x1];
	p0 =	sne.s32 s2, $0x0  }
0x25e: {  	s3 =	rddreg [dreg:$0x2];
	[bflag:$0x3] =	sbarrier.arrive $0xFFFF;
	s2 =	simm.s32 @!p0 $0x1C1F  }
0x25f: {  	[timem:s3], [sflag:s2] =	dma.local @!p0 [hbm:s0], s1  }
0x260: {  	s0 =	simm.s32 @!p0 $0x1F  }
0x261: {  	_ =	swait.ge @!p0 [sflag:s0], s1  }
0x262: {  	s1 =	ssub.s32 @!p0 $0x0, s1;
	[sflag:s0] =	ssyncset.done @!p0 $0x0  }
0x263: {  	[sflag:s0] =	ssyncadd.s32 @!p0 s1  }
0x264: {  	[bflag:$0x3] =	sbarrier.arrive $0xFFFF  }
0x265: {  	_ =	shalt  }

// kernel: sparse-core-data-format-call.cloned.1.call-start
scs
called_computation_lowered:
.L_overlay_start_0:
0x0: {  	s2 =	sld [smem:$0x3FD9]  }
0x1: {  	s3 =	sld [smem:$0x3FFE];
	_ =	sdelay $0x1  }
0x2: {  	s1 =	srdreg.scid  }
0x3: {  	s0 =	sand.u32 $0x1, s1  }
0x4: {  	s18 =	sshll.u32 s0, $0xA;
	s2 =	sadd.s32 s3, s2  }
0x5: {  	s2 =	sadd.s32 s2, s18  }
0x6: {  	[smem:$0x3FC2] =	sst s2  }
0x7: {  	_ = 	snop  }
0x8: {  	s2 =	sld [smem:$0x3FD0];
	(tm) =	ssettm $0x1  }
0x9: {  	s19 =	sld [smem:$0x3FFB];
	_ =	sdelay $0x3  }
0xa: {  	_ =	strace s19  }
0xb: {  	s3 =	sld [smem:$0x3FFC];
	_ =	sdelay $0x3  }
0xc: {  	_ =	strace s3  }
0xd: {  	s3 =	sld [smem:$0x3FFD];
	_ =	sdelay $0x3  }
0xe: {  	_ =	strace s3  }
0xf: {  	_ =	strace $0x8FFFFFFF  }
0x10: {  	s20 =	sld [smem:$0x3FDB];
	_ =	sdelay $0x1  }
0x11: {  	s4 =	simm.s32 $_scs_section_size  }
0x12: {  	s5 =	simm.s32 $_size__tile_overlayer_lowered;
	s6 =	simm.s32 $_tile_overlayer_lowered  }
0x13: {  	s23 =	simm.s32 $0x1BFF;
	s22 =	sshll.u32 s6, $0x1;
	s3 =	sadd.s32 s4, s20  }
0x14: {  	s7 =	simm.s32 $0x0;
	s21 =	sshll.u32 s5, $0x1;
	s5 =	sadd.s32 s22, s3  }
0x15: {  	[timem:s7], [sflag:s23] =	dma.local [hbm:s5], s21  }
0x16: {  	_ =	swait.ge [sflag:s23], s21  }
0x17: {  	s4 =	ssub.s32 $0x0, s21;
	[sflag:s23] =	ssyncset.done $0x0  }
0x18: {  	[sflag:s23] =	ssyncadd.s32 s4;
	_ =	sdelay $0x1  }
0x19: {  	s24 =	simm.s32 $0x1B8B  }
0x1a: {  	_ =	swait.ge [sflag:s24], $0x1  }
0x1b: {  	[sflag:s24] =	ssyncset.done $0x0  }
0x1c: {  	s26 =	simm.s32 $0x1B8E;
	s25 =	sld [smem:$0x3FFE];
	[sflag:s24] =	ssyncadd.s32 $0xFFFFFFFF  }
0x1d: {  	s27 =	simm.s32 $execute0_lowered;
	[smem:$0x3FD2] =	sst s26  }
0x1e: {  	s5 =	sshll.u32 s27, $0x1;
	_ =	strace $0x80000049;
	[dreg:$0x1] =	wrdreg $0xFFFFFFFF  }
0x1f: {  	s28 =	simm.s32 $_size_execute0_lowered;
	s3 =	sadd.s32 s3, s5;
	[dreg:$0x0] =	wrdreg $0x0  }
0x20: {  	s5 =	sshll.u32 s28, $0x1;
	[dreg:$0x2] =	wrdreg s3  }
0x21: {  	[dreg:$0x3] =	wrdreg s5  }
0x22: {  	[dreg:$0x4] =	wrdreg $0xC0  }
0x23: {  	_ =	task [dreg:s7], $0x5FFFF  }
0x24: {  	[dreg:$0x1] =	wrdreg $0xFFFFFFFF  }
0x25: {  	[dreg:$0x0] =	wrdreg $0x60  }
0x26: {  	[dreg:$0x2] =	wrdreg s25  }
0x27: {  	[dreg:$0x3] =	wrdreg s2  }
0x28: {  	[dreg:$0x4] =	wrdreg $0x9  }
0x29: {  	_ =	task.clear_ibuf [dreg:s7], $0x5FFFF;
	_ =	strace $0x90000049  }
0x2a: {  	s29 =	simm.s32 $0x9;
	_ =	strace $0x8000004B  }
0x2b: {  	_ =	swait.ge [sflag:s29], $0x1  }
0x2c: {  	[sflag:s29] =	ssyncadd.s32 $0xFFFFFFFF  }
0x2d: {  	_ =	strace $0x9000004B  }
0x2e: {  	_ =	sfence  }
0x2f: {  	s30 =	sld [smem:$0x0];
	_ =	sdelay $0x2  }
0x30: {  	s31 =	sshll.u32 s1, $0xD;
	s1 =	sshrl.u32 s1, $0x2  }
0x31: {  	s3 =	sand.u32 $0x4000, s31;
	s1 =	sadd.s32 s1, s30  }
0x32: {  	s0 =	sor.u32 s3, s0;
	s1 =	sshll.u32 s1, $0x11  }
0x33: {  	s0 =	sor.u32 s1, s0  }
0x34: {  	s0 =	sadd.s32 $0x8F2B, s0  }
0x35: {  	[sflag:s0] =	ssyncadd.remote.s32 $0x1  }
0x36: {  	_ =	sfence.sel $0xFFFF  }
0x37: {  	[dreg:$0x0] =	wrdreg $0xFFFFFFFF;
	(pc) =	sbr.abs _section_cstart, $3  }
0x38: {  	[dreg:$0x1] =	wrdreg $0xFFFFFFFF  }
0x39: {  	_ =	task.clear_ibuf [dreg:s7], $0x2FFFF;
	_ =	strace $0x9FFFFFFF  }
0x3a: {  	(tm) =	ssettm $0x7FFFFFFF  }
0x3b: {  	_ =	shalt  }
tec
execute0_lowered:
.L_overlay_start_1:
0x0: {  	(tag) =	ssettag $0x1  }
0x1: {  	s0 =	srdreg.scid  }
0x2: {  	s1 =	sshll.u32 s0, $0x4  }
0x3: {  	s0 =	stileid.u32;
	s1 =	sand.u32 $0x10, s1  }
0x4: {  	s1 =	sor.u32 s0, s1  }
0x5: {  	s6 =	rddreg [dreg:$0x0];
	s4 =	simm.s32 $0x1;
	s2 =	sshll.u32 s1, $0x7  }
0x6: {  	s7 =	simm.s32 $0x2;
	s12 =	simm.s32 $0x0;
	s1 =	ssub.s32 $0x1000, s2  }
0x7: {  	s8 =	simm.s32 $0x8000;
	s13 =	simm.s32 $0x0;
	s3 =	sand.u32 $0xF80, s1  }
0x8: {  	s9 =	simm.s32 $0x0;
	s5 =	sshrl.u32 s1, $0xC;
	p0 =	sne.s32 s3, $0x0  }
.Ltmp0:
0x9: {  	s1 =	rddreg [dreg:$0x2];
	s4 =	simm.s32 @!p0 $0x0;
	(pc) =	sbr.rel .LBB1_1-.Ltmp0, $4  }
0xa: {  	s11 =	simm.s32 $0x0;
	s3 =	rddreg [dreg:$0x1];
	s5 =	sadd.s32 s4, s5  }
0xb: {  	_ =	strace $0x8000004A;
	s4 =	simm.s32 $0x1;
	s5 =	smul.u32 $0x32, s5  }
0xc: {  	s6 =	sadd.s32 $0x1200, s6;
	s10 =	smov.u32 s2;
	[sflag:s4] =	ssyncpa.u1 $0x0  }
0xd: {  	p0 =	por $0x0, $0x0;
	[sflag:s7] =	ssyncpa.u1 $0x0;
	s7 =	sor.u32 $0x1, s5  }
.LBB1_4:
0xe: {  	s16 =	sshll.u32 s13, $0x3;
	s17 =	sand.u32 $0x78, s13  }
0xf: {  	s30 =	sand.u32 $0x7E00, s13;
	s12 =	sshll.u32 s12, $0xF;
	s16 =	sand.u32 $0xC00, s16  }
0x10: {  	[tilespmem:s15+$0x810 ss:$0x81] =	vst.msk $0xffff, v2;
	s31 =	sand.u32 $0x7, s13;
	s16 =	sor.u32 s17, s16;
	s17 =	sadd.s32 s3, s30  }
0x11: {  	[tilespmem:s15+$0x1020 ss:$0x81] =	vst.msk $0xffff, v0;
	s13 =	sshll.u32 s31, $0x12;
	s12 =	sadd.s32 s12, s17;
	s16 =	sshrl.u32 s16, $0x3  }
0x12: {  	[tilespmem:s15+$0x0 ss:$0x81] =	vst.msk $0xffff, v1;
	s13 =	sor.u32 $0x400, s13;
	s12 =	sadd.s32 s16, s12  }
0x13: {  	[hbm4b:s12+s13] =	stream.strided.scatter [tilespmem:s14], [sflag:$0x2], $0x2000, s8, s13, $0x20;
	[tilespmem:$0x8080] =	vst v63  }
.LBB1_5:
0x14: {  	s14 =	sadd.s32 $0x1, s9  }
0x15: {  	s12 =	sadd.s32 $0x1000, s10;
	s16 =	smov.u32 s10;
	p2 =	sgt.s32 s14, $0x31  }
0x16: {  	s16 =	smov.u32 @p2 s12  }
0x17: {  	s14 =	simm.s32 @p2 $0x0;
	p2 =	sgt.s32 s16, $0xFFF  }
0x18: {  	s16 =	smov.u32 @p2 s2;
	p2 =	sne.s32 s11, s7  }
.Ltmp1:
0x19: {  	p1 =	slt.u32 s11, $0x2;
	(pc) =	sbr.rel @!p2 .LBB1_6-.Ltmp1, $4  }
0x1a: {  	s15 =	simm.s32 @!p1 $0x2  }
0x1b: {  	s13 =	smov.u32 s10;
	p0 =	por !p0, !p0;
	_ =	swait.ge @!p1 [sflag:s15], $0x2000  }
0x1c: {  	s12 =	smov.u32 s9;
	[sflag:s15] =	ssyncset.done @!p1 $0x0;
	s9 =	smov.u32 s14  }
0x1d: {  	s11 =	sadd.s32 $0x1, s11;
	[sflag:s15] =	ssyncadd.s32 @!p1 $0xFFFFE000;
	s10 =	smov.u32 s16  }
.LBB1_1:
0x1e: {  	p1 =	sge.u32 s11, s5  }
0x1f: {  	s14 =	sand.u32 @!p1 $0x1FFFFFF, s9  }
0x20: {  	s15 =	smulhi.u32 @!p1 $0x4924925, s14;
	_ =	sdelay $0x1  }
0x21: {  	s15 =	smul.u32 @!p1 $0x38, s15  }
0x22: {  	s16 =	sxor.u32 @!p1 $0xFFFFFFFF, s11;
	s17 =	smul.u32 @!p1 $0x380, s10  }
0x23: {  	s31 =	sadd.s32 $0xFFFFFFFF, s11;
	s16 =	sshll.u32 @!p1 s16, $0xD;
	s14 =	ssub.s32 @!p1 s14, s15  }
0x24: {  	s15 =	sand.u32 @!p1 $0x2000, s16;
	s16 =	sadd.s32 @!p1 s6, s17;
	s14 =	sshll.u32 @!p1 s14, $0x4  }
0x25: {  	s17 =	simm.s32 @!p1 $0x1C00;
	s14 =	sadd.s32 @!p1 s14, s16;
	s16 =	simm.s32 @!p1 $0x40  }
0x26: {  	[tilespmem:s15], [sflag:$0x1] =	stream.strided.gather @!p1 [hbm4b:s14+s16], $0x2000, s17, s16, $0x38;
	[tilespmem:$0x8080] =	vst v63  }
0x27: {  	p1 =	sge.u32 s31, s5  }
.Ltmp2:
0x28: {  	_ = 	snop;
	(pc) =	sbr.rel @p1 .LBB1_5-.Ltmp2, $1  }
0x29: {  	_ =	sdelay $0x3  }
0x2a: {  	s14 =	simm.s32 $0x1  }
0x2b: {  	_ =	swait.ge [sflag:s4], $0x2000;
	s14 =	simm.s32 @!p0 $0x0  }
0x2c: {  	[sflag:s4] =	ssyncset.done $0x0;
	s15 =	sshll.u32 s14, $0xD  }
0x2d: {  	[sflag:s4] =	ssyncadd.s32 $0xFFFFE000;
	s18 =	sor.u32 $0x20, s15  }
0x2e: {  	s14 =	smul.u32 $0x8100, s14;
	v3 =	vld [tilespmem:s18+$0x10]  }
0x2f: {  	s30 =	sand.u32 $0x1, s11;
	v2 =	vld [tilespmem:s18+$0xFFFFFFF0]  }
0x30: {  	s15 =	smul.u32 $0x8100, s30;
	s14 =	sshrl.u32 s14, $0x2;
	v0 =	vld [tilespmem:s18+$0x0]  }
0x31: {  	v1 =	vld [tilespmem:s18+$0xFFFFFFE0];
	s16 =	sor.u32 $0x4000, s14  }
0x32: {  	s31 =	sshrl.u32 s15, $0x2;
	s15 =	sadd.s32 $0x0, s16  }
0x33: {  	s17 =	simm.s32 $0x4;
	s18 =	sadd.s32 $0x40, s18;
	s14 =	sor.u32 $0x4000, s31;
	[tilespmem:s15+$0x1830 ss:$0x81] =	vst.msk $0xffff, v3  }
.LBB1_3:
0x34: {  	v3 =	vld [tilespmem:s18+$0x10];
	p1 =	sne.s32 s17, $0x1FC;
	[tilespmem:s15+$0x810 ss:$0x81] =	vst.msk $0xffff, v2;
	s19 =	smov.u32 s17;
	s17 =	sadd.s32 $0x4, s17  }
.Ltmp3:
0x35: {  	v2 =	vld [tilespmem:s18+$0xFFFFFFF0];
	[tilespmem:s15+$0x1020 ss:$0x81] =	vst.msk $0xffff, v0;
	(pc) =	sbr.rel @p1 .LBB1_3-.Ltmp3, $4  }
0x36: {  	v0 =	vld [tilespmem:s18+$0x0];
	[tilespmem:s15+$0x0 ss:$0x81] =	vst.msk $0xffff, v1  }
0x37: {  	s15 =	sshra.s32 s19, $0x2;
	v1 =	vld [tilespmem:s18+$0xFFFFFFE0]  }
0x38: {  	s15 =	sadd.s32 s15, s16  }
0x39: {  	s18 =	sadd.s32 $0x40, s18;
	[tilespmem:s15+$0x1830 ss:$0x81] =	vst.msk $0xffff, v3  }
.Ltmp4:
0x3a: {  	_ = 	snop;
	(pc) =	sbr.rel .LBB1_4-.Ltmp4, $1  }
0x3b: {  	_ =	sdelay $0x3  }
.LBB1_6:
0x3c: {  	_ =	sfence.sel $0x180000  }
0x3d: {  	s2 =	simm.s32 $0x1;
	[bflag:$0x0] =	sbarrier.arrive $0xFFFF  }
0x3e: {  	s31 =	simm.s32 $0x2;
	[sflag:s2] =	ssyncpa.u1 $0x1  }
0x3f: {  	[sflag:s31] =	ssyncpa.u1 $0x1  }
0x40: {  	p0 =	sne.s32 s0, $0x0;
	_ =	strace $0x9000004A  }
0x41: {  	s0 =	sadd.s32 @!p0 $0x100000, s1;
	[bflag:$0x2] =	sbarrier.arrive $0xFFFF  }
0x42: {  	[sflag:s0] =	ssyncadd.tile.s32 @!p0 $0x1;
	_ =	shalt  }
.Lfunc_end1:
_tile_overlayer_lowered:
.L_overlay_start_2:
0x43: {  	(tag) =	ssettag $0x2  }
0x44: {  	s0 =	rddreg [dreg:$0x0];
	s2 =	stileid.u32  }
0x45: {  	s1 =	rddreg [dreg:$0x1];
	p0 =	sne.s32 s2, $0x0  }
0x46: {  	s3 =	rddreg [dreg:$0x2];
	[bflag:$0x3] =	sbarrier.arrive $0xFFFF;
	s2 =	simm.s32 @!p0 $0x1C01  }
0x47: {  	[timem:s3], [sflag:s2] =	dma.local @!p0 [hbm:s0], s1  }
0x48: {  	s0 =	simm.s32 @!p0 $0x1  }
0x49: {  	_ =	swait.ge @!p0 [sflag:s0], s1  }
0x4a: {  	s1 =	ssub.s32 @!p0 $0x0, s1;
	[sflag:s0] =	ssyncset.done @!p0 $0x0  }
0x4b: {  	[sflag:s0] =	ssyncadd.s32 @!p0 s1  }
0x4c: {  	[bflag:$0x3] =	sbarrier.arrive $0xFFFF  }
0x4d: {  	_ =	shalt  }

</sc_bundles>
